<compile_context>
chip_gen: v7x
topology: tpu7x:2x2x1
jax: 0.10.2.dev20260603
libtpu: 0.0.44.dev20260713+nightly
codegen_flags: <defaults>
</compile_context>

<pallas_src>
import functools

import jax
import jax.numpy as jnp
from jax import lax
from jax.experimental import pallas as pl
from jax.experimental.pallas import tpu as pltpu
from jax.experimental.pallas import tpu_sc as plsc

N = 10000
E = 320000
D_IN = 128
D_H = 64
G = 64

NC = 2
NS = 16
NT = NC * NS
EPT = E // NT
CH = 80
U = 5
NCHUNK = EPT // CH
NGRP = NCHUNK // U
NPAD = 10240
RPT = NPAD // NS
ZR = 128

_mesh = plsc.VectorSubcoreMesh(core_axis_name="c", subcore_axis_name="s")
_sc_params = pltpu.CompilerParams(use_tc_tiling_on_sc=False)


def _zero_fill(ref, nrows, width):
    def body(r, carry):
        for cix in range(width // 16):
            ref[r, pl.ds(cix * 16, 16)] = jnp.zeros((16,), jnp.float32)
        return carry
    lax.fori_loop(0, nrows, body, 0)


@functools.partial(
    pl.kernel,
    out_type=jax.ShapeDtypeStruct((NC, NPAD), jnp.float32),
    mesh=_mesh,
    scratch_types=[
        [pltpu.VMEM((CH,), jnp.int32)] * U,
        pltpu.VMEM((CH,), jnp.float32),
        pltpu.VMEM((RPT,), jnp.float32),
        pltpu.VMEM_SHARED((NPAD,), jnp.float32),
        pltpu.SemaphoreType.DMA,
        pltpu.SemaphoreType.DMA,
    ],
    compiler_params=_sc_params,
)
def _sc_deg(ei_hbm, out_hbm, didx, ones_v, zbuf, dacc, isem, ssem):
    c = lax.axis_index("c")
    s = lax.axis_index("s")
    t = c * NS + s

    def fill_ones(r, carry):
        ones_v[pl.ds(r * 16, 16)] = jnp.ones((16,), jnp.float32)
        return carry
    lax.fori_loop(0, CH // 16, fill_ones, 0)

    def fill_zero(r, carry):
        zbuf[pl.ds(r * 16, 16)] = jnp.zeros((16,), jnp.float32)
        return carry
    lax.fori_loop(0, RPT // 16, fill_zero, 0)
    pltpu.sync_copy(zbuf, dacc.at[pl.ds(s * RPT, RPT)])
    plsc.subcore_barrier()

    ebase = t * EPT

    def group(g, carry):
        b = ebase + g * U * CH
        ia = [pltpu.async_copy(ei_hbm.at[1, pl.ds(b + k * CH, CH)],
                               didx[k], isem) for k in range(U)]
        for d in ia:
            d.wait()
        sa = [pltpu.async_copy(ones_v, dacc.at[didx[k]], ssem, add=True)
              for k in range(U)]
        for d in sa:
            d.wait()
        return carry
    lax.fori_loop(0, NGRP, group, 0)
    plsc.subcore_barrier()
    pltpu.sync_copy(dacc.at[pl.ds(s * RPT, RPT)],
                    out_hbm.at[c, pl.ds(s * RPT, RPT)])


@functools.partial(
    pl.kernel,
    out_type=jax.ShapeDtypeStruct((NC, NPAD, D_H), jnp.float32),
    mesh=_mesh,
    scratch_types=[
        [pltpu.VMEM((CH,), jnp.int32)] * U,
        [pltpu.VMEM((CH,), jnp.int32)] * U,
        [pltpu.VMEM((CH, D_H), jnp.float32)] * U,
        pltpu.VMEM((ZR, D_H), jnp.float32),
        pltpu.VMEM_SHARED((NPAD, D_H), jnp.float32),
        pltpu.SemaphoreType.DMA,
        pltpu.SemaphoreType.DMA,
        pltpu.SemaphoreType.DMA,
    ],
    compiler_params=_sc_params,
)
def _sc_agg(hs_hbm, ei_hbm, out_hbm, sidx, didx, rows, zbuf, acc,
            isem, gsem, ssem):
    c = lax.axis_index("c")
    s = lax.axis_index("s")
    t = c * NS + s

    _zero_fill(zbuf, ZR, D_H)
    for j in range(RPT // ZR):
        pltpu.sync_copy(zbuf, acc.at[pl.ds(s * RPT + j * ZR, ZR)])
    plsc.subcore_barrier()

    ebase = t * EPT

    def group(g, carry):
        b = ebase + lax.rem(g + s, NGRP) * U * CH
        ia = []
        for k in range(U):
            ia.append(pltpu.async_copy(ei_hbm.at[0, pl.ds(b + k * CH, CH)],
                                       sidx[k], isem))
            ia.append(pltpu.async_copy(ei_hbm.at[1, pl.ds(b + k * CH, CH)],
                                       didx[k], isem))
        for d in ia:
            d.wait()
        ga = [pltpu.async_copy(hs_hbm.at[sidx[k]], rows[k], gsem)
              for k in range(U)]
        for d in ga:
            d.wait()
        sa = [pltpu.async_copy(rows[k], acc.at[didx[k]], ssem, add=True)
              for k in range(U)]
        for d in sa:
            d.wait()
        return carry
    lax.fori_loop(0, NGRP, group, 0)
    plsc.subcore_barrier()
    pltpu.sync_copy(acc.at[pl.ds(s * RPT, RPT)],
                    out_hbm.at[c, pl.ds(s * RPT, RPT)])


def _dis_from_degp(degp_ref):
    deg = 1.0 + degp_ref[0, 0:N] + degp_ref[1, 0:N]
    return lax.rsqrt(deg).reshape(N, 1)


def _tc_matmul1(x_ref, w1_ref, h_ref):
    h_ref[...] = lax.dot_general(x_ref[...], w1_ref[...],
                                 (((1,), (0,)), ((), ())),
                                 preferred_element_type=jnp.float32,
                                 precision=lax.Precision.HIGHEST)


def _tc_scale1(h_ref, degp_ref, hs_ref):
    hs_ref[...] = h_ref[...] * _dis_from_degp(degp_ref)


def _tc_mid(hs_ref, p_ref, degp_ref, b1_ref, w2_ref, hs2_ref):
    dis = _dis_from_degp(degp_ref)
    ssum = hs_ref[...] + p_ref[0, 0:N, :] + p_ref[1, 0:N, :]
    r1 = jnp.maximum(dis * ssum + b1_ref[...], 0.0)
    h2 = lax.dot_general(r1, w2_ref[...], (((1,), (0,)), ((), ())),
                         preferred_element_type=jnp.float32,
                         precision=lax.Precision.HIGHEST)
    hs2_ref[...] = h2 * dis


def _tc_last(hs2_ref, p_ref, degp_ref, b2_ref, batch_ref, wfc_ref, bfc_ref,
             out_ref):
    dis = _dis_from_degp(degp_ref)
    ssum = hs2_ref[...] + p_ref[0, 0:N, :] + p_ref[1, 0:N, :]
    r2 = jnp.maximum(dis * ssum + b2_ref[...], 0.0)
    gid = lax.broadcasted_iota(jnp.int32, (N, G), 1)
    oneh = (batch_ref[...] == gid).astype(jnp.float32)
    sums = lax.dot_general(oneh, r2, (((0,), (0,)), ((), ())),
                           preferred_element_type=jnp.float32,
                           precision=lax.Precision.HIGHEST)
    ones_col = jnp.ones((N, 1), jnp.float32)
    cnts = lax.dot_general(oneh, ones_col, (((0,), (0,)), ((), ())),
                           preferred_element_type=jnp.float32,
                           precision=lax.Precision.HIGHEST)
    g = sums / jnp.maximum(cnts, 1.0)
    out_ref[...] = lax.dot_general(g, wfc_ref[...], (((1,), (0,)), ((), ())),
                                   preferred_element_type=jnp.float32,
                                   precision=lax.Precision.HIGHEST) + bfc_ref[...]


_matmul1 = pl.pallas_call(
    _tc_matmul1, out_shape=jax.ShapeDtypeStruct((N, D_H), jnp.float32))
_scale1 = pl.pallas_call(
    _tc_scale1, out_shape=jax.ShapeDtypeStruct((N, D_H), jnp.float32))
_mid = pl.pallas_call(
    _tc_mid, out_shape=jax.ShapeDtypeStruct((N, D_H), jnp.float32))
_last = pl.pallas_call(
    _tc_last, out_shape=jax.ShapeDtypeStruct((G, 1), jnp.float32))


def kernel(x, edge_index, batch, W1, b1, W2, b2, Wfc, bfc):
    ei = edge_index.astype(jnp.int32)
    degp = _sc_deg(ei)
    h1 = _matmul1(x, W1)
    hs1 = _scale1(h1, degp)
    p1 = _sc_agg(hs1, ei)
    hs2 = _mid(hs1, p1, degp, b1.reshape(1, D_H), W2)
    p2 = _sc_agg(hs2, ei)
    out = _last(hs2, p2, degp, b2.reshape(1, D_H),
                batch.astype(jnp.int32).reshape(N, 1), Wfc,
                bfc.reshape(1, 1))
    return out.reshape(G)

# --- scband reference (transcript-rebuilt; emitter-appended) ---
"""Pipeline reference for scband-gnnmodel-53970559041859 (READ-ONLY COPY).

The authoritative reference and input builder live on the scoring server;
editing this copy changes nothing except your own understanding.
"""

import jax, jax.numpy as jnp
import numpy as np

N = 10000
E = 320000
D_IN = 128
D_H = 64
NUM_GRAPHS = 64


def setup_inputs(seed: int = 0) -> dict:
    key = jax.random.key(seed)
    ks = jax.random.split(key, 10)
    x = jax.random.normal(ks[0], (N, D_IN), dtype=jnp.float32)
    edge_index = jax.random.randint(ks[1], (2, E), 0, N)
    batch = jnp.sort(jax.random.randint(ks[2], (N,), 0, NUM_GRAPHS))
    W1 = jax.random.normal(ks[3], (D_IN, D_H), dtype=jnp.float32) * (1.0 / np.sqrt(D_IN))
    b1 = jnp.zeros((D_H,), dtype=jnp.float32)
    W2 = jax.random.normal(ks[4], (D_H, D_H), dtype=jnp.float32) * (1.0 / np.sqrt(D_H))
    b2 = jnp.zeros((D_H,), dtype=jnp.float32)
    Wfc = jax.random.normal(ks[5], (D_H, 1), dtype=jnp.float32) * (1.0 / np.sqrt(D_H))
    bfc = jnp.zeros((1,), dtype=jnp.float32)
    return {"x": x, "edge_index": edge_index, "batch": batch,
            "W1": W1, "b1": b1, "W2": W2, "b2": b2, "Wfc": Wfc, "bfc": bfc}


def _gcn_conv(x, edge_index, W, b, num_nodes):
    # GCNConv: x' = D^{-1/2} (A + I) D^{-1/2} (X W) + b
    loop = jnp.arange(num_nodes, dtype=edge_index.dtype)
    src = jnp.concatenate([edge_index[0], loop])
    dst = jnp.concatenate([edge_index[1], loop])
    deg = jnp.zeros((num_nodes,), dtype=x.dtype).at[dst].add(1.0)
    deg_inv_sqrt = jnp.where(deg > 0, jax.lax.rsqrt(jnp.maximum(deg, 1e-12)), 0.0)
    norm = deg_inv_sqrt[src] * deg_inv_sqrt[dst]
    h = x @ W
    msg = h[src] * norm[:, None]
    out = jnp.zeros((num_nodes, h.shape[1]), dtype=x.dtype).at[dst].add(msg)
    return out + b


def _global_mean_pool(x, batch, num_graphs):
    sums = jax.ops.segment_sum(x, batch, num_segments=num_graphs)
    cnts = jax.ops.segment_sum(jnp.ones((x.shape[0],), dtype=x.dtype), batch, num_segments=num_graphs)
    return sums / jnp.maximum(cnts, 1.0)[:, None]


def reference(x, edge_index, batch, W1, b1, W2, b2, Wfc, bfc):
    h = jax.nn.relu(_gcn_conv(x, edge_index, W1, b1, N))
    h = jax.nn.relu(_gcn_conv(h, edge_index, W2, b2, N))
    g = _global_mean_pool(h, batch, NUM_GRAPHS)
    out = g @ Wfc + bfc
    return jnp.squeeze(out, axis=-1)

if __name__ == "__main__":
    import jax
    _d = setup_inputs()
    print(jax.jit(kernel)(*tuple(_d.values())))

</pallas_src>

<mosaic_0001>
#map = affine_map<(d0, d1) -> (0, 0)>
module attributes {stable_mosaic.version = 14 : i64} {
  func.func @_sc_deg(%arg0: i32, %arg1: i32, %arg2: memref<2x320000xi32, #tpu.memory_space<hbm>>, %arg3: memref<2x10240xf32, #tpu.memory_space<hbm>>, %arg4: memref<80xi32, #tpu.memory_space<vmem>>, %arg5: memref<80xi32, #tpu.memory_space<vmem>>, %arg6: memref<80xi32, #tpu.memory_space<vmem>>, %arg7: memref<80xi32, #tpu.memory_space<vmem>>, %arg8: memref<80xi32, #tpu.memory_space<vmem>>, %arg9: memref<80xf32, #tpu.memory_space<vmem>>, %arg10: memref<640xf32, #tpu.memory_space<vmem>>, %arg11: memref<10240xf32, #tpu.memory_space<vmem_shared>>, %arg12: memref<!tpu.dma_semaphore, #tpu.memory_space<semaphore_mem>>, %arg13: memref<!tpu.dma_semaphore, #tpu.memory_space<semaphore_mem>>) attributes {dimension_semantics = [#tpu.dimension_semantics<core_parallel>, #tpu.dimension_semantics<subcore_parallel>], iteration_bounds = array<i64: 2, 16>, scalar_prefetch = 0 : i64, scratch_operands = 10 : i64, tpu.core_type = #tpu.core_type<sc_vector_subcore>, window_params = [{transform_indices = #map}, {transform_indices = #map}]} {
    %mul3A = arith.constant 16 : i32
    %mul3A_0 = arith.muli %arg0, %mul3A : i32
    %add3A = arith.addi %mul3A_0, %arg1 : i32
    %scan3A = arith.constant 0 : i32
    %scan3A_1 = arith.constant 0 : i32
    %scan3A_2 = arith.constant 5 : i32
    %scan3A_3 = arith.addi %scan3A_1, %scan3A_2 : i32
    %scan3A_4 = arith.constant 1 : i32
    scf.for %scan3A_27 = %scan3A_1 to %scan3A_3 step %scan3A_4  : i32 {
      %broadcast_in_dim3A = arith.constant 1.000000e+00 : f32
      %broadcast_in_dim3A_28 = vector.broadcast %broadcast_in_dim3A : f32 to vector<16xf32>
      %mul3A_29 = arith.constant 16 : i32
      %mul3A_30 = arith.muli %scan3A_27, %mul3A_29 : i32
      %swap3A = arith.index_cast %mul3A_30 : i32 to index
      %swap3A_31 = tpu.vector_load %arg9[%swap3A] {strides = array<i32>} : memref<80xf32, #tpu.memory_space<vmem>>, vector<16xf32>,
      %swap3A_32 = vector.shape_cast %swap3A_31 : vector<16xf32> to vector<16xf32>
      %swap3A_33 = vector.shape_cast %broadcast_in_dim3A_28 : vector<16xf32> to vector<16xf32>
      tpu.vector_store %arg9[%swap3A], %swap3A_33 {strides = array<i32>} : memref<80xf32, #tpu.memory_space<vmem>>, vector<16xf32>,
    }
    %scan3A_5 = arith.constant 5 : i32
    %scan3A_6 = arith.constant 0 : i32
    %scan3A_7 = arith.constant 0 : i32
    %scan3A_8 = arith.constant 40 : i32
    %scan3A_9 = arith.addi %scan3A_7, %scan3A_8 : i32
    %scan3A_10 = arith.constant 1 : i32
    scf.for %scan3A_27 = %scan3A_7 to %scan3A_9 step %scan3A_10  : i32 {
      %broadcast_in_dim3A = arith.constant 0.000000e+00 : f32
      %broadcast_in_dim3A_28 = vector.broadcast %broadcast_in_dim3A : f32 to vector<16xf32>
      %mul3A_29 = arith.constant 16 : i32
      %mul3A_30 = arith.muli %scan3A_27, %mul3A_29 : i32
      %swap3A = arith.index_cast %mul3A_30 : i32 to index
      %swap3A_31 = tpu.vector_load %arg10[%swap3A] {strides = array<i32>} : memref<640xf32, #tpu.memory_space<vmem>>, vector<16xf32>,
      %swap3A_32 = vector.shape_cast %swap3A_31 : vector<16xf32> to vector<16xf32>
      %swap3A_33 = vector.shape_cast %broadcast_in_dim3A_28 : vector<16xf32> to vector<16xf32>
      tpu.vector_store %arg10[%swap3A], %swap3A_33 {strides = array<i32>} : memref<640xf32, #tpu.memory_space<vmem>>, vector<16xf32>,
    }
    %scan3A_11 = arith.constant 40 : i32
    %mul3A_12 = arith.constant 640 : i32
    %mul3A_13 = arith.muli %arg1, %mul3A_12 : i32
    "tpu.region"() ({
      %run_scoped3A = tpu.sem_alloc : memref<!tpu.dma_semaphore, #tpu.memory_space<semaphore_mem>>
      %dma_start3A = tpu.memref_slice %arg11[%mul3A_13] : memref<10240xf32, #tpu.memory_space<vmem_shared>> -> memref<640xf32, #tpu.memory_space<vmem_shared>>
      %dma_start3A_27 = tpu.memref_slice %arg11[%mul3A_13] : memref<10240xf32, #tpu.memory_space<vmem_shared>> -> memref<640xf32, #tpu.memory_space<vmem_shared>>
      tpu.enqueue_dma source(%arg10 : memref<640xf32, #tpu.memory_space<vmem>>) target(%dma_start3A_27 : memref<640xf32, #tpu.memory_space<vmem_shared>>) target_semaphore(%run_scoped3A : memref<!tpu.dma_semaphore, #tpu.memory_space<semaphore_mem>>)
      %dma_wait3A = tpu.memref_slice %arg11[%mul3A_13] : memref<10240xf32, #tpu.memory_space<vmem_shared>> -> memref<640xf32, #tpu.memory_space<vmem_shared>>
      %dma_wait3A_28 = tpu.memref_slice %arg11[%mul3A_13] : memref<10240xf32, #tpu.memory_space<vmem_shared>> -> memref<640xf32, #tpu.memory_space<vmem_shared>>
      tpu.wait_dma2 semaphore(%run_scoped3A : memref<!tpu.dma_semaphore, #tpu.memory_space<semaphore_mem>>) src(%arg10 : memref<640xf32, #tpu.memory_space<vmem>>) dst(%dma_wait3A_28 : memref<640xf32, #tpu.memory_space<vmem_shared>>)
      tpu.yield
    }) : () -> ()
    %barrier3A = arith.constant 0 : index
    tpu.barrier barrier_id(%barrier3A)
    %mul3A_14 = arith.constant 10000 : i32
    %mul3A_15 = arith.muli %add3A, %mul3A_14 : i32
    %scan3A_16 = arith.constant 0 : i32
    %scan3A_17 = arith.constant 0 : i32
    %scan3A_18 = arith.constant 25 : i32
    %scan3A_19 = arith.addi %scan3A_17, %scan3A_18 : i32
    %scan3A_20 = arith.constant 1 : i32
    scf.for %scan3A_27 = %scan3A_17 to %scan3A_19 step %scan3A_20  : i32 {
      %mul3A_28 = arith.constant 5 : i32
      %mul3A_29 = arith.muli %scan3A_27, %mul3A_28 : i32
      %mul3A_30 = arith.constant 80 : i32
      %mul3A_31 = arith.muli %mul3A_29, %mul3A_30 : i32
      %add3A_32 = arith.addi %mul3A_15, %mul3A_31 : i32
      %add3A_33 = arith.constant 0 : i32
      %add3A_34 = arith.addi %add3A_32, %add3A_33 : i32
      %dma_start3A = arith.constant 1 : i32
      %dma_start3A_35 = tpu.memref_slice %arg2[%dma_start3A, %add3A_34] : memref<2x320000xi32, #tpu.memory_space<hbm>> -> memref<1x80xi32, #tpu.memory_space<hbm>>
      %dma_start3A_36 = tpu.memref_squeeze %dma_start3A_35 : memref<1x80xi32, #tpu.memory_space<hbm>> -> memref<80xi32, #tpu.memory_space<hbm>>
      %dma_start3A_37 = tpu.memref_slice %arg2[%dma_start3A, %add3A_34] : memref<2x320000xi32, #tpu.memory_space<hbm>> -> memref<1x80xi32, #tpu.memory_space<hbm>>
      %dma_start3A_38 = tpu.memref_squeeze %dma_start3A_37 : memref<1x80xi32, #tpu.memory_space<hbm>> -> memref<80xi32, #tpu.memory_space<hbm>>
      tpu.enqueue_dma source(%dma_start3A_38 : memref<80xi32, #tpu.memory_space<hbm>>) target(%arg4 : memref<80xi32, #tpu.memory_space<vmem>>) target_semaphore(%arg12 : memref<!tpu.dma_semaphore, #tpu.memory_space<semaphore_mem>>)
      %add3A_39 = arith.constant 80 : i32
      %add3A_40 = arith.addi %add3A_32, %add3A_39 : i32
      %dma_start3A_41 = arith.constant 1 : i32
      %dma_start3A_42 = tpu.memref_slice %arg2[%dma_start3A_41, %add3A_40] : memref<2x320000xi32, #tpu.memory_space<hbm>> -> memref<1x80xi32, #tpu.memory_space<hbm>>
      %dma_start3A_43 = tpu.memref_squeeze %dma_start3A_42 : memref<1x80xi32, #tpu.memory_space<hbm>> -> memref<80xi32, #tpu.memory_space<hbm>>
      %dma_start3A_44 = tpu.memref_slice %arg2[%dma_start3A_41, %add3A_40] : memref<2x320000xi32, #tpu.memory_space<hbm>> -> memref<1x80xi32, #tpu.memory_space<hbm>>
      %dma_start3A_45 = tpu.memref_squeeze %dma_start3A_44 : memref<1x80xi32, #tpu.memory_space<hbm>> -> memref<80xi32, #tpu.memory_space<hbm>>
      tpu.enqueue_dma source(%dma_start3A_45 : memref<80xi32, #tpu.memory_space<hbm>>) target(%arg5 : memref<80xi32, #tpu.memory_space<vmem>>) target_semaphore(%arg12 : memref<!tpu.dma_semaphore, #tpu.memory_space<semaphore_mem>>)
      %add3A_46 = arith.constant 160 : i32
      %add3A_47 = arith.addi %add3A_32, %add3A_46 : i32
      %dma_start3A_48 = arith.constant 1 : i32
      %dma_start3A_49 = tpu.memref_slice %arg2[%dma_start3A_48, %add3A_47] : memref<2x320000xi32, #tpu.memory_space<hbm>> -> memref<1x80xi32, #tpu.memory_space<hbm>>
      %dma_start3A_50 = tpu.memref_squeeze %dma_start3A_49 : memref<1x80xi32, #tpu.memory_space<hbm>> -> memref<80xi32, #tpu.memory_space<hbm>>
      %dma_start3A_51 = tpu.memref_slice %arg2[%dma_start3A_48, %add3A_47] : memref<2x320000xi32, #tpu.memory_space<hbm>> -> memref<1x80xi32, #tpu.memory_space<hbm>>
      %dma_start3A_52 = tpu.memref_squeeze %dma_start3A_51 : memref<1x80xi32, #tpu.memory_space<hbm>> -> memref<80xi32, #tpu.memory_space<hbm>>
      tpu.enqueue_dma source(%dma_start3A_52 : memref<80xi32, #tpu.memory_space<hbm>>) target(%arg6 : memref<80xi32, #tpu.memory_space<vmem>>) target_semaphore(%arg12 : memref<!tpu.dma_semaphore, #tpu.memory_space<semaphore_mem>>)
      %add3A_53 = arith.constant 240 : i32
      %add3A_54 = arith.addi %add3A_32, %add3A_53 : i32
      %dma_start3A_55 = arith.constant 1 : i32
      %dma_start3A_56 = tpu.memref_slice %arg2[%dma_start3A_55, %add3A_54] : memref<2x320000xi32, #tpu.memory_space<hbm>> -> memref<1x80xi32, #tpu.memory_space<hbm>>
      %dma_start3A_57 = tpu.memref_squeeze %dma_start3A_56 : memref<1x80xi32, #tpu.memory_space<hbm>> -> memref<80xi32, #tpu.memory_space<hbm>>
      %dma_start3A_58 = tpu.memref_slice %arg2[%dma_start3A_55, %add3A_54] : memref<2x320000xi32, #tpu.memory_space<hbm>> -> memref<1x80xi32, #tpu.memory_space<hbm>>
      %dma_start3A_59 = tpu.memref_squeeze %dma_start3A_58 : memref<1x80xi32, #tpu.memory_space<hbm>> -> memref<80xi32, #tpu.memory_space<hbm>>
      tpu.enqueue_dma source(%dma_start3A_59 : memref<80xi32, #tpu.memory_space<hbm>>) target(%arg7 : memref<80xi32, #tpu.memory_space<vmem>>) target_semaphore(%arg12 : memref<!tpu.dma_semaphore, #tpu.memory_space<semaphore_mem>>)
      %add3A_60 = arith.constant 320 : i32
      %add3A_61 = arith.addi %add3A_32, %add3A_60 : i32
      %dma_start3A_62 = arith.constant 1 : i32
      %dma_start3A_63 = tpu.memref_slice %arg2[%dma_start3A_62, %add3A_61] : memref<2x320000xi32, #tpu.memory_space<hbm>> -> memref<1x80xi32, #tpu.memory_space<hbm>>
      %dma_start3A_64 = tpu.memref_squeeze %dma_start3A_63 : memref<1x80xi32, #tpu.memory_space<hbm>> -> memref<80xi32, #tpu.memory_space<hbm>>
      %dma_start3A_65 = tpu.memref_slice %arg2[%dma_start3A_62, %add3A_61] : memref<2x320000xi32, #tpu.memory_space<hbm>> -> memref<1x80xi32, #tpu.memory_space<hbm>>
      %dma_start3A_66 = tpu.memref_squeeze %dma_start3A_65 : memref<1x80xi32, #tpu.memory_space<hbm>> -> memref<80xi32, #tpu.memory_space<hbm>>
      tpu.enqueue_dma source(%dma_start3A_66 : memref<80xi32, #tpu.memory_space<hbm>>) target(%arg8 : memref<80xi32, #tpu.memory_space<vmem>>) target_semaphore(%arg12 : memref<!tpu.dma_semaphore, #tpu.memory_space<semaphore_mem>>)
      %dma_wait3A = arith.constant 1 : i32
      %dma_wait3A_67 = tpu.memref_slice %arg2[%dma_wait3A, %add3A_34] : memref<2x320000xi32, #tpu.memory_space<hbm>> -> memref<1x80xi32, #tpu.memory_space<hbm>>
      %dma_wait3A_68 = tpu.memref_squeeze %dma_wait3A_67 : memref<1x80xi32, #tpu.memory_space<hbm>> -> memref<80xi32, #tpu.memory_space<hbm>>
      %dma_wait3A_69 = tpu.memref_slice %arg2[%dma_wait3A, %add3A_34] : memref<2x320000xi32, #tpu.memory_space<hbm>> -> memref<1x80xi32, #tpu.memory_space<hbm>>
      %dma_wait3A_70 = tpu.memref_squeeze %dma_wait3A_69 : memref<1x80xi32, #tpu.memory_space<hbm>> -> memref<80xi32, #tpu.memory_space<hbm>>
      tpu.wait_dma2 semaphore(%arg12 : memref<!tpu.dma_semaphore, #tpu.memory_space<semaphore_mem>>) src(%dma_wait3A_70 : memref<80xi32, #tpu.memory_space<hbm>>) dst(%arg4 : memref<80xi32, #tpu.memory_space<vmem>>)
      %dma_wait3A_71 = arith.constant 1 : i32
      %dma_wait3A_72 = tpu.memref_slice %arg2[%dma_wait3A_71, %add3A_40] : memref<2x320000xi32, #tpu.memory_space<hbm>> -> memref<1x80xi32, #tpu.memory_space<hbm>>
      %dma_wait3A_73 = tpu.memref_squeeze %dma_wait3A_72 : memref<1x80xi32, #tpu.memory_space<hbm>> -> memref<80xi32, #tpu.memory_space<hbm>>
      %dma_wait3A_74 = tpu.memref_slice %arg2[%dma_wait3A_71, %add3A_40] : memref<2x320000xi32, #tpu.memory_space<hbm>> -> memref<1x80xi32, #tpu.memory_space<hbm>>
      %dma_wait3A_75 = tpu.memref_squeeze %dma_wait3A_74 : memref<1x80xi32, #tpu.memory_space<hbm>> -> memref<80xi32, #tpu.memory_space<hbm>>
      tpu.wait_dma2 semaphore(%arg12 : memref<!tpu.dma_semaphore, #tpu.memory_space<semaphore_mem>>) src(%dma_wait3A_75 : memref<80xi32, #tpu.memory_space<hbm>>) dst(%arg5 : memref<80xi32, #tpu.memory_space<vmem>>)
      %dma_wait3A_76 = arith.constant 1 : i32
      %dma_wait3A_77 = tpu.memref_slice %arg2[%dma_wait3A_76, %add3A_47] : memref<2x320000xi32, #tpu.memory_space<hbm>> -> memref<1x80xi32, #tpu.memory_space<hbm>>
      %dma_wait3A_78 = tpu.memref_squeeze %dma_wait3A_77 : memref<1x80xi32, #tpu.memory_space<hbm>> -> memref<80xi32, #tpu.memory_space<hbm>>
      %dma_wait3A_79 = tpu.memref_slice %arg2[%dma_wait3A_76, %add3A_47] : memref<2x320000xi32, #tpu.memory_space<hbm>> -> memref<1x80xi32, #tpu.memory_space<hbm>>
      %dma_wait3A_80 = tpu.memref_squeeze %dma_wait3A_79 : memref<1x80xi32, #tpu.memory_space<hbm>> -> memref<80xi32, #tpu.memory_space<hbm>>
      tpu.wait_dma2 semaphore(%arg12 : memref<!tpu.dma_semaphore, #tpu.memory_space<semaphore_mem>>) src(%dma_wait3A_80 : memref<80xi32, #tpu.memory_space<hbm>>) dst(%arg6 : memref<80xi32, #tpu.memory_space<vmem>>)
      %dma_wait3A_81 = arith.constant 1 : i32
      %dma_wait3A_82 = tpu.memref_slice %arg2[%dma_wait3A_81, %add3A_54] : memref<2x320000xi32, #tpu.memory_space<hbm>> -> memref<1x80xi32, #tpu.memory_space<hbm>>
      %dma_wait3A_83 = tpu.memref_squeeze %dma_wait3A_82 : memref<1x80xi32, #tpu.memory_space<hbm>> -> memref<80xi32, #tpu.memory_space<hbm>>
      %dma_wait3A_84 = tpu.memref_slice %arg2[%dma_wait3A_81, %add3A_54] : memref<2x320000xi32, #tpu.memory_space<hbm>> -> memref<1x80xi32, #tpu.memory_space<hbm>>
      %dma_wait3A_85 = tpu.memref_squeeze %dma_wait3A_84 : memref<1x80xi32, #tpu.memory_space<hbm>> -> memref<80xi32, #tpu.memory_space<hbm>>
      tpu.wait_dma2 semaphore(%arg12 : memref<!tpu.dma_semaphore, #tpu.memory_space<semaphore_mem>>) src(%dma_wait3A_85 : memref<80xi32, #tpu.memory_space<hbm>>) dst(%arg7 : memref<80xi32, #tpu.memory_space<vmem>>)
      %dma_wait3A_86 = arith.constant 1 : i32
      %dma_wait3A_87 = tpu.memref_slice %arg2[%dma_wait3A_86, %add3A_61] : memref<2x320000xi32, #tpu.memory_space<hbm>> -> memref<1x80xi32, #tpu.memory_space<hbm>>
      %dma_wait3A_88 = tpu.memref_squeeze %dma_wait3A_87 : memref<1x80xi32, #tpu.memory_space<hbm>> -> memref<80xi32, #tpu.memory_space<hbm>>
      %dma_wait3A_89 = tpu.memref_slice %arg2[%dma_wait3A_86, %add3A_61] : memref<2x320000xi32, #tpu.memory_space<hbm>> -> memref<1x80xi32, #tpu.memory_space<hbm>>
      %dma_wait3A_90 = tpu.memref_squeeze %dma_wait3A_89 : memref<1x80xi32, #tpu.memory_space<hbm>> -> memref<80xi32, #tpu.memory_space<hbm>>
      tpu.wait_dma2 semaphore(%arg12 : memref<!tpu.dma_semaphore, #tpu.memory_space<semaphore_mem>>) src(%dma_wait3A_90 : memref<80xi32, #tpu.memory_space<hbm>>) dst(%arg8 : memref<80xi32, #tpu.memory_space<vmem>>)
      %dma_start3A_91 = arith.constant 0 : i32
      %dma_start3A_92 = tpu.memref_slice %arg11[%dma_start3A_91] : memref<10240xf32, #tpu.memory_space<vmem_shared>> -> memref<10240xf32, #tpu.memory_space<vmem_shared>>
      tpu.enqueue_indirect_dma source(%arg9 : memref<80xf32, #tpu.memory_space<vmem>>) target(%dma_start3A_92 : memref<10240xf32, #tpu.memory_space<vmem_shared>>) offsets(%arg4 : memref<80xi32, #tpu.memory_space<vmem>>) semaphore(%arg13 : memref<!tpu.dma_semaphore, #tpu.memory_space<semaphore_mem>>) {add = true}
      %dma_start3A_93 = arith.constant 0 : i32
      %dma_start3A_94 = tpu.memref_slice %arg11[%dma_start3A_93] : memref<10240xf32, #tpu.memory_space<vmem_shared>> -> memref<10240xf32, #tpu.memory_space<vmem_shared>>
      tpu.enqueue_indirect_dma source(%arg9 : memref<80xf32, #tpu.memory_space<vmem>>) target(%dma_start3A_94 : memref<10240xf32, #tpu.memory_space<vmem_shared>>) offsets(%arg5 : memref<80xi32, #tpu.memory_space<vmem>>) semaphore(%arg13 : memref<!tpu.dma_semaphore, #tpu.memory_space<semaphore_mem>>) {add = true}
      %dma_start3A_95 = arith.constant 0 : i32
      %dma_start3A_96 = tpu.memref_slice %arg11[%dma_start3A_95] : memref<10240xf32, #tpu.memory_space<vmem_shared>> -> memref<10240xf32, #tpu.memory_space<vmem_shared>>
      tpu.enqueue_indirect_dma source(%arg9 : memref<80xf32, #tpu.memory_space<vmem>>) target(%dma_start3A_96 : memref<10240xf32, #tpu.memory_space<vmem_shared>>) offsets(%arg6 : memref<80xi32, #tpu.memory_space<vmem>>) semaphore(%arg13 : memref<!tpu.dma_semaphore, #tpu.memory_space<semaphore_mem>>) {add = true}
      %dma_start3A_97 = arith.constant 0 : i32
      %dma_start3A_98 = tpu.memref_slice %arg11[%dma_start3A_97] : memref<10240xf32, #tpu.memory_space<vmem_shared>> -> memref<10240xf32, #tpu.memory_space<vmem_shared>>
      tpu.enqueue_indirect_dma source(%arg9 : memref<80xf32, #tpu.memory_space<vmem>>) target(%dma_start3A_98 : memref<10240xf32, #tpu.memory_space<vmem_shared>>) offsets(%arg7 : memref<80xi32, #tpu.memory_space<vmem>>) semaphore(%arg13 : memref<!tpu.dma_semaphore, #tpu.memory_space<semaphore_mem>>) {add = true}
      %dma_start3A_99 = arith.constant 0 : i32
      %dma_start3A_100 = tpu.memref_slice %arg11[%dma_start3A_99] : memref<10240xf32, #tpu.memory_space<vmem_shared>> -> memref<10240xf32, #tpu.memory_space<vmem_shared>>
      tpu.enqueue_indirect_dma source(%arg9 : memref<80xf32, #tpu.memory_space<vmem>>) target(%dma_start3A_100 : memref<10240xf32, #tpu.memory_space<vmem_shared>>) offsets(%arg8 : memref<80xi32, #tpu.memory_space<vmem>>) semaphore(%arg13 : memref<!tpu.dma_semaphore, #tpu.memory_space<semaphore_mem>>) {add = true}
      %dma_wait3A_101 = arith.constant 0 : i32
      %dma_wait3A_102 = tpu.memref_slice %arg11[%dma_wait3A_101] : memref<10240xf32, #tpu.memory_space<vmem_shared>> -> memref<10240xf32, #tpu.memory_space<vmem_shared>>
      tpu.wait_indirect_dma semaphore(%arg13 : memref<!tpu.dma_semaphore, #tpu.memory_space<semaphore_mem>>) src(%arg9 : memref<80xf32, #tpu.memory_space<vmem>>) dst(%dma_wait3A_102 : memref<10240xf32, #tpu.memory_space<vmem_shared>>)
      %dma_wait3A_103 = arith.constant 0 : i32
      %dma_wait3A_104 = tpu.memref_slice %arg11[%dma_wait3A_103] : memref<10240xf32, #tpu.memory_space<vmem_shared>> -> memref<10240xf32, #tpu.memory_space<vmem_shared>>
      tpu.wait_indirect_dma semaphore(%arg13 : memref<!tpu.dma_semaphore, #tpu.memory_space<semaphore_mem>>) src(%arg9 : memref<80xf32, #tpu.memory_space<vmem>>) dst(%dma_wait3A_104 : memref<10240xf32, #tpu.memory_space<vmem_shared>>)
      %dma_wait3A_105 = arith.constant 0 : i32
      %dma_wait3A_106 = tpu.memref_slice %arg11[%dma_wait3A_105] : memref<10240xf32, #tpu.memory_space<vmem_shared>> -> memref<10240xf32, #tpu.memory_space<vmem_shared>>
      tpu.wait_indirect_dma semaphore(%arg13 : memref<!tpu.dma_semaphore, #tpu.memory_space<semaphore_mem>>) src(%arg9 : memref<80xf32, #tpu.memory_space<vmem>>) dst(%dma_wait3A_106 : memref<10240xf32, #tpu.memory_space<vmem_shared>>)
      %dma_wait3A_107 = arith.constant 0 : i32
      %dma_wait3A_108 = tpu.memref_slice %arg11[%dma_wait3A_107] : memref<10240xf32, #tpu.memory_space<vmem_shared>> -> memref<10240xf32, #tpu.memory_space<vmem_shared>>
      tpu.wait_indirect_dma semaphore(%arg13 : memref<!tpu.dma_semaphore, #tpu.memory_space<semaphore_mem>>) src(%arg9 : memref<80xf32, #tpu.memory_space<vmem>>) dst(%dma_wait3A_108 : memref<10240xf32, #tpu.memory_space<vmem_shared>>)
      %dma_wait3A_109 = arith.constant 0 : i32
      %dma_wait3A_110 = tpu.memref_slice %arg11[%dma_wait3A_109] : memref<10240xf32, #tpu.memory_space<vmem_shared>> -> memref<10240xf32, #tpu.memory_space<vmem_shared>>
      tpu.wait_indirect_dma semaphore(%arg13 : memref<!tpu.dma_semaphore, #tpu.memory_space<semaphore_mem>>) src(%arg9 : memref<80xf32, #tpu.memory_space<vmem>>) dst(%dma_wait3A_110 : memref<10240xf32, #tpu.memory_space<vmem_shared>>)
    }
    %scan3A_21 = arith.constant 25 : i32
    %barrier3A_22 = arith.constant 0 : index
    tpu.barrier barrier_id(%barrier3A_22)
    %mul3A_23 = arith.constant 640 : i32
    %mul3A_24 = arith.muli %arg1, %mul3A_23 : i32
    %mul3A_25 = arith.constant 640 : i32
    %mul3A_26 = arith.muli %arg1, %mul3A_25 : i32
    "tpu.region"() ({
      %run_scoped3A = tpu.sem_alloc : memref<!tpu.dma_semaphore, #tpu.memory_space<semaphore_mem>>
      %dma_start3A = tpu.memref_slice %arg3[%arg0, %mul3A_26] : memref<2x10240xf32, #tpu.memory_space<hbm>> -> memref<1x640xf32, #tpu.memory_space<hbm>>
      %dma_start3A_27 = tpu.memref_squeeze %dma_start3A : memref<1x640xf32, #tpu.memory_space<hbm>> -> memref<640xf32, #tpu.memory_space<hbm>>
      %dma_start3A_28 = tpu.memref_slice %arg11[%mul3A_24] : memref<10240xf32, #tpu.memory_space<vmem_shared>> -> memref<640xf32, #tpu.memory_space<vmem_shared>>
      tpu.enqueue_dma source(%dma_start3A_28 : memref<640xf32, #tpu.memory_space<vmem_shared>>) target(%dma_start3A_27 : memref<640xf32, #tpu.memory_space<hbm>>) target_semaphore(%run_scoped3A : memref<!tpu.dma_semaphore, #tpu.memory_space<semaphore_mem>>)
      %dma_wait3A = tpu.memref_slice %arg3[%arg0, %mul3A_26] : memref<2x10240xf32, #tpu.memory_space<hbm>> -> memref<1x640xf32, #tpu.memory_space<hbm>>
      %dma_wait3A_29 = tpu.memref_squeeze %dma_wait3A : memref<1x640xf32, #tpu.memory_space<hbm>> -> memref<640xf32, #tpu.memory_space<hbm>>
      %dma_wait3A_30 = tpu.memref_slice %arg11[%mul3A_24] : memref<10240xf32, #tpu.memory_space<vmem_shared>> -> memref<640xf32, #tpu.memory_space<vmem_shared>>
      tpu.wait_dma2 semaphore(%run_scoped3A : memref<!tpu.dma_semaphore, #tpu.memory_space<semaphore_mem>>) src(%dma_wait3A_30 : memref<640xf32, #tpu.memory_space<vmem_shared>>) dst(%dma_wait3A_29 : memref<640xf32, #tpu.memory_space<hbm>>)
      tpu.yield
    }) : () -> ()
    return
  }
}

#map = affine_map<(d0, d1) -> (0, 0)>
#map1 = affine_map<(d0, d1) -> (0, 0, 0)>
module attributes {stable_mosaic.version = 14 : i64} {
  func.func @_sc_agg(%arg0: i32, %arg1: i32, %arg2: memref<10000x64xf32, #tpu.memory_space<hbm>>, %arg3: memref<2x320000xi32, #tpu.memory_space<hbm>>, %arg4: memref<2x10240x64xf32, #tpu.memory_space<hbm>>, %arg5: memref<80xi32, #tpu.memory_space<vmem>>, %arg6: memref<80xi32, #tpu.memory_space<vmem>>, %arg7: memref<80xi32, #tpu.memory_space<vmem>>, %arg8: memref<80xi32, #tpu.memory_space<vmem>>, %arg9: memref<80xi32, #tpu.memory_space<vmem>>, %arg10: memref<80xi32, #tpu.memory_space<vmem>>, %arg11: memref<80xi32, #tpu.memory_space<vmem>>, %arg12: memref<80xi32, #tpu.memory_space<vmem>>, %arg13: memref<80xi32, #tpu.memory_space<vmem>>, %arg14: memref<80xi32, #tpu.memory_space<vmem>>, %arg15: memref<80x64xf32, #tpu.memory_space<vmem>>, %arg16: memref<80x64xf32, #tpu.memory_space<vmem>>, %arg17: memref<80x64xf32, #tpu.memory_space<vmem>>, %arg18: memref<80x64xf32, #tpu.memory_space<vmem>>, %arg19: memref<80x64xf32, #tpu.memory_space<vmem>>, %arg20: memref<128x64xf32, #tpu.memory_space<vmem>>, %arg21: memref<10240x64xf32, #tpu.memory_space<vmem_shared>>, %arg22: memref<!tpu.dma_semaphore, #tpu.memory_space<semaphore_mem>>, %arg23: memref<!tpu.dma_semaphore, #tpu.memory_space<semaphore_mem>>, %arg24: memref<!tpu.dma_semaphore, #tpu.memory_space<semaphore_mem>>) attributes {dimension_semantics = [#tpu.dimension_semantics<core_parallel>, #tpu.dimension_semantics<subcore_parallel>], iteration_bounds = array<i64: 2, 16>, scalar_prefetch = 0 : i64, scratch_operands = 20 : i64, tpu.core_type = #tpu.core_type<sc_vector_subcore>, window_params = [{transform_indices = #map}, {transform_indices = #map}, {transform_indices = #map1}]} {
    %mul3A = arith.constant 16 : i32
    %mul3A_0 = arith.muli %arg0, %mul3A : i32
    %add3A = arith.addi %mul3A_0, %arg1 : i32
    %scan3A = arith.constant 0 : i32
    %scan3A_1 = arith.constant 0 : i32
    %scan3A_2 = arith.constant 128 : i32
    %scan3A_3 = arith.addi %scan3A_1, %scan3A_2 : i32
    %scan3A_4 = arith.constant 1 : i32
    scf.for %scan3A_39 = %scan3A_1 to %scan3A_3 step %scan3A_4  : i32 {
      %broadcast_in_dim3A = arith.constant 0.000000e+00 : f32
      %broadcast_in_dim3A_40 = vector.broadcast %broadcast_in_dim3A : f32 to vector<16xf32>
      %swap3A = arith.index_cast %scan3A_39 : i32 to index
      %swap3A_41 = arith.constant 0 : index
      %swap3A_42 = tpu.vector_load %arg20[%swap3A, %swap3A_41] {strides = array<i32>} : memref<128x64xf32, #tpu.memory_space<vmem>>, vector<1x16xf32>,
      %swap3A_43 = vector.shape_cast %swap3A_42 : vector<1x16xf32> to vector<16xf32>
      %swap3A_44 = vector.shape_cast %broadcast_in_dim3A_40 : vector<16xf32> to vector<1x16xf32>
      tpu.vector_store %arg20[%swap3A, %swap3A_41], %swap3A_44 {strides = array<i32>} : memref<128x64xf32, #tpu.memory_space<vmem>>, vector<1x16xf32>,
      %broadcast_in_dim3A_45 = arith.constant 0.000000e+00 : f32
      %broadcast_in_dim3A_46 = vector.broadcast %broadcast_in_dim3A_45 : f32 to vector<16xf32>
      %swap3A_47 = arith.index_cast %scan3A_39 : i32 to index
      %swap3A_48 = arith.constant 16 : index
      %swap3A_49 = tpu.vector_load %arg20[%swap3A_47, %swap3A_48] {strides = array<i32>} : memref<128x64xf32, #tpu.memory_space<vmem>>, vector<1x16xf32>,
      %swap3A_50 = vector.shape_cast %swap3A_49 : vector<1x16xf32> to vector<16xf32>
      %swap3A_51 = vector.shape_cast %broadcast_in_dim3A_46 : vector<16xf32> to vector<1x16xf32>
      tpu.vector_store %arg20[%swap3A_47, %swap3A_48], %swap3A_51 {strides = array<i32>} : memref<128x64xf32, #tpu.memory_space<vmem>>, vector<1x16xf32>,
      %broadcast_in_dim3A_52 = arith.constant 0.000000e+00 : f32
      %broadcast_in_dim3A_53 = vector.broadcast %broadcast_in_dim3A_52 : f32 to vector<16xf32>
      %swap3A_54 = arith.index_cast %scan3A_39 : i32 to index
      %swap3A_55 = arith.constant 32 : index
      %swap3A_56 = tpu.vector_load %arg20[%swap3A_54, %swap3A_55] {strides = array<i32>} : memref<128x64xf32, #tpu.memory_space<vmem>>, vector<1x16xf32>,
      %swap3A_57 = vector.shape_cast %swap3A_56 : vector<1x16xf32> to vector<16xf32>
      %swap3A_58 = vector.shape_cast %broadcast_in_dim3A_53 : vector<16xf32> to vector<1x16xf32>
      tpu.vector_store %arg20[%swap3A_54, %swap3A_55], %swap3A_58 {strides = array<i32>} : memref<128x64xf32, #tpu.memory_space<vmem>>, vector<1x16xf32>,
      %broadcast_in_dim3A_59 = arith.constant 0.000000e+00 : f32
      %broadcast_in_dim3A_60 = vector.broadcast %broadcast_in_dim3A_59 : f32 to vector<16xf32>
      %swap3A_61 = arith.index_cast %scan3A_39 : i32 to index
      %swap3A_62 = arith.constant 48 : index
      %swap3A_63 = tpu.vector_load %arg20[%swap3A_61, %swap3A_62] {strides = array<i32>} : memref<128x64xf32, #tpu.memory_space<vmem>>, vector<1x16xf32>,
      %swap3A_64 = vector.shape_cast %swap3A_63 : vector<1x16xf32> to vector<16xf32>
      %swap3A_65 = vector.shape_cast %broadcast_in_dim3A_60 : vector<16xf32> to vector<1x16xf32>
      tpu.vector_store %arg20[%swap3A_61, %swap3A_62], %swap3A_65 {strides = array<i32>} : memref<128x64xf32, #tpu.memory_space<vmem>>, vector<1x16xf32>,
    }
    %scan3A_5 = arith.constant 128 : i32
    %mul3A_6 = arith.constant 640 : i32
    %mul3A_7 = arith.muli %arg1, %mul3A_6 : i32
    %add3A_8 = arith.constant 0 : i32
    %add3A_9 = arith.addi %mul3A_7, %add3A_8 : i32
    "tpu.region"() ({
      %run_scoped3A = tpu.sem_alloc : memref<!tpu.dma_semaphore, #tpu.memory_space<semaphore_mem>>
      %dma_start3A = arith.constant 0 : i32
      %dma_start3A_39 = tpu.memref_slice %arg21[%add3A_9, %dma_start3A] : memref<10240x64xf32, #tpu.memory_space<vmem_shared>> -> memref<128x64xf32, #tpu.memory_space<vmem_shared>>
      %dma_start3A_40 = arith.constant 0 : i32
      %dma_start3A_41 = tpu.memref_slice %arg21[%add3A_9, %dma_start3A_40] : memref<10240x64xf32, #tpu.memory_space<vmem_shared>> -> memref<128x64xf32, #tpu.memory_space<vmem_shared>>
      tpu.enqueue_dma source(%arg20 : memref<128x64xf32, #tpu.memory_space<vmem>>) target(%dma_start3A_41 : memref<128x64xf32, #tpu.memory_space<vmem_shared>>) target_semaphore(%run_scoped3A : memref<!tpu.dma_semaphore, #tpu.memory_space<semaphore_mem>>)
      %dma_wait3A = arith.constant 0 : i32
      %dma_wait3A_42 = tpu.memref_slice %arg21[%add3A_9, %dma_wait3A] : memref<10240x64xf32, #tpu.memory_space<vmem_shared>> -> memref<128x64xf32, #tpu.memory_space<vmem_shared>>
      %dma_wait3A_43 = arith.constant 0 : i32
      %dma_wait3A_44 = tpu.memref_slice %arg21[%add3A_9, %dma_wait3A_43] : memref<10240x64xf32, #tpu.memory_space<vmem_shared>> -> memref<128x64xf32, #tpu.memory_space<vmem_shared>>
      tpu.wait_dma2 semaphore(%run_scoped3A : memref<!tpu.dma_semaphore, #tpu.memory_space<semaphore_mem>>) src(%arg20 : memref<128x64xf32, #tpu.memory_space<vmem>>) dst(%dma_wait3A_44 : memref<128x64xf32, #tpu.memory_space<vmem_shared>>)
      tpu.yield
    }) : () -> ()
    %mul3A_10 = arith.constant 640 : i32
    %mul3A_11 = arith.muli %arg1, %mul3A_10 : i32
    %add3A_12 = arith.constant 128 : i32
    %add3A_13 = arith.addi %mul3A_11, %add3A_12 : i32
    "tpu.region"() ({
      %run_scoped3A = tpu.sem_alloc : memref<!tpu.dma_semaphore, #tpu.memory_space<semaphore_mem>>
      %dma_start3A = arith.constant 0 : i32
      %dma_start3A_39 = tpu.memref_slice %arg21[%add3A_13, %dma_start3A] : memref<10240x64xf32, #tpu.memory_space<vmem_shared>> -> memref<128x64xf32, #tpu.memory_space<vmem_shared>>
      %dma_start3A_40 = arith.constant 0 : i32
      %dma_start3A_41 = tpu.memref_slice %arg21[%add3A_13, %dma_start3A_40] : memref<10240x64xf32, #tpu.memory_space<vmem_shared>> -> memref<128x64xf32, #tpu.memory_space<vmem_shared>>
      tpu.enqueue_dma source(%arg20 : memref<128x64xf32, #tpu.memory_space<vmem>>) target(%dma_start3A_41 : memref<128x64xf32, #tpu.memory_space<vmem_shared>>) target_semaphore(%run_scoped3A : memref<!tpu.dma_semaphore, #tpu.memory_space<semaphore_mem>>)
      %dma_wait3A = arith.constant 0 : i32
      %dma_wait3A_42 = tpu.memref_slice %arg21[%add3A_13, %dma_wait3A] : memref<10240x64xf32, #tpu.memory_space<vmem_shared>> -> memref<128x64xf32, #tpu.memory_space<vmem_shared>>
      %dma_wait3A_43 = arith.constant 0 : i32
      %dma_wait3A_44 = tpu.memref_slice %arg21[%add3A_13, %dma_wait3A_43] : memref<10240x64xf32, #tpu.memory_space<vmem_shared>> -> memref<128x64xf32, #tpu.memory_space<vmem_shared>>
      tpu.wait_dma2 semaphore(%run_scoped3A : memref<!tpu.dma_semaphore, #tpu.memory_space<semaphore_mem>>) src(%arg20 : memref<128x64xf32, #tpu.memory_space<vmem>>) dst(%dma_wait3A_44 : memref<128x64xf32, #tpu.memory_space<vmem_shared>>)
      tpu.yield
    }) : () -> ()
    %mul3A_14 = arith.constant 640 : i32
    %mul3A_15 = arith.muli %arg1, %mul3A_14 : i32
    %add3A_16 = arith.constant 256 : i32
    %add3A_17 = arith.addi %mul3A_15, %add3A_16 : i32
    "tpu.region"() ({
      %run_scoped3A = tpu.sem_alloc : memref<!tpu.dma_semaphore, #tpu.memory_space<semaphore_mem>>
      %dma_start3A = arith.constant 0 : i32
      %dma_start3A_39 = tpu.memref_slice %arg21[%add3A_17, %dma_start3A] : memref<10240x64xf32, #tpu.memory_space<vmem_shared>> -> memref<128x64xf32, #tpu.memory_space<vmem_shared>>
      %dma_start3A_40 = arith.constant 0 : i32
      %dma_start3A_41 = tpu.memref_slice %arg21[%add3A_17, %dma_start3A_40] : memref<10240x64xf32, #tpu.memory_space<vmem_shared>> -> memref<128x64xf32, #tpu.memory_space<vmem_shared>>
      tpu.enqueue_dma source(%arg20 : memref<128x64xf32, #tpu.memory_space<vmem>>) target(%dma_start3A_41 : memref<128x64xf32, #tpu.memory_space<vmem_shared>>) target_semaphore(%run_scoped3A : memref<!tpu.dma_semaphore, #tpu.memory_space<semaphore_mem>>)
      %dma_wait3A = arith.constant 0 : i32
      %dma_wait3A_42 = tpu.memref_slice %arg21[%add3A_17, %dma_wait3A] : memref<10240x64xf32, #tpu.memory_space<vmem_shared>> -> memref<128x64xf32, #tpu.memory_space<vmem_shared>>
      %dma_wait3A_43 = arith.constant 0 : i32
      %dma_wait3A_44 = tpu.memref_slice %arg21[%add3A_17, %dma_wait3A_43] : memref<10240x64xf32, #tpu.memory_space<vmem_shared>> -> memref<128x64xf32, #tpu.memory_space<vmem_shared>>
      tpu.wait_dma2 semaphore(%run_scoped3A : memref<!tpu.dma_semaphore, #tpu.memory_space<semaphore_mem>>) src(%arg20 : memref<128x64xf32, #tpu.memory_space<vmem>>) dst(%dma_wait3A_44 : memref<128x64xf32, #tpu.memory_space<vmem_shared>>)
      tpu.yield
    }) : () -> ()
    %mul3A_18 = arith.constant 640 : i32
    %mul3A_19 = arith.muli %arg1, %mul3A_18 : i32
    %add3A_20 = arith.constant 384 : i32
    %add3A_21 = arith.addi %mul3A_19, %add3A_20 : i32
    "tpu.region"() ({
      %run_scoped3A = tpu.sem_alloc : memref<!tpu.dma_semaphore, #tpu.memory_space<semaphore_mem>>
      %dma_start3A = arith.constant 0 : i32
      %dma_start3A_39 = tpu.memref_slice %arg21[%add3A_21, %dma_start3A] : memref<10240x64xf32, #tpu.memory_space<vmem_shared>> -> memref<128x64xf32, #tpu.memory_space<vmem_shared>>
      %dma_start3A_40 = arith.constant 0 : i32
      %dma_start3A_41 = tpu.memref_slice %arg21[%add3A_21, %dma_start3A_40] : memref<10240x64xf32, #tpu.memory_space<vmem_shared>> -> memref<128x64xf32, #tpu.memory_space<vmem_shared>>
      tpu.enqueue_dma source(%arg20 : memref<128x64xf32, #tpu.memory_space<vmem>>) target(%dma_start3A_41 : memref<128x64xf32, #tpu.memory_space<vmem_shared>>) target_semaphore(%run_scoped3A : memref<!tpu.dma_semaphore, #tpu.memory_space<semaphore_mem>>)
      %dma_wait3A = arith.constant 0 : i32
      %dma_wait3A_42 = tpu.memref_slice %arg21[%add3A_21, %dma_wait3A] : memref<10240x64xf32, #tpu.memory_space<vmem_shared>> -> memref<128x64xf32, #tpu.memory_space<vmem_shared>>
      %dma_wait3A_43 = arith.constant 0 : i32
      %dma_wait3A_44 = tpu.memref_slice %arg21[%add3A_21, %dma_wait3A_43] : memref<10240x64xf32, #tpu.memory_space<vmem_shared>> -> memref<128x64xf32, #tpu.memory_space<vmem_shared>>
      tpu.wait_dma2 semaphore(%run_scoped3A : memref<!tpu.dma_semaphore, #tpu.memory_space<semaphore_mem>>) src(%arg20 : memref<128x64xf32, #tpu.memory_space<vmem>>) dst(%dma_wait3A_44 : memref<128x64xf32, #tpu.memory_space<vmem_shared>>)
      tpu.yield
    }) : () -> ()
    %mul3A_22 = arith.constant 640 : i32
    %mul3A_23 = arith.muli %arg1, %mul3A_22 : i32
    %add3A_24 = arith.constant 512 : i32
    %add3A_25 = arith.addi %mul3A_23, %add3A_24 : i32
    "tpu.region"() ({
      %run_scoped3A = tpu.sem_alloc : memref<!tpu.dma_semaphore, #tpu.memory_space<semaphore_mem>>
      %dma_start3A = arith.constant 0 : i32
      %dma_start3A_39 = tpu.memref_slice %arg21[%add3A_25, %dma_start3A] : memref<10240x64xf32, #tpu.memory_space<vmem_shared>> -> memref<128x64xf32, #tpu.memory_space<vmem_shared>>
      %dma_start3A_40 = arith.constant 0 : i32
      %dma_start3A_41 = tpu.memref_slice %arg21[%add3A_25, %dma_start3A_40] : memref<10240x64xf32, #tpu.memory_space<vmem_shared>> -> memref<128x64xf32, #tpu.memory_space<vmem_shared>>
      tpu.enqueue_dma source(%arg20 : memref<128x64xf32, #tpu.memory_space<vmem>>) target(%dma_start3A_41 : memref<128x64xf32, #tpu.memory_space<vmem_shared>>) target_semaphore(%run_scoped3A : memref<!tpu.dma_semaphore, #tpu.memory_space<semaphore_mem>>)
      %dma_wait3A = arith.constant 0 : i32
      %dma_wait3A_42 = tpu.memref_slice %arg21[%add3A_25, %dma_wait3A] : memref<10240x64xf32, #tpu.memory_space<vmem_shared>> -> memref<128x64xf32, #tpu.memory_space<vmem_shared>>
      %dma_wait3A_43 = arith.constant 0 : i32
      %dma_wait3A_44 = tpu.memref_slice %arg21[%add3A_25, %dma_wait3A_43] : memref<10240x64xf32, #tpu.memory_space<vmem_shared>> -> memref<128x64xf32, #tpu.memory_space<vmem_shared>>
      tpu.wait_dma2 semaphore(%run_scoped3A : memref<!tpu.dma_semaphore, #tpu.memory_space<semaphore_mem>>) src(%arg20 : memref<128x64xf32, #tpu.memory_space<vmem>>) dst(%dma_wait3A_44 : memref<128x64xf32, #tpu.memory_space<vmem_shared>>)
      tpu.yield
    }) : () -> ()
    %barrier3A = arith.constant 0 : index
    tpu.barrier barrier_id(%barrier3A)
    %mul3A_26 = arith.constant 10000 : i32
    %mul3A_27 = arith.muli %add3A, %mul3A_26 : i32
    %scan3A_28 = arith.constant 0 : i32
    %scan3A_29 = arith.constant 0 : i32
    %scan3A_30 = arith.constant 25 : i32
    %scan3A_31 = arith.addi %scan3A_29, %scan3A_30 : i32
    %scan3A_32 = arith.constant 1 : i32
    scf.for %scan3A_39 = %scan3A_29 to %scan3A_31 step %scan3A_32  : i32 {
      %add3A_40 = arith.addi %scan3A_39, %arg1 : i32
      %rem3A = arith.constant 25 : i32
      %rem3A_41 = arith.remsi %add3A_40, %rem3A : i32
      %mul3A_42 = arith.constant 5 : i32
      %mul3A_43 = arith.muli %rem3A_41, %mul3A_42 : i32
      %mul3A_44 = arith.constant 80 : i32
      %mul3A_45 = arith.muli %mul3A_43, %mul3A_44 : i32
      %add3A_46 = arith.addi %mul3A_27, %mul3A_45 : i32
      %add3A_47 = arith.constant 0 : i32
      %add3A_48 = arith.addi %add3A_46, %add3A_47 : i32
      %dma_start3A = arith.constant 0 : i32
      %dma_start3A_49 = tpu.memref_slice %arg3[%dma_start3A, %add3A_48] : memref<2x320000xi32, #tpu.memory_space<hbm>> -> memref<1x80xi32, #tpu.memory_space<hbm>>
      %dma_start3A_50 = tpu.memref_squeeze %dma_start3A_49 : memref<1x80xi32, #tpu.memory_space<hbm>> -> memref<80xi32, #tpu.memory_space<hbm>>
      %dma_start3A_51 = tpu.memref_slice %arg3[%dma_start3A, %add3A_48] : memref<2x320000xi32, #tpu.memory_space<hbm>> -> memref<1x80xi32, #tpu.memory_space<hbm>>
      %dma_start3A_52 = tpu.memref_squeeze %dma_start3A_51 : memref<1x80xi32, #tpu.memory_space<hbm>> -> memref<80xi32, #tpu.memory_space<hbm>>
      tpu.enqueue_dma source(%dma_start3A_52 : memref<80xi32, #tpu.memory_space<hbm>>) target(%arg5 : memref<80xi32, #tpu.memory_space<vmem>>) target_semaphore(%arg22 : memref<!tpu.dma_semaphore, #tpu.memory_space<semaphore_mem>>)
      %add3A_53 = arith.constant 0 : i32
      %add3A_54 = arith.addi %add3A_46, %add3A_53 : i32
      %dma_start3A_55 = arith.constant 1 : i32
      %dma_start3A_56 = tpu.memref_slice %arg3[%dma_start3A_55, %add3A_54] : memref<2x320000xi32, #tpu.memory_space<hbm>> -> memref<1x80xi32, #tpu.memory_space<hbm>>
      %dma_start3A_57 = tpu.memref_squeeze %dma_start3A_56 : memref<1x80xi32, #tpu.memory_space<hbm>> -> memref<80xi32, #tpu.memory_space<hbm>>
      %dma_start3A_58 = tpu.memref_slice %arg3[%dma_start3A_55, %add3A_54] : memref<2x320000xi32, #tpu.memory_space<hbm>> -> memref<1x80xi32, #tpu.memory_space<hbm>>
      %dma_start3A_59 = tpu.memref_squeeze %dma_start3A_58 : memref<1x80xi32, #tpu.memory_space<hbm>> -> memref<80xi32, #tpu.memory_space<hbm>>
      tpu.enqueue_dma source(%dma_start3A_59 : memref<80xi32, #tpu.memory_space<hbm>>) target(%arg10 : memref<80xi32, #tpu.memory_space<vmem>>) target_semaphore(%arg22 : memref<!tpu.dma_semaphore, #tpu.memory_space<semaphore_mem>>)
      %add3A_60 = arith.constant 80 : i32
      %add3A_61 = arith.addi %add3A_46, %add3A_60 : i32
      %dma_start3A_62 = arith.constant 0 : i32
      %dma_start3A_63 = tpu.memref_slice %arg3[%dma_start3A_62, %add3A_61] : memref<2x320000xi32, #tpu.memory_space<hbm>> -> memref<1x80xi32, #tpu.memory_space<hbm>>
      %dma_start3A_64 = tpu.memref_squeeze %dma_start3A_63 : memref<1x80xi32, #tpu.memory_space<hbm>> -> memref<80xi32, #tpu.memory_space<hbm>>
      %dma_start3A_65 = tpu.memref_slice %arg3[%dma_start3A_62, %add3A_61] : memref<2x320000xi32, #tpu.memory_space<hbm>> -> memref<1x80xi32, #tpu.memory_space<hbm>>
      %dma_start3A_66 = tpu.memref_squeeze %dma_start3A_65 : memref<1x80xi32, #tpu.memory_space<hbm>> -> memref<80xi32, #tpu.memory_space<hbm>>
      tpu.enqueue_dma source(%dma_start3A_66 : memref<80xi32, #tpu.memory_space<hbm>>) target(%arg6 : memref<80xi32, #tpu.memory_space<vmem>>) target_semaphore(%arg22 : memref<!tpu.dma_semaphore, #tpu.memory_space<semaphore_mem>>)
      %add3A_67 = arith.constant 80 : i32
      %add3A_68 = arith.addi %add3A_46, %add3A_67 : i32
      %dma_start3A_69 = arith.constant 1 : i32
      %dma_start3A_70 = tpu.memref_slice %arg3[%dma_start3A_69, %add3A_68] : memref<2x320000xi32, #tpu.memory_space<hbm>> -> memref<1x80xi32, #tpu.memory_space<hbm>>
      %dma_start3A_71 = tpu.memref_squeeze %dma_start3A_70 : memref<1x80xi32, #tpu.memory_space<hbm>> -> memref<80xi32, #tpu.memory_space<hbm>>
      %dma_start3A_72 = tpu.memref_slice %arg3[%dma_start3A_69, %add3A_68] : memref<2x320000xi32, #tpu.memory_space<hbm>> -> memref<1x80xi32, #tpu.memory_space<hbm>>
      %dma_start3A_73 = tpu.memref_squeeze %dma_start3A_72 : memref<1x80xi32, #tpu.memory_space<hbm>> -> memref<80xi32, #tpu.memory_space<hbm>>
      tpu.enqueue_dma source(%dma_start3A_73 : memref<80xi32, #tpu.memory_space<hbm>>) target(%arg11 : memref<80xi32, #tpu.memory_space<vmem>>) target_semaphore(%arg22 : memref<!tpu.dma_semaphore, #tpu.memory_space<semaphore_mem>>)
      %add3A_74 = arith.constant 160 : i32
      %add3A_75 = arith.addi %add3A_46, %add3A_74 : i32
      %dma_start3A_76 = arith.constant 0 : i32
      %dma_start3A_77 = tpu.memref_slice %arg3[%dma_start3A_76, %add3A_75] : memref<2x320000xi32, #tpu.memory_space<hbm>> -> memref<1x80xi32, #tpu.memory_space<hbm>>
      %dma_start3A_78 = tpu.memref_squeeze %dma_start3A_77 : memref<1x80xi32, #tpu.memory_space<hbm>> -> memref<80xi32, #tpu.memory_space<hbm>>
      %dma_start3A_79 = tpu.memref_slice %arg3[%dma_start3A_76, %add3A_75] : memref<2x320000xi32, #tpu.memory_space<hbm>> -> memref<1x80xi32, #tpu.memory_space<hbm>>
      %dma_start3A_80 = tpu.memref_squeeze %dma_start3A_79 : memref<1x80xi32, #tpu.memory_space<hbm>> -> memref<80xi32, #tpu.memory_space<hbm>>
      tpu.enqueue_dma source(%dma_start3A_80 : memref<80xi32, #tpu.memory_space<hbm>>) target(%arg7 : memref<80xi32, #tpu.memory_space<vmem>>) target_semaphore(%arg22 : memref<!tpu.dma_semaphore, #tpu.memory_space<semaphore_mem>>)
      %add3A_81 = arith.constant 160 : i32
      %add3A_82 = arith.addi %add3A_46, %add3A_81 : i32
      %dma_start3A_83 = arith.constant 1 : i32
      %dma_start3A_84 = tpu.memref_slice %arg3[%dma_start3A_83, %add3A_82] : memref<2x320000xi32, #tpu.memory_space<hbm>> -> memref<1x80xi32, #tpu.memory_space<hbm>>
      %dma_start3A_85 = tpu.memref_squeeze %dma_start3A_84 : memref<1x80xi32, #tpu.memory_space<hbm>> -> memref<80xi32, #tpu.memory_space<hbm>>
      %dma_start3A_86 = tpu.memref_slice %arg3[%dma_start3A_83, %add3A_82] : memref<2x320000xi32, #tpu.memory_space<hbm>> -> memref<1x80xi32, #tpu.memory_space<hbm>>
      %dma_start3A_87 = tpu.memref_squeeze %dma_start3A_86 : memref<1x80xi32, #tpu.memory_space<hbm>> -> memref<80xi32, #tpu.memory_space<hbm>>
      tpu.enqueue_dma source(%dma_start3A_87 : memref<80xi32, #tpu.memory_space<hbm>>) target(%arg12 : memref<80xi32, #tpu.memory_space<vmem>>) target_semaphore(%arg22 : memref<!tpu.dma_semaphore, #tpu.memory_space<semaphore_mem>>)
      %add3A_88 = arith.constant 240 : i32
      %add3A_89 = arith.addi %add3A_46, %add3A_88 : i32
      %dma_start3A_90 = arith.constant 0 : i32
      %dma_start3A_91 = tpu.memref_slice %arg3[%dma_start3A_90, %add3A_89] : memref<2x320000xi32, #tpu.memory_space<hbm>> -> memref<1x80xi32, #tpu.memory_space<hbm>>
      %dma_start3A_92 = tpu.memref_squeeze %dma_start3A_91 : memref<1x80xi32, #tpu.memory_space<hbm>> -> memref<80xi32, #tpu.memory_space<hbm>>
      %dma_start3A_93 = tpu.memref_slice %arg3[%dma_start3A_90, %add3A_89] : memref<2x320000xi32, #tpu.memory_space<hbm>> -> memref<1x80xi32, #tpu.memory_space<hbm>>
      %dma_start3A_94 = tpu.memref_squeeze %dma_start3A_93 : memref<1x80xi32, #tpu.memory_space<hbm>> -> memref<80xi32, #tpu.memory_space<hbm>>
      tpu.enqueue_dma source(%dma_start3A_94 : memref<80xi32, #tpu.memory_space<hbm>>) target(%arg8 : memref<80xi32, #tpu.memory_space<vmem>>) target_semaphore(%arg22 : memref<!tpu.dma_semaphore, #tpu.memory_space<semaphore_mem>>)
      %add3A_95 = arith.constant 240 : i32
      %add3A_96 = arith.addi %add3A_46, %add3A_95 : i32
      %dma_start3A_97 = arith.constant 1 : i32
      %dma_start3A_98 = tpu.memref_slice %arg3[%dma_start3A_97, %add3A_96] : memref<2x320000xi32, #tpu.memory_space<hbm>> -> memref<1x80xi32, #tpu.memory_space<hbm>>
      %dma_start3A_99 = tpu.memref_squeeze %dma_start3A_98 : memref<1x80xi32, #tpu.memory_space<hbm>> -> memref<80xi32, #tpu.memory_space<hbm>>
      %dma_start3A_100 = tpu.memref_slice %arg3[%dma_start3A_97, %add3A_96] : memref<2x320000xi32, #tpu.memory_space<hbm>> -> memref<1x80xi32, #tpu.memory_space<hbm>>
      %dma_start3A_101 = tpu.memref_squeeze %dma_start3A_100 : memref<1x80xi32, #tpu.memory_space<hbm>> -> memref<80xi32, #tpu.memory_space<hbm>>
      tpu.enqueue_dma source(%dma_start3A_101 : memref<80xi32, #tpu.memory_space<hbm>>) target(%arg13 : memref<80xi32, #tpu.memory_space<vmem>>) target_semaphore(%arg22 : memref<!tpu.dma_semaphore, #tpu.memory_space<semaphore_mem>>)
      %add3A_102 = arith.constant 320 : i32
      %add3A_103 = arith.addi %add3A_46, %add3A_102 : i32
      %dma_start3A_104 = arith.constant 0 : i32
      %dma_start3A_105 = tpu.memref_slice %arg3[%dma_start3A_104, %add3A_103] : memref<2x320000xi32, #tpu.memory_space<hbm>> -> memref<1x80xi32, #tpu.memory_space<hbm>>
      %dma_start3A_106 = tpu.memref_squeeze %dma_start3A_105 : memref<1x80xi32, #tpu.memory_space<hbm>> -> memref<80xi32, #tpu.memory_space<hbm>>
      %dma_start3A_107 = tpu.memref_slice %arg3[%dma_start3A_104, %add3A_103] : memref<2x320000xi32, #tpu.memory_space<hbm>> -> memref<1x80xi32, #tpu.memory_space<hbm>>
      %dma_start3A_108 = tpu.memref_squeeze %dma_start3A_107 : memref<1x80xi32, #tpu.memory_space<hbm>> -> memref<80xi32, #tpu.memory_space<hbm>>
      tpu.enqueue_dma source(%dma_start3A_108 : memref<80xi32, #tpu.memory_space<hbm>>) target(%arg9 : memref<80xi32, #tpu.memory_space<vmem>>) target_semaphore(%arg22 : memref<!tpu.dma_semaphore, #tpu.memory_space<semaphore_mem>>)
      %add3A_109 = arith.constant 320 : i32
      %add3A_110 = arith.addi %add3A_46, %add3A_109 : i32
      %dma_start3A_111 = arith.constant 1 : i32
      %dma_start3A_112 = tpu.memref_slice %arg3[%dma_start3A_111, %add3A_110] : memref<2x320000xi32, #tpu.memory_space<hbm>> -> memref<1x80xi32, #tpu.memory_space<hbm>>
      %dma_start3A_113 = tpu.memref_squeeze %dma_start3A_112 : memref<1x80xi32, #tpu.memory_space<hbm>> -> memref<80xi32, #tpu.memory_space<hbm>>
      %dma_start3A_114 = tpu.memref_slice %arg3[%dma_start3A_111, %add3A_110] : memref<2x320000xi32, #tpu.memory_space<hbm>> -> memref<1x80xi32, #tpu.memory_space<hbm>>
      %dma_start3A_115 = tpu.memref_squeeze %dma_start3A_114 : memref<1x80xi32, #tpu.memory_space<hbm>> -> memref<80xi32, #tpu.memory_space<hbm>>
      tpu.enqueue_dma source(%dma_start3A_115 : memref<80xi32, #tpu.memory_space<hbm>>) target(%arg14 : memref<80xi32, #tpu.memory_space<vmem>>) target_semaphore(%arg22 : memref<!tpu.dma_semaphore, #tpu.memory_space<semaphore_mem>>)
      %dma_wait3A = arith.constant 0 : i32
      %dma_wait3A_116 = tpu.memref_slice %arg3[%dma_wait3A, %add3A_48] : memref<2x320000xi32, #tpu.memory_space<hbm>> -> memref<1x80xi32, #tpu.memory_space<hbm>>
      %dma_wait3A_117 = tpu.memref_squeeze %dma_wait3A_116 : memref<1x80xi32, #tpu.memory_space<hbm>> -> memref<80xi32, #tpu.memory_space<hbm>>
      %dma_wait3A_118 = tpu.memref_slice %arg3[%dma_wait3A, %add3A_48] : memref<2x320000xi32, #tpu.memory_space<hbm>> -> memref<1x80xi32, #tpu.memory_space<hbm>>
      %dma_wait3A_119 = tpu.memref_squeeze %dma_wait3A_118 : memref<1x80xi32, #tpu.memory_space<hbm>> -> memref<80xi32, #tpu.memory_space<hbm>>
      tpu.wait_dma2 semaphore(%arg22 : memref<!tpu.dma_semaphore, #tpu.memory_space<semaphore_mem>>) src(%dma_wait3A_119 : memref<80xi32, #tpu.memory_space<hbm>>) dst(%arg5 : memref<80xi32, #tpu.memory_space<vmem>>)
      %dma_wait3A_120 = arith.constant 1 : i32
      %dma_wait3A_121 = tpu.memref_slice %arg3[%dma_wait3A_120, %add3A_54] : memref<2x320000xi32, #tpu.memory_space<hbm>> -> memref<1x80xi32, #tpu.memory_space<hbm>>
      %dma_wait3A_122 = tpu.memref_squeeze %dma_wait3A_121 : memref<1x80xi32, #tpu.memory_space<hbm>> -> memref<80xi32, #tpu.memory_space<hbm>>
      %dma_wait3A_123 = tpu.memref_slice %arg3[%dma_wait3A_120, %add3A_54] : memref<2x320000xi32, #tpu.memory_space<hbm>> -> memref<1x80xi32, #tpu.memory_space<hbm>>
      %dma_wait3A_124 = tpu.memref_squeeze %dma_wait3A_123 : memref<1x80xi32, #tpu.memory_space<hbm>> -> memref<80xi32, #tpu.memory_space<hbm>>
      tpu.wait_dma2 semaphore(%arg22 : memref<!tpu.dma_semaphore, #tpu.memory_space<semaphore_mem>>) src(%dma_wait3A_124 : memref<80xi32, #tpu.memory_space<hbm>>) dst(%arg10 : memref<80xi32, #tpu.memory_space<vmem>>)
      %dma_wait3A_125 = arith.constant 0 : i32
      %dma_wait3A_126 = tpu.memref_slice %arg3[%dma_wait3A_125, %add3A_61] : memref<2x320000xi32, #tpu.memory_space<hbm>> -> memref<1x80xi32, #tpu.memory_space<hbm>>
      %dma_wait3A_127 = tpu.memref_squeeze %dma_wait3A_126 : memref<1x80xi32, #tpu.memory_space<hbm>> -> memref<80xi32, #tpu.memory_space<hbm>>
      %dma_wait3A_128 = tpu.memref_slice %arg3[%dma_wait3A_125, %add3A_61] : memref<2x320000xi32, #tpu.memory_space<hbm>> -> memref<1x80xi32, #tpu.memory_space<hbm>>
      %dma_wait3A_129 = tpu.memref_squeeze %dma_wait3A_128 : memref<1x80xi32, #tpu.memory_space<hbm>> -> memref<80xi32, #tpu.memory_space<hbm>>
      tpu.wait_dma2 semaphore(%arg22 : memref<!tpu.dma_semaphore, #tpu.memory_space<semaphore_mem>>) src(%dma_wait3A_129 : memref<80xi32, #tpu.memory_space<hbm>>) dst(%arg6 : memref<80xi32, #tpu.memory_space<vmem>>)
      %dma_wait3A_130 = arith.constant 1 : i32
      %dma_wait3A_131 = tpu.memref_slice %arg3[%dma_wait3A_130, %add3A_68] : memref<2x320000xi32, #tpu.memory_space<hbm>> -> memref<1x80xi32, #tpu.memory_space<hbm>>
      %dma_wait3A_132 = tpu.memref_squeeze %dma_wait3A_131 : memref<1x80xi32, #tpu.memory_space<hbm>> -> memref<80xi32, #tpu.memory_space<hbm>>
      %dma_wait3A_133 = tpu.memref_slice %arg3[%dma_wait3A_130, %add3A_68] : memref<2x320000xi32, #tpu.memory_space<hbm>> -> memref<1x80xi32, #tpu.memory_space<hbm>>
      %dma_wait3A_134 = tpu.memref_squeeze %dma_wait3A_133 : memref<1x80xi32, #tpu.memory_space<hbm>> -> memref<80xi32, #tpu.memory_space<hbm>>
      tpu.wait_dma2 semaphore(%arg22 : memref<!tpu.dma_semaphore, #tpu.memory_space<semaphore_mem>>) src(%dma_wait3A_134 : memref<80xi32, #tpu.memory_space<hbm>>) dst(%arg11 : memref<80xi32, #tpu.memory_space<vmem>>)
      %dma_wait3A_135 = arith.constant 0 : i32
      %dma_wait3A_136 = tpu.memref_slice %arg3[%dma_wait3A_135, %add3A_75] : memref<2x320000xi32, #tpu.memory_space<hbm>> -> memref<1x80xi32, #tpu.memory_space<hbm>>
      %dma_wait3A_137 = tpu.memref_squeeze %dma_wait3A_136 : memref<1x80xi32, #tpu.memory_space<hbm>> -> memref<80xi32, #tpu.memory_space<hbm>>
      %dma_wait3A_138 = tpu.memref_slice %arg3[%dma_wait3A_135, %add3A_75] : memref<2x320000xi32, #tpu.memory_space<hbm>> -> memref<1x80xi32, #tpu.memory_space<hbm>>
      %dma_wait3A_139 = tpu.memref_squeeze %dma_wait3A_138 : memref<1x80xi32, #tpu.memory_space<hbm>> -> memref<80xi32, #tpu.memory_space<hbm>>
      tpu.wait_dma2 semaphore(%arg22 : memref<!tpu.dma_semaphore, #tpu.memory_space<semaphore_mem>>) src(%dma_wait3A_139 : memref<80xi32, #tpu.memory_space<hbm>>) dst(%arg7 : memref<80xi32, #tpu.memory_space<vmem>>)
      %dma_wait3A_140 = arith.constant 1 : i32
      %dma_wait3A_141 = tpu.memref_slice %arg3[%dma_wait3A_140, %add3A_82] : memref<2x320000xi32, #tpu.memory_space<hbm>> -> memref<1x80xi32, #tpu.memory_space<hbm>>
      %dma_wait3A_142 = tpu.memref_squeeze %dma_wait3A_141 : memref<1x80xi32, #tpu.memory_space<hbm>> -> memref<80xi32, #tpu.memory_space<hbm>>
      %dma_wait3A_143 = tpu.memref_slice %arg3[%dma_wait3A_140, %add3A_82] : memref<2x320000xi32, #tpu.memory_space<hbm>> -> memref<1x80xi32, #tpu.memory_space<hbm>>
      %dma_wait3A_144 = tpu.memref_squeeze %dma_wait3A_143 : memref<1x80xi32, #tpu.memory_space<hbm>> -> memref<80xi32, #tpu.memory_space<hbm>>
      tpu.wait_dma2 semaphore(%arg22 : memref<!tpu.dma_semaphore, #tpu.memory_space<semaphore_mem>>) src(%dma_wait3A_144 : memref<80xi32, #tpu.memory_space<hbm>>) dst(%arg12 : memref<80xi32, #tpu.memory_space<vmem>>)
      %dma_wait3A_145 = arith.constant 0 : i32
      %dma_wait3A_146 = tpu.memref_slice %arg3[%dma_wait3A_145, %add3A_89] : memref<2x320000xi32, #tpu.memory_space<hbm>> -> memref<1x80xi32, #tpu.memory_space<hbm>>
      %dma_wait3A_147 = tpu.memref_squeeze %dma_wait3A_146 : memref<1x80xi32, #tpu.memory_space<hbm>> -> memref<80xi32, #tpu.memory_space<hbm>>
      %dma_wait3A_148 = tpu.memref_slice %arg3[%dma_wait3A_145, %add3A_89] : memref<2x320000xi32, #tpu.memory_space<hbm>> -> memref<1x80xi32, #tpu.memory_space<hbm>>
      %dma_wait3A_149 = tpu.memref_squeeze %dma_wait3A_148 : memref<1x80xi32, #tpu.memory_space<hbm>> -> memref<80xi32, #tpu.memory_space<hbm>>
      tpu.wait_dma2 semaphore(%arg22 : memref<!tpu.dma_semaphore, #tpu.memory_space<semaphore_mem>>) src(%dma_wait3A_149 : memref<80xi32, #tpu.memory_space<hbm>>) dst(%arg8 : memref<80xi32, #tpu.memory_space<vmem>>)
      %dma_wait3A_150 = arith.constant 1 : i32
      %dma_wait3A_151 = tpu.memref_slice %arg3[%dma_wait3A_150, %add3A_96] : memref<2x320000xi32, #tpu.memory_space<hbm>> -> memref<1x80xi32, #tpu.memory_space<hbm>>
      %dma_wait3A_152 = tpu.memref_squeeze %dma_wait3A_151 : memref<1x80xi32, #tpu.memory_space<hbm>> -> memref<80xi32, #tpu.memory_space<hbm>>
      %dma_wait3A_153 = tpu.memref_slice %arg3[%dma_wait3A_150, %add3A_96] : memref<2x320000xi32, #tpu.memory_space<hbm>> -> memref<1x80xi32, #tpu.memory_space<hbm>>
      %dma_wait3A_154 = tpu.memref_squeeze %dma_wait3A_153 : memref<1x80xi32, #tpu.memory_space<hbm>> -> memref<80xi32, #tpu.memory_space<hbm>>
      tpu.wait_dma2 semaphore(%arg22 : memref<!tpu.dma_semaphore, #tpu.memory_space<semaphore_mem>>) src(%dma_wait3A_154 : memref<80xi32, #tpu.memory_space<hbm>>) dst(%arg13 : memref<80xi32, #tpu.memory_space<vmem>>)
      %dma_wait3A_155 = arith.constant 0 : i32
      %dma_wait3A_156 = tpu.memref_slice %arg3[%dma_wait3A_155, %add3A_103] : memref<2x320000xi32, #tpu.memory_space<hbm>> -> memref<1x80xi32, #tpu.memory_space<hbm>>
      %dma_wait3A_157 = tpu.memref_squeeze %dma_wait3A_156 : memref<1x80xi32, #tpu.memory_space<hbm>> -> memref<80xi32, #tpu.memory_space<hbm>>
      %dma_wait3A_158 = tpu.memref_slice %arg3[%dma_wait3A_155, %add3A_103] : memref<2x320000xi32, #tpu.memory_space<hbm>> -> memref<1x80xi32, #tpu.memory_space<hbm>>
      %dma_wait3A_159 = tpu.memref_squeeze %dma_wait3A_158 : memref<1x80xi32, #tpu.memory_space<hbm>> -> memref<80xi32, #tpu.memory_space<hbm>>
      tpu.wait_dma2 semaphore(%arg22 : memref<!tpu.dma_semaphore, #tpu.memory_space<semaphore_mem>>) src(%dma_wait3A_159 : memref<80xi32, #tpu.memory_space<hbm>>) dst(%arg9 : memref<80xi32, #tpu.memory_space<vmem>>)
      %dma_wait3A_160 = arith.constant 1 : i32
      %dma_wait3A_161 = tpu.memref_slice %arg3[%dma_wait3A_160, %add3A_110] : memref<2x320000xi32, #tpu.memory_space<hbm>> -> memref<1x80xi32, #tpu.memory_space<hbm>>
      %dma_wait3A_162 = tpu.memref_squeeze %dma_wait3A_161 : memref<1x80xi32, #tpu.memory_space<hbm>> -> memref<80xi32, #tpu.memory_space<hbm>>
      %dma_wait3A_163 = tpu.memref_slice %arg3[%dma_wait3A_160, %add3A_110] : memref<2x320000xi32, #tpu.memory_space<hbm>> -> memref<1x80xi32, #tpu.memory_space<hbm>>
      %dma_wait3A_164 = tpu.memref_squeeze %dma_wait3A_163 : memref<1x80xi32, #tpu.memory_space<hbm>> -> memref<80xi32, #tpu.memory_space<hbm>>
      tpu.wait_dma2 semaphore(%arg22 : memref<!tpu.dma_semaphore, #tpu.memory_space<semaphore_mem>>) src(%dma_wait3A_164 : memref<80xi32, #tpu.memory_space<hbm>>) dst(%arg14 : memref<80xi32, #tpu.memory_space<vmem>>)
      %dma_start3A_165 = arith.constant 0 : i32
      %dma_start3A_166 = arith.constant 0 : i32
      %dma_start3A_167 = tpu.memref_slice %arg2[%dma_start3A_165, %dma_start3A_166] : memref<10000x64xf32, #tpu.memory_space<hbm>> -> memref<10000x64xf32, #tpu.memory_space<hbm>>
      tpu.enqueue_indirect_dma source(%dma_start3A_167 : memref<10000x64xf32, #tpu.memory_space<hbm>>) target(%arg15 : memref<80x64xf32, #tpu.memory_space<vmem>>) offsets(%arg5 : memref<80xi32, #tpu.memory_space<vmem>>) semaphore(%arg23 : memref<!tpu.dma_semaphore, #tpu.memory_space<semaphore_mem>>)
      %dma_start3A_168 = arith.constant 0 : i32
      %dma_start3A_169 = arith.constant 0 : i32
      %dma_start3A_170 = tpu.memref_slice %arg2[%dma_start3A_168, %dma_start3A_169] : memref<10000x64xf32, #tpu.memory_space<hbm>> -> memref<10000x64xf32, #tpu.memory_space<hbm>>
      tpu.enqueue_indirect_dma source(%dma_start3A_170 : memref<10000x64xf32, #tpu.memory_space<hbm>>) target(%arg16 : memref<80x64xf32, #tpu.memory_space<vmem>>) offsets(%arg6 : memref<80xi32, #tpu.memory_space<vmem>>) semaphore(%arg23 : memref<!tpu.dma_semaphore, #tpu.memory_space<semaphore_mem>>)
      %dma_start3A_171 = arith.constant 0 : i32
      %dma_start3A_172 = arith.constant 0 : i32
      %dma_start3A_173 = tpu.memref_slice %arg2[%dma_start3A_171, %dma_start3A_172] : memref<10000x64xf32, #tpu.memory_space<hbm>> -> memref<10000x64xf32, #tpu.memory_space<hbm>>
      tpu.enqueue_indirect_dma source(%dma_start3A_173 : memref<10000x64xf32, #tpu.memory_space<hbm>>) target(%arg17 : memref<80x64xf32, #tpu.memory_space<vmem>>) offsets(%arg7 : memref<80xi32, #tpu.memory_space<vmem>>) semaphore(%arg23 : memref<!tpu.dma_semaphore, #tpu.memory_space<semaphore_mem>>)
      %dma_start3A_174 = arith.constant 0 : i32
      %dma_start3A_175 = arith.constant 0 : i32
      %dma_start3A_176 = tpu.memref_slice %arg2[%dma_start3A_174, %dma_start3A_175] : memref<10000x64xf32, #tpu.memory_space<hbm>> -> memref<10000x64xf32, #tpu.memory_space<hbm>>
      tpu.enqueue_indirect_dma source(%dma_start3A_176 : memref<10000x64xf32, #tpu.memory_space<hbm>>) target(%arg18 : memref<80x64xf32, #tpu.memory_space<vmem>>) offsets(%arg8 : memref<80xi32, #tpu.memory_space<vmem>>) semaphore(%arg23 : memref<!tpu.dma_semaphore, #tpu.memory_space<semaphore_mem>>)
      %dma_start3A_177 = arith.constant 0 : i32
      %dma_start3A_178 = arith.constant 0 : i32
      %dma_start3A_179 = tpu.memref_slice %arg2[%dma_start3A_177, %dma_start3A_178] : memref<10000x64xf32, #tpu.memory_space<hbm>> -> memref<10000x64xf32, #tpu.memory_space<hbm>>
      tpu.enqueue_indirect_dma source(%dma_start3A_179 : memref<10000x64xf32, #tpu.memory_space<hbm>>) target(%arg19 : memref<80x64xf32, #tpu.memory_space<vmem>>) offsets(%arg9 : memref<80xi32, #tpu.memory_space<vmem>>) semaphore(%arg23 : memref<!tpu.dma_semaphore, #tpu.memory_space<semaphore_mem>>)
      %dma_wait3A_180 = arith.constant 0 : i32
      %dma_wait3A_181 = arith.constant 0 : i32
      %dma_wait3A_182 = tpu.memref_slice %arg2[%dma_wait3A_180, %dma_wait3A_181] : memref<10000x64xf32, #tpu.memory_space<hbm>> -> memref<10000x64xf32, #tpu.memory_space<hbm>>
      tpu.wait_indirect_dma semaphore(%arg23 : memref<!tpu.dma_semaphore, #tpu.memory_space<semaphore_mem>>) src(%dma_wait3A_182 : memref<10000x64xf32, #tpu.memory_space<hbm>>) dst(%arg15 : memref<80x64xf32, #tpu.memory_space<vmem>>)
      %dma_wait3A_183 = arith.constant 0 : i32
      %dma_wait3A_184 = arith.constant 0 : i32
      %dma_wait3A_185 = tpu.memref_slice %arg2[%dma_wait3A_183, %dma_wait3A_184] : memref<10000x64xf32, #tpu.memory_space<hbm>> -> memref<10000x64xf32, #tpu.memory_space<hbm>>
      tpu.wait_indirect_dma semaphore(%arg23 : memref<!tpu.dma_semaphore, #tpu.memory_space<semaphore_mem>>) src(%dma_wait3A_185 : memref<10000x64xf32, #tpu.memory_space<hbm>>) dst(%arg16 : memref<80x64xf32, #tpu.memory_space<vmem>>)
      %dma_wait3A_186 = arith.constant 0 : i32
      %dma_wait3A_187 = arith.constant 0 : i32
      %dma_wait3A_188 = tpu.memref_slice %arg2[%dma_wait3A_186, %dma_wait3A_187] : memref<10000x64xf32, #tpu.memory_space<hbm>> -> memref<10000x64xf32, #tpu.memory_space<hbm>>
      tpu.wait_indirect_dma semaphore(%arg23 : memref<!tpu.dma_semaphore, #tpu.memory_space<semaphore_mem>>) src(%dma_wait3A_188 : memref<10000x64xf32, #tpu.memory_space<hbm>>) dst(%arg17 : memref<80x64xf32, #tpu.memory_space<vmem>>)
      %dma_wait3A_189 = arith.constant 0 : i32
      %dma_wait3A_190 = arith.constant 0 : i32
      %dma_wait3A_191 = tpu.memref_slice %arg2[%dma_wait3A_189, %dma_wait3A_190] : memref<10000x64xf32, #tpu.memory_space<hbm>> -> memref<10000x64xf32, #tpu.memory_space<hbm>>
      tpu.wait_indirect_dma semaphore(%arg23 : memref<!tpu.dma_semaphore, #tpu.memory_space<semaphore_mem>>) src(%dma_wait3A_191 : memref<10000x64xf32, #tpu.memory_space<hbm>>) dst(%arg18 : memref<80x64xf32, #tpu.memory_space<vmem>>)
      %dma_wait3A_192 = arith.constant 0 : i32
      %dma_wait3A_193 = arith.constant 0 : i32
      %dma_wait3A_194 = tpu.memref_slice %arg2[%dma_wait3A_192, %dma_wait3A_193] : memref<10000x64xf32, #tpu.memory_space<hbm>> -> memref<10000x64xf32, #tpu.memory_space<hbm>>
      tpu.wait_indirect_dma semaphore(%arg23 : memref<!tpu.dma_semaphore, #tpu.memory_space<semaphore_mem>>) src(%dma_wait3A_194 : memref<10000x64xf32, #tpu.memory_space<hbm>>) dst(%arg19 : memref<80x64xf32, #tpu.memory_space<vmem>>)
      %dma_start3A_195 = arith.constant 0 : i32
      %dma_start3A_196 = arith.constant 0 : i32
      %dma_start3A_197 = tpu.memref_slice %arg21[%dma_start3A_195, %dma_start3A_196] : memref<10240x64xf32, #tpu.memory_space<vmem_shared>> -> memref<10240x64xf32, #tpu.memory_space<vmem_shared>>
      tpu.enqueue_indirect_dma source(%arg15 : memref<80x64xf32, #tpu.memory_space<vmem>>) target(%dma_start3A_197 : memref<10240x64xf32, #tpu.memory_space<vmem_shared>>) offsets(%arg10 : memref<80xi32, #tpu.memory_space<vmem>>) semaphore(%arg24 : memref<!tpu.dma_semaphore, #tpu.memory_space<semaphore_mem>>) {add = true}
      %dma_start3A_198 = arith.constant 0 : i32
      %dma_start3A_199 = arith.constant 0 : i32
      %dma_start3A_200 = tpu.memref_slice %arg21[%dma_start3A_198, %dma_start3A_199] : memref<10240x64xf32, #tpu.memory_space<vmem_shared>> -> memref<10240x64xf32, #tpu.memory_space<vmem_shared>>
      tpu.enqueue_indirect_dma source(%arg16 : memref<80x64xf32, #tpu.memory_space<vmem>>) target(%dma_start3A_200 : memref<10240x64xf32, #tpu.memory_space<vmem_shared>>) offsets(%arg11 : memref<80xi32, #tpu.memory_space<vmem>>) semaphore(%arg24 : memref<!tpu.dma_semaphore, #tpu.memory_space<semaphore_mem>>) {add = true}
      %dma_start3A_201 = arith.constant 0 : i32
      %dma_start3A_202 = arith.constant 0 : i32
      %dma_start3A_203 = tpu.memref_slice %arg21[%dma_start3A_201, %dma_start3A_202] : memref<10240x64xf32, #tpu.memory_space<vmem_shared>> -> memref<10240x64xf32, #tpu.memory_space<vmem_shared>>
      tpu.enqueue_indirect_dma source(%arg17 : memref<80x64xf32, #tpu.memory_space<vmem>>) target(%dma_start3A_203 : memref<10240x64xf32, #tpu.memory_space<vmem_shared>>) offsets(%arg12 : memref<80xi32, #tpu.memory_space<vmem>>) semaphore(%arg24 : memref<!tpu.dma_semaphore, #tpu.memory_space<semaphore_mem>>) {add = true}
      %dma_start3A_204 = arith.constant 0 : i32
      %dma_start3A_205 = arith.constant 0 : i32
      %dma_start3A_206 = tpu.memref_slice %arg21[%dma_start3A_204, %dma_start3A_205] : memref<10240x64xf32, #tpu.memory_space<vmem_shared>> -> memref<10240x64xf32, #tpu.memory_space<vmem_shared>>
      tpu.enqueue_indirect_dma source(%arg18 : memref<80x64xf32, #tpu.memory_space<vmem>>) target(%dma_start3A_206 : memref<10240x64xf32, #tpu.memory_space<vmem_shared>>) offsets(%arg13 : memref<80xi32, #tpu.memory_space<vmem>>) semaphore(%arg24 : memref<!tpu.dma_semaphore, #tpu.memory_space<semaphore_mem>>) {add = true}
      %dma_start3A_207 = arith.constant 0 : i32
      %dma_start3A_208 = arith.constant 0 : i32
      %dma_start3A_209 = tpu.memref_slice %arg21[%dma_start3A_207, %dma_start3A_208] : memref<10240x64xf32, #tpu.memory_space<vmem_shared>> -> memref<10240x64xf32, #tpu.memory_space<vmem_shared>>
      tpu.enqueue_indirect_dma source(%arg19 : memref<80x64xf32, #tpu.memory_space<vmem>>) target(%dma_start3A_209 : memref<10240x64xf32, #tpu.memory_space<vmem_shared>>) offsets(%arg14 : memref<80xi32, #tpu.memory_space<vmem>>) semaphore(%arg24 : memref<!tpu.dma_semaphore, #tpu.memory_space<semaphore_mem>>) {add = true}
      %dma_wait3A_210 = arith.constant 0 : i32
      %dma_wait3A_211 = arith.constant 0 : i32
      %dma_wait3A_212 = tpu.memref_slice %arg21[%dma_wait3A_210, %dma_wait3A_211] : memref<10240x64xf32, #tpu.memory_space<vmem_shared>> -> memref<10240x64xf32, #tpu.memory_space<vmem_shared>>
      tpu.wait_indirect_dma semaphore(%arg24 : memref<!tpu.dma_semaphore, #tpu.memory_space<semaphore_mem>>) src(%arg15 : memref<80x64xf32, #tpu.memory_space<vmem>>) dst(%dma_wait3A_212 : memref<10240x64xf32, #tpu.memory_space<vmem_shared>>)
      %dma_wait3A_213 = arith.constant 0 : i32
      %dma_wait3A_214 = arith.constant 0 : i32
      %dma_wait3A_215 = tpu.memref_slice %arg21[%dma_wait3A_213, %dma_wait3A_214] : memref<10240x64xf32, #tpu.memory_space<vmem_shared>> -> memref<10240x64xf32, #tpu.memory_space<vmem_shared>>
      tpu.wait_indirect_dma semaphore(%arg24 : memref<!tpu.dma_semaphore, #tpu.memory_space<semaphore_mem>>) src(%arg16 : memref<80x64xf32, #tpu.memory_space<vmem>>) dst(%dma_wait3A_215 : memref<10240x64xf32, #tpu.memory_space<vmem_shared>>)
      %dma_wait3A_216 = arith.constant 0 : i32
      %dma_wait3A_217 = arith.constant 0 : i32
      %dma_wait3A_218 = tpu.memref_slice %arg21[%dma_wait3A_216, %dma_wait3A_217] : memref<10240x64xf32, #tpu.memory_space<vmem_shared>> -> memref<10240x64xf32, #tpu.memory_space<vmem_shared>>
      tpu.wait_indirect_dma semaphore(%arg24 : memref<!tpu.dma_semaphore, #tpu.memory_space<semaphore_mem>>) src(%arg17 : memref<80x64xf32, #tpu.memory_space<vmem>>) dst(%dma_wait3A_218 : memref<10240x64xf32, #tpu.memory_space<vmem_shared>>)
      %dma_wait3A_219 = arith.constant 0 : i32
      %dma_wait3A_220 = arith.constant 0 : i32
      %dma_wait3A_221 = tpu.memref_slice %arg21[%dma_wait3A_219, %dma_wait3A_220] : memref<10240x64xf32, #tpu.memory_space<vmem_shared>> -> memref<10240x64xf32, #tpu.memory_space<vmem_shared>>
      tpu.wait_indirect_dma semaphore(%arg24 : memref<!tpu.dma_semaphore, #tpu.memory_space<semaphore_mem>>) src(%arg18 : memref<80x64xf32, #tpu.memory_space<vmem>>) dst(%dma_wait3A_221 : memref<10240x64xf32, #tpu.memory_space<vmem_shared>>)
      %dma_wait3A_222 = arith.constant 0 : i32
      %dma_wait3A_223 = arith.constant 0 : i32
      %dma_wait3A_224 = tpu.memref_slice %arg21[%dma_wait3A_222, %dma_wait3A_223] : memref<10240x64xf32, #tpu.memory_space<vmem_shared>> -> memref<10240x64xf32, #tpu.memory_space<vmem_shared>>
      tpu.wait_indirect_dma semaphore(%arg24 : memref<!tpu.dma_semaphore, #tpu.memory_space<semaphore_mem>>) src(%arg19 : memref<80x64xf32, #tpu.memory_space<vmem>>) dst(%dma_wait3A_224 : memref<10240x64xf32, #tpu.memory_space<vmem_shared>>)
    }
    %scan3A_33 = arith.constant 25 : i32
    %barrier3A_34 = arith.constant 0 : index
    tpu.barrier barrier_id(%barrier3A_34)
    %mul3A_35 = arith.constant 640 : i32
    %mul3A_36 = arith.muli %arg1, %mul3A_35 : i32
    %mul3A_37 = arith.constant 640 : i32
    %mul3A_38 = arith.muli %arg1, %mul3A_37 : i32
    "tpu.region"() ({
      %run_scoped3A = tpu.sem_alloc : memref<!tpu.dma_semaphore, #tpu.memory_space<semaphore_mem>>
      %dma_start3A = arith.constant 0 : i32
      %dma_start3A_39 = tpu.memref_slice %arg4[%arg0, %mul3A_38, %dma_start3A] : memref<2x10240x64xf32, #tpu.memory_space<hbm>> -> memref<1x640x64xf32, #tpu.memory_space<hbm>>
      %dma_start3A_40 = tpu.memref_squeeze %dma_start3A_39 : memref<1x640x64xf32, #tpu.memory_space<hbm>> -> memref<640x64xf32, #tpu.memory_space<hbm>>
      %dma_start3A_41 = arith.constant 0 : i32
      %dma_start3A_42 = tpu.memref_slice %arg21[%mul3A_36, %dma_start3A_41] : memref<10240x64xf32, #tpu.memory_space<vmem_shared>> -> memref<640x64xf32, #tpu.memory_space<vmem_shared>>
      tpu.enqueue_dma source(%dma_start3A_42 : memref<640x64xf32, #tpu.memory_space<vmem_shared>>) target(%dma_start3A_40 : memref<640x64xf32, #tpu.memory_space<hbm>>) target_semaphore(%run_scoped3A : memref<!tpu.dma_semaphore, #tpu.memory_space<semaphore_mem>>)
      %dma_wait3A = arith.constant 0 : i32
      %dma_wait3A_43 = tpu.memref_slice %arg4[%arg0, %mul3A_38, %dma_wait3A] : memref<2x10240x64xf32, #tpu.memory_space<hbm>> -> memref<1x640x64xf32, #tpu.memory_space<hbm>>
      %dma_wait3A_44 = tpu.memref_squeeze %dma_wait3A_43 : memref<1x640x64xf32, #tpu.memory_space<hbm>> -> memref<640x64xf32, #tpu.memory_space<hbm>>
      %dma_wait3A_45 = arith.constant 0 : i32
      %dma_wait3A_46 = tpu.memref_slice %arg21[%mul3A_36, %dma_wait3A_45] : memref<10240x64xf32, #tpu.memory_space<vmem_shared>> -> memref<640x64xf32, #tpu.memory_space<vmem_shared>>
      tpu.wait_dma2 semaphore(%run_scoped3A : memref<!tpu.dma_semaphore, #tpu.memory_space<semaphore_mem>>) src(%dma_wait3A_46 : memref<640x64xf32, #tpu.memory_space<vmem_shared>>) dst(%dma_wait3A_44 : memref<640x64xf32, #tpu.memory_space<hbm>>)
      tpu.yield
    }) : () -> ()
    return
  }
}

#map = affine_map<(d0, d1) -> (0, 0)>
#map1 = affine_map<(d0, d1) -> (0, 0, 0)>
module attributes {stable_mosaic.version = 14 : i64} {
  func.func @_sc_agg(%arg0: i32, %arg1: i32, %arg2: memref<10000x64xf32, #tpu.memory_space<hbm>>, %arg3: memref<2x320000xi32, #tpu.memory_space<hbm>>, %arg4: memref<2x10240x64xf32, #tpu.memory_space<hbm>>, %arg5: memref<80xi32, #tpu.memory_space<vmem>>, %arg6: memref<80xi32, #tpu.memory_space<vmem>>, %arg7: memref<80xi32, #tpu.memory_space<vmem>>, %arg8: memref<80xi32, #tpu.memory_space<vmem>>, %arg9: memref<80xi32, #tpu.memory_space<vmem>>, %arg10: memref<80xi32, #tpu.memory_space<vmem>>, %arg11: memref<80xi32, #tpu.memory_space<vmem>>, %arg12: memref<80xi32, #tpu.memory_space<vmem>>, %arg13: memref<80xi32, #tpu.memory_space<vmem>>, %arg14: memref<80xi32, #tpu.memory_space<vmem>>, %arg15: memref<80x64xf32, #tpu.memory_space<vmem>>, %arg16: memref<80x64xf32, #tpu.memory_space<vmem>>, %arg17: memref<80x64xf32, #tpu.memory_space<vmem>>, %arg18: memref<80x64xf32, #tpu.memory_space<vmem>>, %arg19: memref<80x64xf32, #tpu.memory_space<vmem>>, %arg20: memref<128x64xf32, #tpu.memory_space<vmem>>, %arg21: memref<10240x64xf32, #tpu.memory_space<vmem_shared>>, %arg22: memref<!tpu.dma_semaphore, #tpu.memory_space<semaphore_mem>>, %arg23: memref<!tpu.dma_semaphore, #tpu.memory_space<semaphore_mem>>, %arg24: memref<!tpu.dma_semaphore, #tpu.memory_space<semaphore_mem>>) attributes {dimension_semantics = [#tpu.dimension_semantics<core_parallel>, #tpu.dimension_semantics<subcore_parallel>], iteration_bounds = array<i64: 2, 16>, scalar_prefetch = 0 : i64, scratch_operands = 20 : i64, tpu.core_type = #tpu.core_type<sc_vector_subcore>, window_params = [{transform_indices = #map}, {transform_indices = #map}, {transform_indices = #map1}]} {
    %mul3A = arith.constant 16 : i32
    %mul3A_0 = arith.muli %arg0, %mul3A : i32
    %add3A = arith.addi %mul3A_0, %arg1 : i32
    %scan3A = arith.constant 0 : i32
    %scan3A_1 = arith.constant 0 : i32
    %scan3A_2 = arith.constant 128 : i32
    %scan3A_3 = arith.addi %scan3A_1, %scan3A_2 : i32
    %scan3A_4 = arith.constant 1 : i32
    scf.for %scan3A_39 = %scan3A_1 to %scan3A_3 step %scan3A_4  : i32 {
      %broadcast_in_dim3A = arith.constant 0.000000e+00 : f32
      %broadcast_in_dim3A_40 = vector.broadcast %broadcast_in_dim3A : f32 to vector<16xf32>
      %swap3A = arith.index_cast %scan3A_39 : i32 to index
      %swap3A_41 = arith.constant 0 : index
      %swap3A_42 = tpu.vector_load %arg20[%swap3A, %swap3A_41] {strides = array<i32>} : memref<128x64xf32, #tpu.memory_space<vmem>>, vector<1x16xf32>,
      %swap3A_43 = vector.shape_cast %swap3A_42 : vector<1x16xf32> to vector<16xf32>
      %swap3A_44 = vector.shape_cast %broadcast_in_dim3A_40 : vector<16xf32> to vector<1x16xf32>
      tpu.vector_store %arg20[%swap3A, %swap3A_41], %swap3A_44 {strides = array<i32>} : memref<128x64xf32, #tpu.memory_space<vmem>>, vector<1x16xf32>,
      %broadcast_in_dim3A_45 = arith.constant 0.000000e+00 : f32
      %broadcast_in_dim3A_46 = vector.broadcast %broadcast_in_dim3A_45 : f32 to vector<16xf32>
      %swap3A_47 = arith.index_cast %scan3A_39 : i32 to index
      %swap3A_48 = arith.constant 16 : index
      %swap3A_49 = tpu.vector_load %arg20[%swap3A_47, %swap3A_48] {strides = array<i32>} : memref<128x64xf32, #tpu.memory_space<vmem>>, vector<1x16xf32>,
      %swap3A_50 = vector.shape_cast %swap3A_49 : vector<1x16xf32> to vector<16xf32>
      %swap3A_51 = vector.shape_cast %broadcast_in_dim3A_46 : vector<16xf32> to vector<1x16xf32>
      tpu.vector_store %arg20[%swap3A_47, %swap3A_48], %swap3A_51 {strides = array<i32>} : memref<128x64xf32, #tpu.memory_space<vmem>>, vector<1x16xf32>,
      %broadcast_in_dim3A_52 = arith.constant 0.000000e+00 : f32
      %broadcast_in_dim3A_53 = vector.broadcast %broadcast_in_dim3A_52 : f32 to vector<16xf32>
      %swap3A_54 = arith.index_cast %scan3A_39 : i32 to index
      %swap3A_55 = arith.constant 32 : index
      %swap3A_56 = tpu.vector_load %arg20[%swap3A_54, %swap3A_55] {strides = array<i32>} : memref<128x64xf32, #tpu.memory_space<vmem>>, vector<1x16xf32>,
      %swap3A_57 = vector.shape_cast %swap3A_56 : vector<1x16xf32> to vector<16xf32>
      %swap3A_58 = vector.shape_cast %broadcast_in_dim3A_53 : vector<16xf32> to vector<1x16xf32>
      tpu.vector_store %arg20[%swap3A_54, %swap3A_55], %swap3A_58 {strides = array<i32>} : memref<128x64xf32, #tpu.memory_space<vmem>>, vector<1x16xf32>,
      %broadcast_in_dim3A_59 = arith.constant 0.000000e+00 : f32
      %broadcast_in_dim3A_60 = vector.broadcast %broadcast_in_dim3A_59 : f32 to vector<16xf32>
      %swap3A_61 = arith.index_cast %scan3A_39 : i32 to index
      %swap3A_62 = arith.constant 48 : index
      %swap3A_63 = tpu.vector_load %arg20[%swap3A_61, %swap3A_62] {strides = array<i32>} : memref<128x64xf32, #tpu.memory_space<vmem>>, vector<1x16xf32>,
      %swap3A_64 = vector.shape_cast %swap3A_63 : vector<1x16xf32> to vector<16xf32>
      %swap3A_65 = vector.shape_cast %broadcast_in_dim3A_60 : vector<16xf32> to vector<1x16xf32>
      tpu.vector_store %arg20[%swap3A_61, %swap3A_62], %swap3A_65 {strides = array<i32>} : memref<128x64xf32, #tpu.memory_space<vmem>>, vector<1x16xf32>,
    }
    %scan3A_5 = arith.constant 128 : i32
    %mul3A_6 = arith.constant 640 : i32
    %mul3A_7 = arith.muli %arg1, %mul3A_6 : i32
    %add3A_8 = arith.constant 0 : i32
    %add3A_9 = arith.addi %mul3A_7, %add3A_8 : i32
    "tpu.region"() ({
      %run_scoped3A = tpu.sem_alloc : memref<!tpu.dma_semaphore, #tpu.memory_space<semaphore_mem>>
      %dma_start3A = arith.constant 0 : i32
      %dma_start3A_39 = tpu.memref_slice %arg21[%add3A_9, %dma_start3A] : memref<10240x64xf32, #tpu.memory_space<vmem_shared>> -> memref<128x64xf32, #tpu.memory_space<vmem_shared>>
      %dma_start3A_40 = arith.constant 0 : i32
      %dma_start3A_41 = tpu.memref_slice %arg21[%add3A_9, %dma_start3A_40] : memref<10240x64xf32, #tpu.memory_space<vmem_shared>> -> memref<128x64xf32, #tpu.memory_space<vmem_shared>>
      tpu.enqueue_dma source(%arg20 : memref<128x64xf32, #tpu.memory_space<vmem>>) target(%dma_start3A_41 : memref<128x64xf32, #tpu.memory_space<vmem_shared>>) target_semaphore(%run_scoped3A : memref<!tpu.dma_semaphore, #tpu.memory_space<semaphore_mem>>)
      %dma_wait3A = arith.constant 0 : i32
      %dma_wait3A_42 = tpu.memref_slice %arg21[%add3A_9, %dma_wait3A] : memref<10240x64xf32, #tpu.memory_space<vmem_shared>> -> memref<128x64xf32, #tpu.memory_space<vmem_shared>>
      %dma_wait3A_43 = arith.constant 0 : i32
      %dma_wait3A_44 = tpu.memref_slice %arg21[%add3A_9, %dma_wait3A_43] : memref<10240x64xf32, #tpu.memory_space<vmem_shared>> -> memref<128x64xf32, #tpu.memory_space<vmem_shared>>
      tpu.wait_dma2 semaphore(%run_scoped3A : memref<!tpu.dma_semaphore, #tpu.memory_space<semaphore_mem>>) src(%arg20 : memref<128x64xf32, #tpu.memory_space<vmem>>) dst(%dma_wait3A_44 : memref<128x64xf32, #tpu.memory_space<vmem_shared>>)
      tpu.yield
    }) : () -> ()
    %mul3A_10 = arith.constant 640 : i32
    %mul3A_11 = arith.muli %arg1, %mul3A_10 : i32
    %add3A_12 = arith.constant 128 : i32
    %add3A_13 = arith.addi %mul3A_11, %add3A_12 : i32
    "tpu.region"() ({
      %run_scoped3A = tpu.sem_alloc : memref<!tpu.dma_semaphore, #tpu.memory_space<semaphore_mem>>
      %dma_start3A = arith.constant 0 : i32
      %dma_start3A_39 = tpu.memref_slice %arg21[%add3A_13, %dma_start3A] : memref<10240x64xf32, #tpu.memory_space<vmem_shared>> -> memref<128x64xf32, #tpu.memory_space<vmem_shared>>
      %dma_start3A_40 = arith.constant 0 : i32
      %dma_start3A_41 = tpu.memref_slice %arg21[%add3A_13, %dma_start3A_40] : memref<10240x64xf32, #tpu.memory_space<vmem_shared>> -> memref<128x64xf32, #tpu.memory_space<vmem_shared>>
      tpu.enqueue_dma source(%arg20 : memref<128x64xf32, #tpu.memory_space<vmem>>) target(%dma_start3A_41 : memref<128x64xf32, #tpu.memory_space<vmem_shared>>) target_semaphore(%run_scoped3A : memref<!tpu.dma_semaphore, #tpu.memory_space<semaphore_mem>>)
      %dma_wait3A = arith.constant 0 : i32
      %dma_wait3A_42 = tpu.memref_slice %arg21[%add3A_13, %dma_wait3A] : memref<10240x64xf32, #tpu.memory_space<vmem_shared>> -> memref<128x64xf32, #tpu.memory_space<vmem_shared>>
      %dma_wait3A_43 = arith.constant 0 : i32
      %dma_wait3A_44 = tpu.memref_slice %arg21[%add3A_13, %dma_wait3A_43] : memref<10240x64xf32, #tpu.memory_space<vmem_shared>> -> memref<128x64xf32, #tpu.memory_space<vmem_shared>>
      tpu.wait_dma2 semaphore(%run_scoped3A : memref<!tpu.dma_semaphore, #tpu.memory_space<semaphore_mem>>) src(%arg20 : memref<128x64xf32, #tpu.memory_space<vmem>>) dst(%dma_wait3A_44 : memref<128x64xf32, #tpu.memory_space<vmem_shared>>)
      tpu.yield
    }) : () -> ()
    %mul3A_14 = arith.constant 640 : i32
    %mul3A_15 = arith.muli %arg1, %mul3A_14 : i32
    %add3A_16 = arith.constant 256 : i32
    %add3A_17 = arith.addi %mul3A_15, %add3A_16 : i32
    "tpu.region"() ({
      %run_scoped3A = tpu.sem_alloc : memref<!tpu.dma_semaphore, #tpu.memory_space<semaphore_mem>>
      %dma_start3A = arith.constant 0 : i32
      %dma_start3A_39 = tpu.memref_slice %arg21[%add3A_17, %dma_start3A] : memref<10240x64xf32, #tpu.memory_space<vmem_shared>> -> memref<128x64xf32, #tpu.memory_space<vmem_shared>>
      %dma_start3A_40 = arith.constant 0 : i32
      %dma_start3A_41 = tpu.memref_slice %arg21[%add3A_17, %dma_start3A_40] : memref<10240x64xf32, #tpu.memory_space<vmem_shared>> -> memref<128x64xf32, #tpu.memory_space<vmem_shared>>
      tpu.enqueue_dma source(%arg20 : memref<128x64xf32, #tpu.memory_space<vmem>>) target(%dma_start3A_41 : memref<128x64xf32, #tpu.memory_space<vmem_shared>>) target_semaphore(%run_scoped3A : memref<!tpu.dma_semaphore, #tpu.memory_space<semaphore_mem>>)
      %dma_wait3A = arith.constant 0 : i32
      %dma_wait3A_42 = tpu.memref_slice %arg21[%add3A_17, %dma_wait3A] : memref<10240x64xf32, #tpu.memory_space<vmem_shared>> -> memref<128x64xf32, #tpu.memory_space<vmem_shared>>
      %dma_wait3A_43 = arith.constant 0 : i32
      %dma_wait3A_44 = tpu.memref_slice %arg21[%add3A_17, %dma_wait3A_43] : memref<10240x64xf32, #tpu.memory_space<vmem_shared>> -> memref<128x64xf32, #tpu.memory_space<vmem_shared>>
      tpu.wait_dma2 semaphore(%run_scoped3A : memref<!tpu.dma_semaphore, #tpu.memory_space<semaphore_mem>>) src(%arg20 : memref<128x64xf32, #tpu.memory_space<vmem>>) dst(%dma_wait3A_44 : memref<128x64xf32, #tpu.memory_space<vmem_shared>>)
      tpu.yield
    }) : () -> ()
    %mul3A_18 = arith.constant 640 : i32
    %mul3A_19 = arith.muli %arg1, %mul3A_18 : i32
    %add3A_20 = arith.constant 384 : i32
    %add3A_21 = arith.addi %mul3A_19, %add3A_20 : i32
    "tpu.region"() ({
      %run_scoped3A = tpu.sem_alloc : memref<!tpu.dma_semaphore, #tpu.memory_space<semaphore_mem>>
      %dma_start3A = arith.constant 0 : i32
      %dma_start3A_39 = tpu.memref_slice %arg21[%add3A_21, %dma_start3A] : memref<10240x64xf32, #tpu.memory_space<vmem_shared>> -> memref<128x64xf32, #tpu.memory_space<vmem_shared>>
      %dma_start3A_40 = arith.constant 0 : i32
      %dma_start3A_41 = tpu.memref_slice %arg21[%add3A_21, %dma_start3A_40] : memref<10240x64xf32, #tpu.memory_space<vmem_shared>> -> memref<128x64xf32, #tpu.memory_space<vmem_shared>>
      tpu.enqueue_dma source(%arg20 : memref<128x64xf32, #tpu.memory_space<vmem>>) target(%dma_start3A_41 : memref<128x64xf32, #tpu.memory_space<vmem_shared>>) target_semaphore(%run_scoped3A : memref<!tpu.dma_semaphore, #tpu.memory_space<semaphore_mem>>)
      %dma_wait3A = arith.constant 0 : i32
      %dma_wait3A_42 = tpu.memref_slice %arg21[%add3A_21, %dma_wait3A] : memref<10240x64xf32, #tpu.memory_space<vmem_shared>> -> memref<128x64xf32, #tpu.memory_space<vmem_shared>>
      %dma_wait3A_43 = arith.constant 0 : i32
      %dma_wait3A_44 = tpu.memref_slice %arg21[%add3A_21, %dma_wait3A_43] : memref<10240x64xf32, #tpu.memory_space<vmem_shared>> -> memref<128x64xf32, #tpu.memory_space<vmem_shared>>
      tpu.wait_dma2 semaphore(%run_scoped3A : memref<!tpu.dma_semaphore, #tpu.memory_space<semaphore_mem>>) src(%arg20 : memref<128x64xf32, #tpu.memory_space<vmem>>) dst(%dma_wait3A_44 : memref<128x64xf32, #tpu.memory_space<vmem_shared>>)
      tpu.yield
    }) : () -> ()
    %mul3A_22 = arith.constant 640 : i32
    %mul3A_23 = arith.muli %arg1, %mul3A_22 : i32
    %add3A_24 = arith.constant 512 : i32
    %add3A_25 = arith.addi %mul3A_23, %add3A_24 : i32
    "tpu.region"() ({
      %run_scoped3A = tpu.sem_alloc : memref<!tpu.dma_semaphore, #tpu.memory_space<semaphore_mem>>
      %dma_start3A = arith.constant 0 : i32
      %dma_start3A_39 = tpu.memref_slice %arg21[%add3A_25, %dma_start3A] : memref<10240x64xf32, #tpu.memory_space<vmem_shared>> -> memref<128x64xf32, #tpu.memory_space<vmem_shared>>
      %dma_start3A_40 = arith.constant 0 : i32
      %dma_start3A_41 = tpu.memref_slice %arg21[%add3A_25, %dma_start3A_40] : memref<10240x64xf32, #tpu.memory_space<vmem_shared>> -> memref<128x64xf32, #tpu.memory_space<vmem_shared>>
      tpu.enqueue_dma source(%arg20 : memref<128x64xf32, #tpu.memory_space<vmem>>) target(%dma_start3A_41 : memref<128x64xf32, #tpu.memory_space<vmem_shared>>) target_semaphore(%run_scoped3A : memref<!tpu.dma_semaphore, #tpu.memory_space<semaphore_mem>>)
      %dma_wait3A = arith.constant 0 : i32
      %dma_wait3A_42 = tpu.memref_slice %arg21[%add3A_25, %dma_wait3A] : memref<10240x64xf32, #tpu.memory_space<vmem_shared>> -> memref<128x64xf32, #tpu.memory_space<vmem_shared>>
      %dma_wait3A_43 = arith.constant 0 : i32
      %dma_wait3A_44 = tpu.memref_slice %arg21[%add3A_25, %dma_wait3A_43] : memref<10240x64xf32, #tpu.memory_space<vmem_shared>> -> memref<128x64xf32, #tpu.memory_space<vmem_shared>>
      tpu.wait_dma2 semaphore(%run_scoped3A : memref<!tpu.dma_semaphore, #tpu.memory_space<semaphore_mem>>) src(%arg20 : memref<128x64xf32, #tpu.memory_space<vmem>>) dst(%dma_wait3A_44 : memref<128x64xf32, #tpu.memory_space<vmem_shared>>)
      tpu.yield
    }) : () -> ()
    %barrier3A = arith.constant 0 : index
    tpu.barrier barrier_id(%barrier3A)
    %mul3A_26 = arith.constant 10000 : i32
    %mul3A_27 = arith.muli %add3A, %mul3A_26 : i32
    %scan3A_28 = arith.constant 0 : i32
    %scan3A_29 = arith.constant 0 : i32
    %scan3A_30 = arith.constant 25 : i32
    %scan3A_31 = arith.addi %scan3A_29, %scan3A_30 : i32
    %scan3A_32 = arith.constant 1 : i32
    scf.for %scan3A_39 = %scan3A_29 to %scan3A_31 step %scan3A_32  : i32 {
      %add3A_40 = arith.addi %scan3A_39, %arg1 : i32
      %rem3A = arith.constant 25 : i32
      %rem3A_41 = arith.remsi %add3A_40, %rem3A : i32
      %mul3A_42 = arith.constant 5 : i32
      %mul3A_43 = arith.muli %rem3A_41, %mul3A_42 : i32
      %mul3A_44 = arith.constant 80 : i32
      %mul3A_45 = arith.muli %mul3A_43, %mul3A_44 : i32
      %add3A_46 = arith.addi %mul3A_27, %mul3A_45 : i32
      %add3A_47 = arith.constant 0 : i32
      %add3A_48 = arith.addi %add3A_46, %add3A_47 : i32
      %dma_start3A = arith.constant 0 : i32
      %dma_start3A_49 = tpu.memref_slice %arg3[%dma_start3A, %add3A_48] : memref<2x320000xi32, #tpu.memory_space<hbm>> -> memref<1x80xi32, #tpu.memory_space<hbm>>
      %dma_start3A_50 = tpu.memref_squeeze %dma_start3A_49 : memref<1x80xi32, #tpu.memory_space<hbm>> -> memref<80xi32, #tpu.memory_space<hbm>>
      %dma_start3A_51 = tpu.memref_slice %arg3[%dma_start3A, %add3A_48] : memref<2x320000xi32, #tpu.memory_space<hbm>> -> memref<1x80xi32, #tpu.memory_space<hbm>>
      %dma_start3A_52 = tpu.memref_squeeze %dma_start3A_51 : memref<1x80xi32, #tpu.memory_space<hbm>> -> memref<80xi32, #tpu.memory_space<hbm>>
      tpu.enqueue_dma source(%dma_start3A_52 : memref<80xi32, #tpu.memory_space<hbm>>) target(%arg5 : memref<80xi32, #tpu.memory_space<vmem>>) target_semaphore(%arg22 : memref<!tpu.dma_semaphore, #tpu.memory_space<semaphore_mem>>)
      %add3A_53 = arith.constant 0 : i32
      %add3A_54 = arith.addi %add3A_46, %add3A_53 : i32
      %dma_start3A_55 = arith.constant 1 : i32
      %dma_start3A_56 = tpu.memref_slice %arg3[%dma_start3A_55, %add3A_54] : memref<2x320000xi32, #tpu.memory_space<hbm>> -> memref<1x80xi32, #tpu.memory_space<hbm>>
      %dma_start3A_57 = tpu.memref_squeeze %dma_start3A_56 : memref<1x80xi32, #tpu.memory_space<hbm>> -> memref<80xi32, #tpu.memory_space<hbm>>
      %dma_start3A_58 = tpu.memref_slice %arg3[%dma_start3A_55, %add3A_54] : memref<2x320000xi32, #tpu.memory_space<hbm>> -> memref<1x80xi32, #tpu.memory_space<hbm>>
      %dma_start3A_59 = tpu.memref_squeeze %dma_start3A_58 : memref<1x80xi32, #tpu.memory_space<hbm>> -> memref<80xi32, #tpu.memory_space<hbm>>
      tpu.enqueue_dma source(%dma_start3A_59 : memref<80xi32, #tpu.memory_space<hbm>>) target(%arg10 : memref<80xi32, #tpu.memory_space<vmem>>) target_semaphore(%arg22 : memref<!tpu.dma_semaphore, #tpu.memory_space<semaphore_mem>>)
      %add3A_60 = arith.constant 80 : i32
      %add3A_61 = arith.addi %add3A_46, %add3A_60 : i32
      %dma_start3A_62 = arith.constant 0 : i32
      %dma_start3A_63 = tpu.memref_slice %arg3[%dma_start3A_62, %add3A_61] : memref<2x320000xi32, #tpu.memory_space<hbm>> -> memref<1x80xi32, #tpu.memory_space<hbm>>
      %dma_start3A_64 = tpu.memref_squeeze %dma_start3A_63 : memref<1x80xi32, #tpu.memory_space<hbm>> -> memref<80xi32, #tpu.memory_space<hbm>>
      %dma_start3A_65 = tpu.memref_slice %arg3[%dma_start3A_62, %add3A_61] : memref<2x320000xi32, #tpu.memory_space<hbm>> -> memref<1x80xi32, #tpu.memory_space<hbm>>
      %dma_start3A_66 = tpu.memref_squeeze %dma_start3A_65 : memref<1x80xi32, #tpu.memory_space<hbm>> -> memref<80xi32, #tpu.memory_space<hbm>>
      tpu.enqueue_dma source(%dma_start3A_66 : memref<80xi32, #tpu.memory_space<hbm>>) target(%arg6 : memref<80xi32, #tpu.memory_space<vmem>>) target_semaphore(%arg22 : memref<!tpu.dma_semaphore, #tpu.memory_space<semaphore_mem>>)
      %add3A_67 = arith.constant 80 : i32
      %add3A_68 = arith.addi %add3A_46, %add3A_67 : i32
      %dma_start3A_69 = arith.constant 1 : i32
      %dma_start3A_70 = tpu.memref_slice %arg3[%dma_start3A_69, %add3A_68] : memref<2x320000xi32, #tpu.memory_space<hbm>> -> memref<1x80xi32, #tpu.memory_space<hbm>>
      %dma_start3A_71 = tpu.memref_squeeze %dma_start3A_70 : memref<1x80xi32, #tpu.memory_space<hbm>> -> memref<80xi32, #tpu.memory_space<hbm>>
      %dma_start3A_72 = tpu.memref_slice %arg3[%dma_start3A_69, %add3A_68] : memref<2x320000xi32, #tpu.memory_space<hbm>> -> memref<1x80xi32, #tpu.memory_space<hbm>>
      %dma_start3A_73 = tpu.memref_squeeze %dma_start3A_72 : memref<1x80xi32, #tpu.memory_space<hbm>> -> memref<80xi32, #tpu.memory_space<hbm>>
      tpu.enqueue_dma source(%dma_start3A_73 : memref<80xi32, #tpu.memory_space<hbm>>) target(%arg11 : memref<80xi32, #tpu.memory_space<vmem>>) target_semaphore(%arg22 : memref<!tpu.dma_semaphore, #tpu.memory_space<semaphore_mem>>)
      %add3A_74 = arith.constant 160 : i32
      %add3A_75 = arith.addi %add3A_46, %add3A_74 : i32
      %dma_start3A_76 = arith.constant 0 : i32
      %dma_start3A_77 = tpu.memref_slice %arg3[%dma_start3A_76, %add3A_75] : memref<2x320000xi32, #tpu.memory_space<hbm>> -> memref<1x80xi32, #tpu.memory_space<hbm>>
      %dma_start3A_78 = tpu.memref_squeeze %dma_start3A_77 : memref<1x80xi32, #tpu.memory_space<hbm>> -> memref<80xi32, #tpu.memory_space<hbm>>
      %dma_start3A_79 = tpu.memref_slice %arg3[%dma_start3A_76, %add3A_75] : memref<2x320000xi32, #tpu.memory_space<hbm>> -> memref<1x80xi32, #tpu.memory_space<hbm>>
      %dma_start3A_80 = tpu.memref_squeeze %dma_start3A_79 : memref<1x80xi32, #tpu.memory_space<hbm>> -> memref<80xi32, #tpu.memory_space<hbm>>
      tpu.enqueue_dma source(%dma_start3A_80 : memref<80xi32, #tpu.memory_space<hbm>>) target(%arg7 : memref<80xi32, #tpu.memory_space<vmem>>) target_semaphore(%arg22 : memref<!tpu.dma_semaphore, #tpu.memory_space<semaphore_mem>>)
      %add3A_81 = arith.constant 160 : i32
      %add3A_82 = arith.addi %add3A_46, %add3A_81 : i32
      %dma_start3A_83 = arith.constant 1 : i32
      %dma_start3A_84 = tpu.memref_slice %arg3[%dma_start3A_83, %add3A_82] : memref<2x320000xi32, #tpu.memory_space<hbm>> -> memref<1x80xi32, #tpu.memory_space<hbm>>
      %dma_start3A_85 = tpu.memref_squeeze %dma_start3A_84 : memref<1x80xi32, #tpu.memory_space<hbm>> -> memref<80xi32, #tpu.memory_space<hbm>>
      %dma_start3A_86 = tpu.memref_slice %arg3[%dma_start3A_83, %add3A_82] : memref<2x320000xi32, #tpu.memory_space<hbm>> -> memref<1x80xi32, #tpu.memory_space<hbm>>
      %dma_start3A_87 = tpu.memref_squeeze %dma_start3A_86 : memref<1x80xi32, #tpu.memory_space<hbm>> -> memref<80xi32, #tpu.memory_space<hbm>>
      tpu.enqueue_dma source(%dma_start3A_87 : memref<80xi32, #tpu.memory_space<hbm>>) target(%arg12 : memref<80xi32, #tpu.memory_space<vmem>>) target_semaphore(%arg22 : memref<!tpu.dma_semaphore, #tpu.memory_space<semaphore_mem>>)
      %add3A_88 = arith.constant 240 : i32
      %add3A_89 = arith.addi %add3A_46, %add3A_88 : i32
      %dma_start3A_90 = arith.constant 0 : i32
      %dma_start3A_91 = tpu.memref_slice %arg3[%dma_start3A_90, %add3A_89] : memref<2x320000xi32, #tpu.memory_space<hbm>> -> memref<1x80xi32, #tpu.memory_space<hbm>>
      %dma_start3A_92 = tpu.memref_squeeze %dma_start3A_91 : memref<1x80xi32, #tpu.memory_space<hbm>> -> memref<80xi32, #tpu.memory_space<hbm>>
      %dma_start3A_93 = tpu.memref_slice %arg3[%dma_start3A_90, %add3A_89] : memref<2x320000xi32, #tpu.memory_space<hbm>> -> memref<1x80xi32, #tpu.memory_space<hbm>>
      %dma_start3A_94 = tpu.memref_squeeze %dma_start3A_93 : memref<1x80xi32, #tpu.memory_space<hbm>> -> memref<80xi32, #tpu.memory_space<hbm>>
      tpu.enqueue_dma source(%dma_start3A_94 : memref<80xi32, #tpu.memory_space<hbm>>) target(%arg8 : memref<80xi32, #tpu.memory_space<vmem>>) target_semaphore(%arg22 : memref<!tpu.dma_semaphore, #tpu.memory_space<semaphore_mem>>)
      %add3A_95 = arith.constant 240 : i32
      %add3A_96 = arith.addi %add3A_46, %add3A_95 : i32
      %dma_start3A_97 = arith.constant 1 : i32
      %dma_start3A_98 = tpu.memref_slice %arg3[%dma_start3A_97, %add3A_96] : memref<2x320000xi32, #tpu.memory_space<hbm>> -> memref<1x80xi32, #tpu.memory_space<hbm>>
      %dma_start3A_99 = tpu.memref_squeeze %dma_start3A_98 : memref<1x80xi32, #tpu.memory_space<hbm>> -> memref<80xi32, #tpu.memory_space<hbm>>
      %dma_start3A_100 = tpu.memref_slice %arg3[%dma_start3A_97, %add3A_96] : memref<2x320000xi32, #tpu.memory_space<hbm>> -> memref<1x80xi32, #tpu.memory_space<hbm>>
      %dma_start3A_101 = tpu.memref_squeeze %dma_start3A_100 : memref<1x80xi32, #tpu.memory_space<hbm>> -> memref<80xi32, #tpu.memory_space<hbm>>
      tpu.enqueue_dma source(%dma_start3A_101 : memref<80xi32, #tpu.memory_space<hbm>>) target(%arg13 : memref<80xi32, #tpu.memory_space<vmem>>) target_semaphore(%arg22 : memref<!tpu.dma_semaphore, #tpu.memory_space<semaphore_mem>>)
      %add3A_102 = arith.constant 320 : i32
      %add3A_103 = arith.addi %add3A_46, %add3A_102 : i32
      %dma_start3A_104 = arith.constant 0 : i32
      %dma_start3A_105 = tpu.memref_slice %arg3[%dma_start3A_104, %add3A_103] : memref<2x320000xi32, #tpu.memory_space<hbm>> -> memref<1x80xi32, #tpu.memory_space<hbm>>
      %dma_start3A_106 = tpu.memref_squeeze %dma_start3A_105 : memref<1x80xi32, #tpu.memory_space<hbm>> -> memref<80xi32, #tpu.memory_space<hbm>>
      %dma_start3A_107 = tpu.memref_slice %arg3[%dma_start3A_104, %add3A_103] : memref<2x320000xi32, #tpu.memory_space<hbm>> -> memref<1x80xi32, #tpu.memory_space<hbm>>
      %dma_start3A_108 = tpu.memref_squeeze %dma_start3A_107 : memref<1x80xi32, #tpu.memory_space<hbm>> -> memref<80xi32, #tpu.memory_space<hbm>>
      tpu.enqueue_dma source(%dma_start3A_108 : memref<80xi32, #tpu.memory_space<hbm>>) target(%arg9 : memref<80xi32, #tpu.memory_space<vmem>>) target_semaphore(%arg22 : memref<!tpu.dma_semaphore, #tpu.memory_space<semaphore_mem>>)
      %add3A_109 = arith.constant 320 : i32
      %add3A_110 = arith.addi %add3A_46, %add3A_109 : i32
      %dma_start3A_111 = arith.constant 1 : i32
      %dma_start3A_112 = tpu.memref_slice %arg3[%dma_start3A_111, %add3A_110] : memref<2x320000xi32, #tpu.memory_space<hbm>> -> memref<1x80xi32, #tpu.memory_space<hbm>>
      %dma_start3A_113 = tpu.memref_squeeze %dma_start3A_112 : memref<1x80xi32, #tpu.memory_space<hbm>> -> memref<80xi32, #tpu.memory_space<hbm>>
      %dma_start3A_114 = tpu.memref_slice %arg3[%dma_start3A_111, %add3A_110] : memref<2x320000xi32, #tpu.memory_space<hbm>> -> memref<1x80xi32, #tpu.memory_space<hbm>>
      %dma_start3A_115 = tpu.memref_squeeze %dma_start3A_114 : memref<1x80xi32, #tpu.memory_space<hbm>> -> memref<80xi32, #tpu.memory_space<hbm>>
      tpu.enqueue_dma source(%dma_start3A_115 : memref<80xi32, #tpu.memory_space<hbm>>) target(%arg14 : memref<80xi32, #tpu.memory_space<vmem>>) target_semaphore(%arg22 : memref<!tpu.dma_semaphore, #tpu.memory_space<semaphore_mem>>)
      %dma_wait3A = arith.constant 0 : i32
      %dma_wait3A_116 = tpu.memref_slice %arg3[%dma_wait3A, %add3A_48] : memref<2x320000xi32, #tpu.memory_space<hbm>> -> memref<1x80xi32, #tpu.memory_space<hbm>>
      %dma_wait3A_117 = tpu.memref_squeeze %dma_wait3A_116 : memref<1x80xi32, #tpu.memory_space<hbm>> -> memref<80xi32, #tpu.memory_space<hbm>>
      %dma_wait3A_118 = tpu.memref_slice %arg3[%dma_wait3A, %add3A_48] : memref<2x320000xi32, #tpu.memory_space<hbm>> -> memref<1x80xi32, #tpu.memory_space<hbm>>
      %dma_wait3A_119 = tpu.memref_squeeze %dma_wait3A_118 : memref<1x80xi32, #tpu.memory_space<hbm>> -> memref<80xi32, #tpu.memory_space<hbm>>
      tpu.wait_dma2 semaphore(%arg22 : memref<!tpu.dma_semaphore, #tpu.memory_space<semaphore_mem>>) src(%dma_wait3A_119 : memref<80xi32, #tpu.memory_space<hbm>>) dst(%arg5 : memref<80xi32, #tpu.memory_space<vmem>>)
      %dma_wait3A_120 = arith.constant 1 : i32
      %dma_wait3A_121 = tpu.memref_slice %arg3[%dma_wait3A_120, %add3A_54] : memref<2x320000xi32, #tpu.memory_space<hbm>> -> memref<1x80xi32, #tpu.memory_space<hbm>>
      %dma_wait3A_122 = tpu.memref_squeeze %dma_wait3A_121 : memref<1x80xi32, #tpu.memory_space<hbm>> -> memref<80xi32, #tpu.memory_space<hbm>>
      %dma_wait3A_123 = tpu.memref_slice %arg3[%dma_wait3A_120, %add3A_54] : memref<2x320000xi32, #tpu.memory_space<hbm>> -> memref<1x80xi32, #tpu.memory_space<hbm>>
      %dma_wait3A_124 = tpu.memref_squeeze %dma_wait3A_123 : memref<1x80xi32, #tpu.memory_space<hbm>> -> memref<80xi32, #tpu.memory_space<hbm>>
      tpu.wait_dma2 semaphore(%arg22 : memref<!tpu.dma_semaphore, #tpu.memory_space<semaphore_mem>>) src(%dma_wait3A_124 : memref<80xi32, #tpu.memory_space<hbm>>) dst(%arg10 : memref<80xi32, #tpu.memory_space<vmem>>)
      %dma_wait3A_125 = arith.constant 0 : i32
      %dma_wait3A_126 = tpu.memref_slice %arg3[%dma_wait3A_125, %add3A_61] : memref<2x320000xi32, #tpu.memory_space<hbm>> -> memref<1x80xi32, #tpu.memory_space<hbm>>
      %dma_wait3A_127 = tpu.memref_squeeze %dma_wait3A_126 : memref<1x80xi32, #tpu.memory_space<hbm>> -> memref<80xi32, #tpu.memory_space<hbm>>
      %dma_wait3A_128 = tpu.memref_slice %arg3[%dma_wait3A_125, %add3A_61] : memref<2x320000xi32, #tpu.memory_space<hbm>> -> memref<1x80xi32, #tpu.memory_space<hbm>>
      %dma_wait3A_129 = tpu.memref_squeeze %dma_wait3A_128 : memref<1x80xi32, #tpu.memory_space<hbm>> -> memref<80xi32, #tpu.memory_space<hbm>>
      tpu.wait_dma2 semaphore(%arg22 : memref<!tpu.dma_semaphore, #tpu.memory_space<semaphore_mem>>) src(%dma_wait3A_129 : memref<80xi32, #tpu.memory_space<hbm>>) dst(%arg6 : memref<80xi32, #tpu.memory_space<vmem>>)
      %dma_wait3A_130 = arith.constant 1 : i32
      %dma_wait3A_131 = tpu.memref_slice %arg3[%dma_wait3A_130, %add3A_68] : memref<2x320000xi32, #tpu.memory_space<hbm>> -> memref<1x80xi32, #tpu.memory_space<hbm>>
      %dma_wait3A_132 = tpu.memref_squeeze %dma_wait3A_131 : memref<1x80xi32, #tpu.memory_space<hbm>> -> memref<80xi32, #tpu.memory_space<hbm>>
      %dma_wait3A_133 = tpu.memref_slice %arg3[%dma_wait3A_130, %add3A_68] : memref<2x320000xi32, #tpu.memory_space<hbm>> -> memref<1x80xi32, #tpu.memory_space<hbm>>
      %dma_wait3A_134 = tpu.memref_squeeze %dma_wait3A_133 : memref<1x80xi32, #tpu.memory_space<hbm>> -> memref<80xi32, #tpu.memory_space<hbm>>
      tpu.wait_dma2 semaphore(%arg22 : memref<!tpu.dma_semaphore, #tpu.memory_space<semaphore_mem>>) src(%dma_wait3A_134 : memref<80xi32, #tpu.memory_space<hbm>>) dst(%arg11 : memref<80xi32, #tpu.memory_space<vmem>>)
      %dma_wait3A_135 = arith.constant 0 : i32
      %dma_wait3A_136 = tpu.memref_slice %arg3[%dma_wait3A_135, %add3A_75] : memref<2x320000xi32, #tpu.memory_space<hbm>> -> memref<1x80xi32, #tpu.memory_space<hbm>>
      %dma_wait3A_137 = tpu.memref_squeeze %dma_wait3A_136 : memref<1x80xi32, #tpu.memory_space<hbm>> -> memref<80xi32, #tpu.memory_space<hbm>>
      %dma_wait3A_138 = tpu.memref_slice %arg3[%dma_wait3A_135, %add3A_75] : memref<2x320000xi32, #tpu.memory_space<hbm>> -> memref<1x80xi32, #tpu.memory_space<hbm>>
      %dma_wait3A_139 = tpu.memref_squeeze %dma_wait3A_138 : memref<1x80xi32, #tpu.memory_space<hbm>> -> memref<80xi32, #tpu.memory_space<hbm>>
      tpu.wait_dma2 semaphore(%arg22 : memref<!tpu.dma_semaphore, #tpu.memory_space<semaphore_mem>>) src(%dma_wait3A_139 : memref<80xi32, #tpu.memory_space<hbm>>) dst(%arg7 : memref<80xi32, #tpu.memory_space<vmem>>)
      %dma_wait3A_140 = arith.constant 1 : i32
      %dma_wait3A_141 = tpu.memref_slice %arg3[%dma_wait3A_140, %add3A_82] : memref<2x320000xi32, #tpu.memory_space<hbm>> -> memref<1x80xi32, #tpu.memory_space<hbm>>
      %dma_wait3A_142 = tpu.memref_squeeze %dma_wait3A_141 : memref<1x80xi32, #tpu.memory_space<hbm>> -> memref<80xi32, #tpu.memory_space<hbm>>
      %dma_wait3A_143 = tpu.memref_slice %arg3[%dma_wait3A_140, %add3A_82] : memref<2x320000xi32, #tpu.memory_space<hbm>> -> memref<1x80xi32, #tpu.memory_space<hbm>>
      %dma_wait3A_144 = tpu.memref_squeeze %dma_wait3A_143 : memref<1x80xi32, #tpu.memory_space<hbm>> -> memref<80xi32, #tpu.memory_space<hbm>>
      tpu.wait_dma2 semaphore(%arg22 : memref<!tpu.dma_semaphore, #tpu.memory_space<semaphore_mem>>) src(%dma_wait3A_144 : memref<80xi32, #tpu.memory_space<hbm>>) dst(%arg12 : memref<80xi32, #tpu.memory_space<vmem>>)
      %dma_wait3A_145 = arith.constant 0 : i32
      %dma_wait3A_146 = tpu.memref_slice %arg3[%dma_wait3A_145, %add3A_89] : memref<2x320000xi32, #tpu.memory_space<hbm>> -> memref<1x80xi32, #tpu.memory_space<hbm>>
      %dma_wait3A_147 = tpu.memref_squeeze %dma_wait3A_146 : memref<1x80xi32, #tpu.memory_space<hbm>> -> memref<80xi32, #tpu.memory_space<hbm>>
      %dma_wait3A_148 = tpu.memref_slice %arg3[%dma_wait3A_145, %add3A_89] : memref<2x320000xi32, #tpu.memory_space<hbm>> -> memref<1x80xi32, #tpu.memory_space<hbm>>
      %dma_wait3A_149 = tpu.memref_squeeze %dma_wait3A_148 : memref<1x80xi32, #tpu.memory_space<hbm>> -> memref<80xi32, #tpu.memory_space<hbm>>
      tpu.wait_dma2 semaphore(%arg22 : memref<!tpu.dma_semaphore, #tpu.memory_space<semaphore_mem>>) src(%dma_wait3A_149 : memref<80xi32, #tpu.memory_space<hbm>>) dst(%arg8 : memref<80xi32, #tpu.memory_space<vmem>>)
      %dma_wait3A_150 = arith.constant 1 : i32
      %dma_wait3A_151 = tpu.memref_slice %arg3[%dma_wait3A_150, %add3A_96] : memref<2x320000xi32, #tpu.memory_space<hbm>> -> memref<1x80xi32, #tpu.memory_space<hbm>>
      %dma_wait3A_152 = tpu.memref_squeeze %dma_wait3A_151 : memref<1x80xi32, #tpu.memory_space<hbm>> -> memref<80xi32, #tpu.memory_space<hbm>>
      %dma_wait3A_153 = tpu.memref_slice %arg3[%dma_wait3A_150, %add3A_96] : memref<2x320000xi32, #tpu.memory_space<hbm>> -> memref<1x80xi32, #tpu.memory_space<hbm>>
      %dma_wait3A_154 = tpu.memref_squeeze %dma_wait3A_153 : memref<1x80xi32, #tpu.memory_space<hbm>> -> memref<80xi32, #tpu.memory_space<hbm>>
      tpu.wait_dma2 semaphore(%arg22 : memref<!tpu.dma_semaphore, #tpu.memory_space<semaphore_mem>>) src(%dma_wait3A_154 : memref<80xi32, #tpu.memory_space<hbm>>) dst(%arg13 : memref<80xi32, #tpu.memory_space<vmem>>)
      %dma_wait3A_155 = arith.constant 0 : i32
      %dma_wait3A_156 = tpu.memref_slice %arg3[%dma_wait3A_155, %add3A_103] : memref<2x320000xi32, #tpu.memory_space<hbm>> -> memref<1x80xi32, #tpu.memory_space<hbm>>
      %dma_wait3A_157 = tpu.memref_squeeze %dma_wait3A_156 : memref<1x80xi32, #tpu.memory_space<hbm>> -> memref<80xi32, #tpu.memory_space<hbm>>
      %dma_wait3A_158 = tpu.memref_slice %arg3[%dma_wait3A_155, %add3A_103] : memref<2x320000xi32, #tpu.memory_space<hbm>> -> memref<1x80xi32, #tpu.memory_space<hbm>>
      %dma_wait3A_159 = tpu.memref_squeeze %dma_wait3A_158 : memref<1x80xi32, #tpu.memory_space<hbm>> -> memref<80xi32, #tpu.memory_space<hbm>>
      tpu.wait_dma2 semaphore(%arg22 : memref<!tpu.dma_semaphore, #tpu.memory_space<semaphore_mem>>) src(%dma_wait3A_159 : memref<80xi32, #tpu.memory_space<hbm>>) dst(%arg9 : memref<80xi32, #tpu.memory_space<vmem>>)
      %dma_wait3A_160 = arith.constant 1 : i32
      %dma_wait3A_161 = tpu.memref_slice %arg3[%dma_wait3A_160, %add3A_110] : memref<2x320000xi32, #tpu.memory_space<hbm>> -> memref<1x80xi32, #tpu.memory_space<hbm>>
      %dma_wait3A_162 = tpu.memref_squeeze %dma_wait3A_161 : memref<1x80xi32, #tpu.memory_space<hbm>> -> memref<80xi32, #tpu.memory_space<hbm>>
      %dma_wait3A_163 = tpu.memref_slice %arg3[%dma_wait3A_160, %add3A_110] : memref<2x320000xi32, #tpu.memory_space<hbm>> -> memref<1x80xi32, #tpu.memory_space<hbm>>
      %dma_wait3A_164 = tpu.memref_squeeze %dma_wait3A_163 : memref<1x80xi32, #tpu.memory_space<hbm>> -> memref<80xi32, #tpu.memory_space<hbm>>
      tpu.wait_dma2 semaphore(%arg22 : memref<!tpu.dma_semaphore, #tpu.memory_space<semaphore_mem>>) src(%dma_wait3A_164 : memref<80xi32, #tpu.memory_space<hbm>>) dst(%arg14 : memref<80xi32, #tpu.memory_space<vmem>>)
      %dma_start3A_165 = arith.constant 0 : i32
      %dma_start3A_166 = arith.constant 0 : i32
      %dma_start3A_167 = tpu.memref_slice %arg2[%dma_start3A_165, %dma_start3A_166] : memref<10000x64xf32, #tpu.memory_space<hbm>> -> memref<10000x64xf32, #tpu.memory_space<hbm>>
      tpu.enqueue_indirect_dma source(%dma_start3A_167 : memref<10000x64xf32, #tpu.memory_space<hbm>>) target(%arg15 : memref<80x64xf32, #tpu.memory_space<vmem>>) offsets(%arg5 : memref<80xi32, #tpu.memory_space<vmem>>) semaphore(%arg23 : memref<!tpu.dma_semaphore, #tpu.memory_space<semaphore_mem>>)
      %dma_start3A_168 = arith.constant 0 : i32
      %dma_start3A_169 = arith.constant 0 : i32
      %dma_start3A_170 = tpu.memref_slice %arg2[%dma_start3A_168, %dma_start3A_169] : memref<10000x64xf32, #tpu.memory_space<hbm>> -> memref<10000x64xf32, #tpu.memory_space<hbm>>
      tpu.enqueue_indirect_dma source(%dma_start3A_170 : memref<10000x64xf32, #tpu.memory_space<hbm>>) target(%arg16 : memref<80x64xf32, #tpu.memory_space<vmem>>) offsets(%arg6 : memref<80xi32, #tpu.memory_space<vmem>>) semaphore(%arg23 : memref<!tpu.dma_semaphore, #tpu.memory_space<semaphore_mem>>)
      %dma_start3A_171 = arith.constant 0 : i32
      %dma_start3A_172 = arith.constant 0 : i32
      %dma_start3A_173 = tpu.memref_slice %arg2[%dma_start3A_171, %dma_start3A_172] : memref<10000x64xf32, #tpu.memory_space<hbm>> -> memref<10000x64xf32, #tpu.memory_space<hbm>>
      tpu.enqueue_indirect_dma source(%dma_start3A_173 : memref<10000x64xf32, #tpu.memory_space<hbm>>) target(%arg17 : memref<80x64xf32, #tpu.memory_space<vmem>>) offsets(%arg7 : memref<80xi32, #tpu.memory_space<vmem>>) semaphore(%arg23 : memref<!tpu.dma_semaphore, #tpu.memory_space<semaphore_mem>>)
      %dma_start3A_174 = arith.constant 0 : i32
      %dma_start3A_175 = arith.constant 0 : i32
      %dma_start3A_176 = tpu.memref_slice %arg2[%dma_start3A_174, %dma_start3A_175] : memref<10000x64xf32, #tpu.memory_space<hbm>> -> memref<10000x64xf32, #tpu.memory_space<hbm>>
      tpu.enqueue_indirect_dma source(%dma_start3A_176 : memref<10000x64xf32, #tpu.memory_space<hbm>>) target(%arg18 : memref<80x64xf32, #tpu.memory_space<vmem>>) offsets(%arg8 : memref<80xi32, #tpu.memory_space<vmem>>) semaphore(%arg23 : memref<!tpu.dma_semaphore, #tpu.memory_space<semaphore_mem>>)
      %dma_start3A_177 = arith.constant 0 : i32
      %dma_start3A_178 = arith.constant 0 : i32
      %dma_start3A_179 = tpu.memref_slice %arg2[%dma_start3A_177, %dma_start3A_178] : memref<10000x64xf32, #tpu.memory_space<hbm>> -> memref<10000x64xf32, #tpu.memory_space<hbm>>
      tpu.enqueue_indirect_dma source(%dma_start3A_179 : memref<10000x64xf32, #tpu.memory_space<hbm>>) target(%arg19 : memref<80x64xf32, #tpu.memory_space<vmem>>) offsets(%arg9 : memref<80xi32, #tpu.memory_space<vmem>>) semaphore(%arg23 : memref<!tpu.dma_semaphore, #tpu.memory_space<semaphore_mem>>)
      %dma_wait3A_180 = arith.constant 0 : i32
      %dma_wait3A_181 = arith.constant 0 : i32
      %dma_wait3A_182 = tpu.memref_slice %arg2[%dma_wait3A_180, %dma_wait3A_181] : memref<10000x64xf32, #tpu.memory_space<hbm>> -> memref<10000x64xf32, #tpu.memory_space<hbm>>
      tpu.wait_indirect_dma semaphore(%arg23 : memref<!tpu.dma_semaphore, #tpu.memory_space<semaphore_mem>>) src(%dma_wait3A_182 : memref<10000x64xf32, #tpu.memory_space<hbm>>) dst(%arg15 : memref<80x64xf32, #tpu.memory_space<vmem>>)
      %dma_wait3A_183 = arith.constant 0 : i32
      %dma_wait3A_184 = arith.constant 0 : i32
      %dma_wait3A_185 = tpu.memref_slice %arg2[%dma_wait3A_183, %dma_wait3A_184] : memref<10000x64xf32, #tpu.memory_space<hbm>> -> memref<10000x64xf32, #tpu.memory_space<hbm>>
      tpu.wait_indirect_dma semaphore(%arg23 : memref<!tpu.dma_semaphore, #tpu.memory_space<semaphore_mem>>) src(%dma_wait3A_185 : memref<10000x64xf32, #tpu.memory_space<hbm>>) dst(%arg16 : memref<80x64xf32, #tpu.memory_space<vmem>>)
      %dma_wait3A_186 = arith.constant 0 : i32
      %dma_wait3A_187 = arith.constant 0 : i32
      %dma_wait3A_188 = tpu.memref_slice %arg2[%dma_wait3A_186, %dma_wait3A_187] : memref<10000x64xf32, #tpu.memory_space<hbm>> -> memref<10000x64xf32, #tpu.memory_space<hbm>>
      tpu.wait_indirect_dma semaphore(%arg23 : memref<!tpu.dma_semaphore, #tpu.memory_space<semaphore_mem>>) src(%dma_wait3A_188 : memref<10000x64xf32, #tpu.memory_space<hbm>>) dst(%arg17 : memref<80x64xf32, #tpu.memory_space<vmem>>)
      %dma_wait3A_189 = arith.constant 0 : i32
      %dma_wait3A_190 = arith.constant 0 : i32
      %dma_wait3A_191 = tpu.memref_slice %arg2[%dma_wait3A_189, %dma_wait3A_190] : memref<10000x64xf32, #tpu.memory_space<hbm>> -> memref<10000x64xf32, #tpu.memory_space<hbm>>
      tpu.wait_indirect_dma semaphore(%arg23 : memref<!tpu.dma_semaphore, #tpu.memory_space<semaphore_mem>>) src(%dma_wait3A_191 : memref<10000x64xf32, #tpu.memory_space<hbm>>) dst(%arg18 : memref<80x64xf32, #tpu.memory_space<vmem>>)
      %dma_wait3A_192 = arith.constant 0 : i32
      %dma_wait3A_193 = arith.constant 0 : i32
      %dma_wait3A_194 = tpu.memref_slice %arg2[%dma_wait3A_192, %dma_wait3A_193] : memref<10000x64xf32, #tpu.memory_space<hbm>> -> memref<10000x64xf32, #tpu.memory_space<hbm>>
      tpu.wait_indirect_dma semaphore(%arg23 : memref<!tpu.dma_semaphore, #tpu.memory_space<semaphore_mem>>) src(%dma_wait3A_194 : memref<10000x64xf32, #tpu.memory_space<hbm>>) dst(%arg19 : memref<80x64xf32, #tpu.memory_space<vmem>>)
      %dma_start3A_195 = arith.constant 0 : i32
      %dma_start3A_196 = arith.constant 0 : i32
      %dma_start3A_197 = tpu.memref_slice %arg21[%dma_start3A_195, %dma_start3A_196] : memref<10240x64xf32, #tpu.memory_space<vmem_shared>> -> memref<10240x64xf32, #tpu.memory_space<vmem_shared>>
      tpu.enqueue_indirect_dma source(%arg15 : memref<80x64xf32, #tpu.memory_space<vmem>>) target(%dma_start3A_197 : memref<10240x64xf32, #tpu.memory_space<vmem_shared>>) offsets(%arg10 : memref<80xi32, #tpu.memory_space<vmem>>) semaphore(%arg24 : memref<!tpu.dma_semaphore, #tpu.memory_space<semaphore_mem>>) {add = true}
      %dma_start3A_198 = arith.constant 0 : i32
      %dma_start3A_199 = arith.constant 0 : i32
      %dma_start3A_200 = tpu.memref_slice %arg21[%dma_start3A_198, %dma_start3A_199] : memref<10240x64xf32, #tpu.memory_space<vmem_shared>> -> memref<10240x64xf32, #tpu.memory_space<vmem_shared>>
      tpu.enqueue_indirect_dma source(%arg16 : memref<80x64xf32, #tpu.memory_space<vmem>>) target(%dma_start3A_200 : memref<10240x64xf32, #tpu.memory_space<vmem_shared>>) offsets(%arg11 : memref<80xi32, #tpu.memory_space<vmem>>) semaphore(%arg24 : memref<!tpu.dma_semaphore, #tpu.memory_space<semaphore_mem>>) {add = true}
      %dma_start3A_201 = arith.constant 0 : i32
      %dma_start3A_202 = arith.constant 0 : i32
      %dma_start3A_203 = tpu.memref_slice %arg21[%dma_start3A_201, %dma_start3A_202] : memref<10240x64xf32, #tpu.memory_space<vmem_shared>> -> memref<10240x64xf32, #tpu.memory_space<vmem_shared>>
      tpu.enqueue_indirect_dma source(%arg17 : memref<80x64xf32, #tpu.memory_space<vmem>>) target(%dma_start3A_203 : memref<10240x64xf32, #tpu.memory_space<vmem_shared>>) offsets(%arg12 : memref<80xi32, #tpu.memory_space<vmem>>) semaphore(%arg24 : memref<!tpu.dma_semaphore, #tpu.memory_space<semaphore_mem>>) {add = true}
      %dma_start3A_204 = arith.constant 0 : i32
      %dma_start3A_205 = arith.constant 0 : i32
      %dma_start3A_206 = tpu.memref_slice %arg21[%dma_start3A_204, %dma_start3A_205] : memref<10240x64xf32, #tpu.memory_space<vmem_shared>> -> memref<10240x64xf32, #tpu.memory_space<vmem_shared>>
      tpu.enqueue_indirect_dma source(%arg18 : memref<80x64xf32, #tpu.memory_space<vmem>>) target(%dma_start3A_206 : memref<10240x64xf32, #tpu.memory_space<vmem_shared>>) offsets(%arg13 : memref<80xi32, #tpu.memory_space<vmem>>) semaphore(%arg24 : memref<!tpu.dma_semaphore, #tpu.memory_space<semaphore_mem>>) {add = true}
      %dma_start3A_207 = arith.constant 0 : i32
      %dma_start3A_208 = arith.constant 0 : i32
      %dma_start3A_209 = tpu.memref_slice %arg21[%dma_start3A_207, %dma_start3A_208] : memref<10240x64xf32, #tpu.memory_space<vmem_shared>> -> memref<10240x64xf32, #tpu.memory_space<vmem_shared>>
      tpu.enqueue_indirect_dma source(%arg19 : memref<80x64xf32, #tpu.memory_space<vmem>>) target(%dma_start3A_209 : memref<10240x64xf32, #tpu.memory_space<vmem_shared>>) offsets(%arg14 : memref<80xi32, #tpu.memory_space<vmem>>) semaphore(%arg24 : memref<!tpu.dma_semaphore, #tpu.memory_space<semaphore_mem>>) {add = true}
      %dma_wait3A_210 = arith.constant 0 : i32
      %dma_wait3A_211 = arith.constant 0 : i32
      %dma_wait3A_212 = tpu.memref_slice %arg21[%dma_wait3A_210, %dma_wait3A_211] : memref<10240x64xf32, #tpu.memory_space<vmem_shared>> -> memref<10240x64xf32, #tpu.memory_space<vmem_shared>>
      tpu.wait_indirect_dma semaphore(%arg24 : memref<!tpu.dma_semaphore, #tpu.memory_space<semaphore_mem>>) src(%arg15 : memref<80x64xf32, #tpu.memory_space<vmem>>) dst(%dma_wait3A_212 : memref<10240x64xf32, #tpu.memory_space<vmem_shared>>)
      %dma_wait3A_213 = arith.constant 0 : i32
      %dma_wait3A_214 = arith.constant 0 : i32
      %dma_wait3A_215 = tpu.memref_slice %arg21[%dma_wait3A_213, %dma_wait3A_214] : memref<10240x64xf32, #tpu.memory_space<vmem_shared>> -> memref<10240x64xf32, #tpu.memory_space<vmem_shared>>
      tpu.wait_indirect_dma semaphore(%arg24 : memref<!tpu.dma_semaphore, #tpu.memory_space<semaphore_mem>>) src(%arg16 : memref<80x64xf32, #tpu.memory_space<vmem>>) dst(%dma_wait3A_215 : memref<10240x64xf32, #tpu.memory_space<vmem_shared>>)
      %dma_wait3A_216 = arith.constant 0 : i32
      %dma_wait3A_217 = arith.constant 0 : i32
      %dma_wait3A_218 = tpu.memref_slice %arg21[%dma_wait3A_216, %dma_wait3A_217] : memref<10240x64xf32, #tpu.memory_space<vmem_shared>> -> memref<10240x64xf32, #tpu.memory_space<vmem_shared>>
      tpu.wait_indirect_dma semaphore(%arg24 : memref<!tpu.dma_semaphore, #tpu.memory_space<semaphore_mem>>) src(%arg17 : memref<80x64xf32, #tpu.memory_space<vmem>>) dst(%dma_wait3A_218 : memref<10240x64xf32, #tpu.memory_space<vmem_shared>>)
      %dma_wait3A_219 = arith.constant 0 : i32
      %dma_wait3A_220 = arith.constant 0 : i32
      %dma_wait3A_221 = tpu.memref_slice %arg21[%dma_wait3A_219, %dma_wait3A_220] : memref<10240x64xf32, #tpu.memory_space<vmem_shared>> -> memref<10240x64xf32, #tpu.memory_space<vmem_shared>>
      tpu.wait_indirect_dma semaphore(%arg24 : memref<!tpu.dma_semaphore, #tpu.memory_space<semaphore_mem>>) src(%arg18 : memref<80x64xf32, #tpu.memory_space<vmem>>) dst(%dma_wait3A_221 : memref<10240x64xf32, #tpu.memory_space<vmem_shared>>)
      %dma_wait3A_222 = arith.constant 0 : i32
      %dma_wait3A_223 = arith.constant 0 : i32
      %dma_wait3A_224 = tpu.memref_slice %arg21[%dma_wait3A_222, %dma_wait3A_223] : memref<10240x64xf32, #tpu.memory_space<vmem_shared>> -> memref<10240x64xf32, #tpu.memory_space<vmem_shared>>
      tpu.wait_indirect_dma semaphore(%arg24 : memref<!tpu.dma_semaphore, #tpu.memory_space<semaphore_mem>>) src(%arg19 : memref<80x64xf32, #tpu.memory_space<vmem>>) dst(%dma_wait3A_224 : memref<10240x64xf32, #tpu.memory_space<vmem_shared>>)
    }
    %scan3A_33 = arith.constant 25 : i32
    %barrier3A_34 = arith.constant 0 : index
    tpu.barrier barrier_id(%barrier3A_34)
    %mul3A_35 = arith.constant 640 : i32
    %mul3A_36 = arith.muli %arg1, %mul3A_35 : i32
    %mul3A_37 = arith.constant 640 : i32
    %mul3A_38 = arith.muli %arg1, %mul3A_37 : i32
    "tpu.region"() ({
      %run_scoped3A = tpu.sem_alloc : memref<!tpu.dma_semaphore, #tpu.memory_space<semaphore_mem>>
      %dma_start3A = arith.constant 0 : i32
      %dma_start3A_39 = tpu.memref_slice %arg4[%arg0, %mul3A_38, %dma_start3A] : memref<2x10240x64xf32, #tpu.memory_space<hbm>> -> memref<1x640x64xf32, #tpu.memory_space<hbm>>
      %dma_start3A_40 = tpu.memref_squeeze %dma_start3A_39 : memref<1x640x64xf32, #tpu.memory_space<hbm>> -> memref<640x64xf32, #tpu.memory_space<hbm>>
      %dma_start3A_41 = arith.constant 0 : i32
      %dma_start3A_42 = tpu.memref_slice %arg21[%mul3A_36, %dma_start3A_41] : memref<10240x64xf32, #tpu.memory_space<vmem_shared>> -> memref<640x64xf32, #tpu.memory_space<vmem_shared>>
      tpu.enqueue_dma source(%dma_start3A_42 : memref<640x64xf32, #tpu.memory_space<vmem_shared>>) target(%dma_start3A_40 : memref<640x64xf32, #tpu.memory_space<hbm>>) target_semaphore(%run_scoped3A : memref<!tpu.dma_semaphore, #tpu.memory_space<semaphore_mem>>)
      %dma_wait3A = arith.constant 0 : i32
      %dma_wait3A_43 = tpu.memref_slice %arg4[%arg0, %mul3A_38, %dma_wait3A] : memref<2x10240x64xf32, #tpu.memory_space<hbm>> -> memref<1x640x64xf32, #tpu.memory_space<hbm>>
      %dma_wait3A_44 = tpu.memref_squeeze %dma_wait3A_43 : memref<1x640x64xf32, #tpu.memory_space<hbm>> -> memref<640x64xf32, #tpu.memory_space<hbm>>
      %dma_wait3A_45 = arith.constant 0 : i32
      %dma_wait3A_46 = tpu.memref_slice %arg21[%mul3A_36, %dma_wait3A_45] : memref<10240x64xf32, #tpu.memory_space<vmem_shared>> -> memref<640x64xf32, #tpu.memory_space<vmem_shared>>
      tpu.wait_dma2 semaphore(%run_scoped3A : memref<!tpu.dma_semaphore, #tpu.memory_space<semaphore_mem>>) src(%dma_wait3A_46 : memref<640x64xf32, #tpu.memory_space<vmem_shared>>) dst(%dma_wait3A_44 : memref<640x64xf32, #tpu.memory_space<hbm>>)
      tpu.yield
    }) : () -> ()
    return
  }
}

module attributes {stable_mosaic.version = 14 : i64} {
  func.func @_tc_matmul1(%arg0: memref<10000x128xf32, #tpu.memory_space<vmem>>, %arg1: memref<128x64xf32, #tpu.memory_space<vmem>>, %arg2: memref<10000x64xf32, #tpu.memory_space<vmem>>) attributes {dimension_semantics = [], scalar_prefetch = 0 : i64, scratch_operands = 0 : i64, tpu.core_type = #tpu.core_type<tc>} {
    %get3A = arith.constant 0 : index
    %get3A_0 = arith.constant 0 : index
    %get3A_1 = vector.load %arg0[%get3A, %get3A_0] : memref<10000x128xf32, #tpu.memory_space<vmem>>, vector<10000x128xf32>
    %get3A_2 = arith.constant 0 : index
    %get3A_3 = arith.constant 0 : index
    %get3A_4 = vector.load %arg1[%get3A_2, %get3A_3] : memref<128x64xf32, #tpu.memory_space<vmem>>, vector<128x64xf32>
    %dot_general3A = arith.constant dense<0.000000e+00> : vector<10000x64xf32>
    %dot_general3A_5 = tpu.matmul %get3A_1, %get3A_4, %dot_general3A {dimension_numbers = #tpu.dot_dimension_numbers<[1], [0], [0], [1], [0, 0, 1, 1], [], []>, precision = #tpu.contract_precision<fp32>, transpose_lhs_hint = false} : vector<10000x128xf32>, vector<128x64xf32>, vector<10000x64xf32> -> vector<10000x64xf32>
    %swap3A = arith.constant 0 : index
    %swap3A_6 = arith.constant 0 : index
    %swap3A_7 = vector.load %arg2[%swap3A, %swap3A_6] : memref<10000x64xf32, #tpu.memory_space<vmem>>, vector<10000x64xf32>
    tpu.vector_store %arg2[%swap3A, %swap3A_6], %dot_general3A_5 {strides = array<i32>} : memref<10000x64xf32, #tpu.memory_space<vmem>>, vector<10000x64xf32>,
    return
  }
}

module attributes {stable_mosaic.version = 14 : i64} {
  func.func @_tc_scale1(%arg0: memref<10000x64xf32, #tpu.memory_space<vmem>>, %arg1: memref<2x10240xf32, #tpu.memory_space<vmem>>, %arg2: memref<10000x64xf32, #tpu.memory_space<vmem>>) attributes {dimension_semantics = [], scalar_prefetch = 0 : i64, scratch_operands = 0 : i64, tpu.core_type = #tpu.core_type<tc>} {
    %get3A = arith.constant 0 : index
    %get3A_0 = arith.constant 0 : index
    %get3A_1 = vector.load %arg0[%get3A, %get3A_0] : memref<10000x64xf32, #tpu.memory_space<vmem>>, vector<10000x64xf32>
    %get3A_2 = arith.constant 0 : index
    %get3A_3 = arith.constant 0 : index
    %get3A_4 = vector.load %arg1[%get3A_2, %get3A_3] : memref<2x10240xf32, #tpu.memory_space<vmem>>, vector<1x10000xf32>
    %get3A_5 = vector.shape_cast %get3A_4 : vector<1x10000xf32> to vector<10000xf32>
    %add3A = arith.constant 1.000000e+00 : f32
    %add3A_6 = vector.broadcast %add3A : f32 to vector<10000xf32>
    %add3A_7 = arith.addf %add3A_6, %get3A_5 : vector<10000xf32>
    %get3A_8 = arith.constant 1 : index
    %get3A_9 = arith.constant 0 : index
    %get3A_10 = vector.load %arg1[%get3A_8, %get3A_9] : memref<2x10240xf32, #tpu.memory_space<vmem>>, vector<1x10000xf32>
    %get3A_11 = vector.shape_cast %get3A_10 : vector<1x10000xf32> to vector<10000xf32>
    %add3A_12 = arith.addf %add3A_7, %get3A_11 : vector<10000xf32>
    %rsqrt3A = math.rsqrt %add3A_12 : vector<10000xf32>
    %reshape3A = vector.shape_cast %rsqrt3A : vector<10000xf32> to vector<10000x1xf32>
    %mul3A = vector.broadcast %reshape3A : vector<10000x1xf32> to vector<10000x64xf32>
    %mul3A_13 = arith.mulf %get3A_1, %mul3A : vector<10000x64xf32>
    %swap3A = arith.constant 0 : index
    %swap3A_14 = arith.constant 0 : index
    %swap3A_15 = vector.load %arg2[%swap3A, %swap3A_14] : memref<10000x64xf32, #tpu.memory_space<vmem>>, vector<10000x64xf32>
    tpu.vector_store %arg2[%swap3A, %swap3A_14], %mul3A_13 {strides = array<i32>} : memref<10000x64xf32, #tpu.memory_space<vmem>>, vector<10000x64xf32>,
    return
  }
}

module attributes {stable_mosaic.version = 14 : i64} {
  func.func @_tc_mid(%arg0: memref<10000x64xf32, #tpu.memory_space<vmem>>, %arg1: memref<2x10240x64xf32, #tpu.memory_space<vmem>>, %arg2: memref<2x10240xf32, #tpu.memory_space<vmem>>, %arg3: memref<1x64xf32, #tpu.memory_space<vmem>>, %arg4: memref<64x64xf32, #tpu.memory_space<vmem>>, %arg5: memref<10000x64xf32, #tpu.memory_space<vmem>>) attributes {dimension_semantics = [], scalar_prefetch = 0 : i64, scratch_operands = 0 : i64, tpu.core_type = #tpu.core_type<tc>} {
    %get3A = arith.constant 0 : index
    %get3A_0 = arith.constant 0 : index
    %get3A_1 = vector.load %arg2[%get3A, %get3A_0] : memref<2x10240xf32, #tpu.memory_space<vmem>>, vector<1x10000xf32>
    %get3A_2 = vector.shape_cast %get3A_1 : vector<1x10000xf32> to vector<10000xf32>
    %add3A = arith.constant 1.000000e+00 : f32
    %add3A_3 = vector.broadcast %add3A : f32 to vector<10000xf32>
    %add3A_4 = arith.addf %add3A_3, %get3A_2 : vector<10000xf32>
    %get3A_5 = arith.constant 1 : index
    %get3A_6 = arith.constant 0 : index
    %get3A_7 = vector.load %arg2[%get3A_5, %get3A_6] : memref<2x10240xf32, #tpu.memory_space<vmem>>, vector<1x10000xf32>
    %get3A_8 = vector.shape_cast %get3A_7 : vector<1x10000xf32> to vector<10000xf32>
    %add3A_9 = arith.addf %add3A_4, %get3A_8 : vector<10000xf32>
    %rsqrt3A = math.rsqrt %add3A_9 : vector<10000xf32>
    %reshape3A = vector.shape_cast %rsqrt3A : vector<10000xf32> to vector<10000x1xf32>
    %get3A_10 = arith.constant 0 : index
    %get3A_11 = arith.constant 0 : index
    %get3A_12 = vector.load %arg0[%get3A_10, %get3A_11] : memref<10000x64xf32, #tpu.memory_space<vmem>>, vector<10000x64xf32>
    %get3A_13 = arith.constant 0 : index
    %get3A_14 = arith.constant 0 : index
    %get3A_15 = arith.constant 0 : index
    %get3A_16 = vector.load %arg1[%get3A_13, %get3A_14, %get3A_15] : memref<2x10240x64xf32, #tpu.memory_space<vmem>>, vector<1x10000x64xf32>
    %get3A_17 = vector.shape_cast %get3A_16 : vector<1x10000x64xf32> to vector<10000x64xf32>
    %add3A_18 = arith.addf %get3A_12, %get3A_17 : vector<10000x64xf32>
    %get3A_19 = arith.constant 1 : index
    %get3A_20 = arith.constant 0 : index
    %get3A_21 = arith.constant 0 : index
    %get3A_22 = vector.load %arg1[%get3A_19, %get3A_20, %get3A_21] : memref<2x10240x64xf32, #tpu.memory_space<vmem>>, vector<1x10000x64xf32>
    %get3A_23 = vector.shape_cast %get3A_22 : vector<1x10000x64xf32> to vector<10000x64xf32>
    %add3A_24 = arith.addf %add3A_18, %get3A_23 : vector<10000x64xf32>
    %mul3A = vector.broadcast %reshape3A : vector<10000x1xf32> to vector<10000x64xf32>
    %mul3A_25 = arith.mulf %mul3A, %add3A_24 : vector<10000x64xf32>
    %get3A_26 = arith.constant 0 : index
    %get3A_27 = arith.constant 0 : index
    %get3A_28 = vector.load %arg3[%get3A_26, %get3A_27] : memref<1x64xf32, #tpu.memory_space<vmem>>, vector<1x64xf32>
    %add3A_29 = vector.broadcast %get3A_28 : vector<1x64xf32> to vector<10000x64xf32>
    %add3A_30 = arith.addf %mul3A_25, %add3A_29 : vector<10000x64xf32>
    %max3A = arith.constant 0.000000e+00 : f32
    %max3A_31 = vector.broadcast %max3A : f32 to vector<10000x64xf32>
    %max3A_32 = arith.maximumf %add3A_30, %max3A_31 : vector<10000x64xf32>
    %get3A_33 = arith.constant 0 : index
    %get3A_34 = arith.constant 0 : index
    %get3A_35 = vector.load %arg4[%get3A_33, %get3A_34] : memref<64x64xf32, #tpu.memory_space<vmem>>, vector<64x64xf32>
    %dot_general3A = arith.constant dense<0.000000e+00> : vector<10000x64xf32>
    %dot_general3A_36 = tpu.matmul %max3A_32, %get3A_35, %dot_general3A {dimension_numbers = #tpu.dot_dimension_numbers<[1], [0], [0], [1], [0, 0, 1, 1], [], []>, precision = #tpu.contract_precision<fp32>, transpose_lhs_hint = false} : vector<10000x64xf32>, vector<64x64xf32>, vector<10000x64xf32> -> vector<10000x64xf32>
    %mul3A_37 = vector.broadcast %reshape3A : vector<10000x1xf32> to vector<10000x64xf32>
    %mul3A_38 = arith.mulf %dot_general3A_36, %mul3A_37 : vector<10000x64xf32>
    %swap3A = arith.constant 0 : index
    %swap3A_39 = arith.constant 0 : index
    %swap3A_40 = vector.load %arg5[%swap3A, %swap3A_39] : memref<10000x64xf32, #tpu.memory_space<vmem>>, vector<10000x64xf32>
    tpu.vector_store %arg5[%swap3A, %swap3A_39], %mul3A_38 {strides = array<i32>} : memref<10000x64xf32, #tpu.memory_space<vmem>>, vector<10000x64xf32>,
    return
  }
}

module attributes {stable_mosaic.version = 14 : i64} {
  func.func @_tc_last(%arg0: memref<10000x64xf32, #tpu.memory_space<vmem>>, %arg1: memref<2x10240x64xf32, #tpu.memory_space<vmem>>, %arg2: memref<2x10240xf32, #tpu.memory_space<vmem>>, %arg3: memref<1x64xf32, #tpu.memory_space<vmem>>, %arg4: memref<10000x1xi32, #tpu.memory_space<vmem>>, %arg5: memref<64x1xf32, #tpu.memory_space<vmem>>, %arg6: memref<1x1xf32, #tpu.memory_space<vmem>>, %arg7: memref<64x1xf32, #tpu.memory_space<vmem>>) attributes {dimension_semantics = [], scalar_prefetch = 0 : i64, scratch_operands = 0 : i64, tpu.core_type = #tpu.core_type<tc>} {
    %get3A = arith.constant 0 : index
    %get3A_0 = arith.constant 0 : index
    %get3A_1 = vector.load %arg2[%get3A, %get3A_0] : memref<2x10240xf32, #tpu.memory_space<vmem>>, vector<1x10000xf32>
    %get3A_2 = vector.shape_cast %get3A_1 : vector<1x10000xf32> to vector<10000xf32>
    %add3A = arith.constant 1.000000e+00 : f32
    %add3A_3 = vector.broadcast %add3A : f32 to vector<10000xf32>
    %add3A_4 = arith.addf %add3A_3, %get3A_2 : vector<10000xf32>
    %get3A_5 = arith.constant 1 : index
    %get3A_6 = arith.constant 0 : index
    %get3A_7 = vector.load %arg2[%get3A_5, %get3A_6] : memref<2x10240xf32, #tpu.memory_space<vmem>>, vector<1x10000xf32>
    %get3A_8 = vector.shape_cast %get3A_7 : vector<1x10000xf32> to vector<10000xf32>
    %add3A_9 = arith.addf %add3A_4, %get3A_8 : vector<10000xf32>
    %rsqrt3A = math.rsqrt %add3A_9 : vector<10000xf32>
    %reshape3A = vector.shape_cast %rsqrt3A : vector<10000xf32> to vector<10000x1xf32>
    %get3A_10 = arith.constant 0 : index
    %get3A_11 = arith.constant 0 : index
    %get3A_12 = vector.load %arg0[%get3A_10, %get3A_11] : memref<10000x64xf32, #tpu.memory_space<vmem>>, vector<10000x64xf32>
    %get3A_13 = arith.constant 0 : index
    %get3A_14 = arith.constant 0 : index
    %get3A_15 = arith.constant 0 : index
    %get3A_16 = vector.load %arg1[%get3A_13, %get3A_14, %get3A_15] : memref<2x10240x64xf32, #tpu.memory_space<vmem>>, vector<1x10000x64xf32>
    %get3A_17 = vector.shape_cast %get3A_16 : vector<1x10000x64xf32> to vector<10000x64xf32>
    %add3A_18 = arith.addf %get3A_12, %get3A_17 : vector<10000x64xf32>
    %get3A_19 = arith.constant 1 : index
    %get3A_20 = arith.constant 0 : index
    %get3A_21 = arith.constant 0 : index
    %get3A_22 = vector.load %arg1[%get3A_19, %get3A_20, %get3A_21] : memref<2x10240x64xf32, #tpu.memory_space<vmem>>, vector<1x10000x64xf32>
    %get3A_23 = vector.shape_cast %get3A_22 : vector<1x10000x64xf32> to vector<10000x64xf32>
    %add3A_24 = arith.addf %add3A_18, %get3A_23 : vector<10000x64xf32>
    %mul3A = vector.broadcast %reshape3A : vector<10000x1xf32> to vector<10000x64xf32>
    %mul3A_25 = arith.mulf %mul3A, %add3A_24 : vector<10000x64xf32>
    %get3A_26 = arith.constant 0 : index
    %get3A_27 = arith.constant 0 : index
    %get3A_28 = vector.load %arg3[%get3A_26, %get3A_27] : memref<1x64xf32, #tpu.memory_space<vmem>>, vector<1x64xf32>
    %add3A_29 = vector.broadcast %get3A_28 : vector<1x64xf32> to vector<10000x64xf32>
    %add3A_30 = arith.addf %mul3A_25, %add3A_29 : vector<10000x64xf32>
    %max3A = arith.constant 0.000000e+00 : f32
    %max3A_31 = vector.broadcast %max3A : f32 to vector<10000x64xf32>
    %max3A_32 = arith.maximumf %add3A_30, %max3A_31 : vector<10000x64xf32>
    %iota3A = tpu.iota {dimensions = array<i32: 1>} : vector<10000x64xi32>
    %get3A_33 = arith.constant 0 : index
    %get3A_34 = arith.constant 0 : index
    %get3A_35 = vector.load %arg4[%get3A_33, %get3A_34] : memref<10000x1xi32, #tpu.memory_space<vmem>>, vector<10000x1xi32>
    %eq3A = vector.broadcast %get3A_35 : vector<10000x1xi32> to vector<10000x64xi32>
    %eq3A_36 = arith.cmpi eq, %eq3A, %iota3A : vector<10000x64xi32>
    %convert_element_type3A = arith.extui %eq3A_36 : vector<10000x64xi1> to vector<10000x64xi32>
    %convert_element_type3A_37 = arith.sitofp %convert_element_type3A : vector<10000x64xi32> to vector<10000x64xf32>
    %dot_general3A = arith.constant dense<0.000000e+00> : vector<64x64xf32>
    %dot_general3A_38 = tpu.matmul %convert_element_type3A_37, %max3A_32, %dot_general3A {dimension_numbers = #tpu.dot_dimension_numbers<[0], [0], [1], [1], [0, 1, 1, 1], [], []>, precision = #tpu.contract_precision<fp32>, transpose_lhs_hint = false} : vector<10000x64xf32>, vector<10000x64xf32>, vector<64x64xf32> -> vector<64x64xf32>
    %broadcast_in_dim3A = arith.constant 1.000000e+00 : f32
    %broadcast_in_dim3A_39 = vector.broadcast %broadcast_in_dim3A : f32 to vector<10000x1xf32>
    %dot_general3A_40 = arith.constant dense<0.000000e+00> : vector<64x1xf32>
    %dot_general3A_41 = tpu.matmul %convert_element_type3A_37, %broadcast_in_dim3A_39, %dot_general3A_40 {dimension_numbers = #tpu.dot_dimension_numbers<[0], [0], [1], [1], [0, 1, 1, 1], [], []>, precision = #tpu.contract_precision<fp32>, transpose_lhs_hint = false} : vector<10000x64xf32>, vector<10000x1xf32>, vector<64x1xf32> -> vector<64x1xf32>
    %max3A_42 = arith.constant 1.000000e+00 : f32
    %max3A_43 = vector.broadcast %max3A_42 : f32 to vector<64x1xf32>
    %max3A_44 = arith.maximumf %dot_general3A_41, %max3A_43 : vector<64x1xf32>
    %div3A = vector.broadcast %max3A_44 : vector<64x1xf32> to vector<64x64xf32>
    %div3A_45 = arith.divf %dot_general3A_38, %div3A : vector<64x64xf32>
    %get3A_46 = arith.constant 0 : index
    %get3A_47 = arith.constant 0 : index
    %get3A_48 = vector.load %arg5[%get3A_46, %get3A_47] : memref<64x1xf32, #tpu.memory_space<vmem>>, vector<64x1xf32>
    %dot_general3A_49 = arith.constant dense<0.000000e+00> : vector<64x1xf32>
    %dot_general3A_50 = tpu.matmul %div3A_45, %get3A_48, %dot_general3A_49 {dimension_numbers = #tpu.dot_dimension_numbers<[1], [0], [0], [1], [0, 0, 1, 1], [], []>, precision = #tpu.contract_precision<fp32>, transpose_lhs_hint = false} : vector<64x64xf32>, vector<64x1xf32>, vector<64x1xf32> -> vector<64x1xf32>
    %get3A_51 = arith.constant 0 : index
    %get3A_52 = arith.constant 0 : index
    %get3A_53 = vector.load %arg6[%get3A_51, %get3A_52] : memref<1x1xf32, #tpu.memory_space<vmem>>, vector<1x1xf32>
    %add3A_54 = vector.broadcast %get3A_53 : vector<1x1xf32> to vector<64x1xf32>
    %add3A_55 = arith.addf %dot_general3A_50, %add3A_54 : vector<64x1xf32>
    %swap3A = arith.constant 0 : index
    %swap3A_56 = arith.constant 0 : index
    %swap3A_57 = vector.load %arg7[%swap3A, %swap3A_56] : memref<64x1xf32, #tpu.memory_space<vmem>>, vector<64x1xf32>
    tpu.vector_store %arg7[%swap3A, %swap3A_56], %add3A_55 {strides = array<i32>} : memref<64x1xf32, #tpu.memory_space<vmem>>, vector<64x1xf32>,
    return
  }
}

</mosaic_0001>

<sc_bundles>
// kernel: kernel.12.cloned.1.call-start
scs
__scs_entry_jumppad:
0x0: {  	(pc) =	sbr.rel $0x88, $3  }
0x1: {  	(tag) =	ssettag $0x0;
	lr =	simm.s32 $0x1  }
0x2: {  	[smem:$0x3F98] =	sst lr;
	_ =	strace $0xD0000000  }
0x3: {  	_ = 	snop  }
0x4: {  	_ = 	snop  }
0x5: {  	_ = 	snop  }
0x6: {  	_ = 	snop  }
0x7: {  	_ = 	snop  }
__scs_overlays_trampoline_lowered:
0x8: {  	[smem:$0x3FA7] =	sst s0  }
0x9: {  	[smem:$0x3FA8] =	sst s1  }
0xa: {  	[smem:$0x3FA9] =	sst s2  }
0xb: {  	[smem:$0x3FAA] =	sst s3  }
0xc: {  	[smem:$0x3FAB] =	sst s4  }
0xd: {  	[smem:$0x3FAC] =	sst s5  }
0xe: {  	[smem:$0x3FAD] =	sst s6  }
0xf: {  	[smem:$0x3FAE] =	sst s7  }
0x10: {  	[smem:$0x3FAF] =	sst s8  }
0x11: {  	[smem:$0x3FB0] =	sst s9;
	s0 =	simm.s32 @!p0 $0x0  }
0x12: {  	s1 =	sld [smem:$0x3F96];
	s0 =	simm.s32 @p0 $0x1  }
0x13: {  	[smem:$0x3FB1] =	sst s0;
	s0 =	simm.s32 @!p1 $0x0  }
0x14: {  	s2 =	sld [smem:$0x3F95];
	s0 =	simm.s32 @p1 $0x1  }
0x15: {  	[smem:$0x3FB2] =	sst s0;
	s0 =	simm.s32 @!p2 $0x0  }
0x16: {  	s3 =	sld [smem:$0x3FDB];
	s0 =	simm.s32 @p2 $0x1  }
0x17: {  	s4 =	simm.s32 $0x1BF5;
	[smem:$0x3FB4] =	sst s0  }
0x18: {  	s0 =	sld [smem:$0x3F97];
	_ =	swait.ge [sflag:s4], $0x0  }
0x19: {  	s7 =	sld [smem:$0x3F98]  }
0x1a: {  	s8 =	sadd.s32 $0xFFFFE003, lr  }
0x1b: {  	s9 =	sadd.s32 $0xFFFFFEF7, lr;
	s5 =	simm.s32 $0xFFFFFFFF;
	p2 =	slt.u32 s8, $0xFFFFF086  }
0x1c: {  	p1 =	slt.u32 s9, $0xF7A;
	s5 =	simm.s32 @!p2 $0x0  }
0x1d: {  	s5 =	simm.s32 @p1 $0x1;
	p0 =	seq.s32 s7, s2  }
0x1e: {  	s7 =	smul.u32 @!p0 $0xF7A, s2;
	p2 =	seq.s32 @!p0 s5, $0x0  }
0x1f: {  	s9 =	smul.u32 $0xF7A, s1;
	s8 =	simm.s32 @!p0 $0x1BF5;
	p2 =	por !p2, p0  }
0x20: {  	[sflag:s8] =	ssyncset.s32 @!p0 $0xFFFFF086;
	s6 =	sadd.s32 @!p0 s3, s7;
	s7 =	simm.s32 @!p0 $0x108  }
0x21: {  	s3 =	sadd.s32 s3, s9;
	s6 =	sadd.s32 @!p0 $0x88, s6;
	s7 =	simm.s32 @p2 $0x1082  }
0x22: {  	[simem:s7], [sflag:s8] =	dma.local @!p0 [hbm:s6], $0xF7A  }
0x23: {  	s9 =	sor.u32 $0xD0000000, s2;
	s6 =	simm.s32 $0x108;
	_ =	swait.ge @!p0 [sflag:s8], $0x0  }
0x24: {  	s3 =	sadd.s32 $0x88, s3;
	s6 =	simm.s32 @!p1 $0x1082;
	[sflag:s4] =	ssyncset.s32 $0xFFFFF086  }
0x25: {  	[simem:s6], [sflag:s4] =	dma.local [hbm:s3], $0xF7A  }
0x26: {  	[smem:$0x3F98] =	sst s1;
	(tag) =	ssettag s2;
	_ =	strace s9  }
0x27: {  	s1 =	sld [smem:$0x3FA8]  }
0x28: {  	s2 =	sld [smem:$0x3FA9]  }
0x29: {  	s4 =	sld [smem:$0x3FAB]  }
0x2a: {  	p0 =	seq.s32 s5, $0x0;
	s5 =	sld [smem:$0x3FAC]  }
0x2b: {  	s6 =	sld [smem:$0x3FAD]  }
0x2c: {  	s7 =	sld [smem:$0x3FAE]  }
0x2d: {  	s3 =	simm.s32 $0x108;
	s8 =	sld [smem:$0x3FAF]  }
0x2e: {  	s3 =	simm.s32 @!p0 $0x1082;
	s9 =	sld [smem:$0x3FB0]  }
0x2f: {  	lr =	sadd.s32 s0, s3;
	s0 =	sld [smem:$0x3FA7]  }
0x30: {  	s3 =	sld [smem:$0x3FAA]  }
0x31: {  	[smem:$0x3FB3] =	sst s10  }
0x32: {  	s10 =	sld [smem:$0x3FB1];
	_ =	sdelay $0x3  }
0x33: {  	p0 =	seq.s32 s10, $0x1;
	s10 =	sld [smem:$0x3FB3];
	_ =	sdelay $0x3  }
0x34: {  	[smem:$0x3FB3] =	sst s10  }
0x35: {  	s10 =	sld [smem:$0x3FB2];
	_ =	sdelay $0x3  }
0x36: {  	p1 =	seq.s32 s10, $0x1;
	s10 =	sld [smem:$0x3FB3];
	_ =	sdelay $0x3  }
0x37: {  	[smem:$0x3FB3] =	sst s10  }
0x38: {  	s10 =	sld [smem:$0x3FB4]  }
0x39: {  	_ = 	snop;
	(pc) =	sbr.ind lr, $3  }
0x3a: {  	_ = 	snop  }
0x3b: {  	_ = 	snop  }
0x3c: {  	p2 =	seq.s32 s10, $0x1;
	s10 =	sld [smem:$0x3FB3]  }
0x3d: {  	_ =	shalt  }
0x3e: {  	_ =	shalt  }
0x3f: {  	_ =	shalt  }
0x40: {  	_ =	shalt  }
0x41: {  	_ =	shalt  }
0x42: {  	_ =	shalt  }
0x43: {  	_ =	shalt  }
0x44: {  	_ =	shalt  }
0x45: {  	_ =	shalt  }
0x46: {  	_ =	shalt  }
0x47: {  	_ =	shalt  }
0x48: {  	_ =	shalt  }
0x49: {  	_ =	shalt  }
0x4a: {  	_ =	shalt  }
0x4b: {  	_ =	shalt  }
0x4c: {  	_ =	shalt  }
0x4d: {  	_ =	shalt  }
0x4e: {  	_ =	shalt  }
0x4f: {  	_ =	shalt  }
0x50: {  	_ =	shalt  }
0x51: {  	_ =	shalt  }
0x52: {  	_ =	shalt  }
0x53: {  	_ =	shalt  }
0x54: {  	_ =	shalt  }
0x55: {  	_ =	shalt  }
0x56: {  	_ =	shalt  }
0x57: {  	_ =	shalt  }
0x58: {  	_ =	shalt  }
0x59: {  	_ =	shalt  }
0x5a: {  	_ =	shalt  }
0x5b: {  	_ =	shalt  }
0x5c: {  	_ =	shalt  }
0x5d: {  	_ =	shalt  }
0x5e: {  	_ =	shalt  }
0x5f: {  	_ =	shalt  }
0x60: {  	_ =	shalt  }
0x61: {  	_ =	shalt  }
0x62: {  	_ =	shalt  }
0x63: {  	_ =	shalt  }
0x64: {  	_ =	shalt  }
0x65: {  	_ =	shalt  }
0x66: {  	_ =	shalt  }
0x67: {  	_ =	shalt  }
0x68: {  	_ =	shalt  }
0x69: {  	_ =	shalt  }
0x6a: {  	_ =	shalt  }
0x6b: {  	_ =	shalt  }
0x6c: {  	_ =	shalt  }
0x6d: {  	_ =	shalt  }
0x6e: {  	_ =	shalt  }
0x6f: {  	_ =	shalt  }
0x70: {  	_ =	shalt  }
0x71: {  	_ =	shalt  }
0x72: {  	_ =	shalt  }
0x73: {  	_ =	shalt  }
0x74: {  	_ =	shalt  }
0x75: {  	_ =	shalt  }
0x76: {  	_ =	shalt  }
0x77: {  	_ =	shalt  }
0x78: {  	_ =	shalt  }
0x79: {  	_ =	shalt  }
0x7a: {  	_ =	shalt  }
0x7b: {  	_ =	shalt  }
0x7c: {  	_ =	shalt  }
0x7d: {  	_ =	shalt  }
0x7e: {  	_ =	shalt  }
0x7f: {  	_ =	shalt  }
0x80: {  	_ =	shalt  }
0x81: {  	_ =	shalt  }
0x82: {  	_ =	shalt  }
0x83: {  	_ =	shalt  }
0x84: {  	_ =	shalt  }
0x85: {  	_ =	shalt  }
0x86: {  	_ =	shalt  }
0x87: {  	_ =	shalt  }
.Lfunc_end0:
.L_simem_size_0:
called_computation.1_lowered:
.L_overlay_start_0:
0x88: {  	s2 =	sld [smem:$0x3FD9]  }
0x89: {  	s3 =	sld [smem:$0x3FFE];
	_ =	sdelay $0x1  }
0x8a: {  	s1 =	srdreg.scid  }
0x8b: {  	s0 =	sand.u32 $0x1, s1  }
0x8c: {  	s16 =	sshll.u32 s0, $0xA;
	s2 =	sadd.s32 s3, s2  }
0x8d: {  	s2 =	sadd.s32 s2, s16  }
0x8e: {  	[smem:$0x3FBF] =	sst s2  }
0x8f: {  	_ = 	snop  }
0x90: {  	(tm) =	ssettm $0x1  }
0x91: {  	s17 =	sld [smem:$0x3FFB];
	_ =	sdelay $0x3  }
0x92: {  	_ =	strace s17  }
0x93: {  	s2 =	sld [smem:$0x3FFC];
	_ =	sdelay $0x3  }
0x94: {  	_ =	strace s2  }
0x95: {  	s2 =	sld [smem:$0x3FFD];
	_ =	sdelay $0x3  }
0x96: {  	_ =	strace s2  }
0x97: {  	_ =	strace $0x8FFFFFFF  }
0x98: {  	s18 =	sld [smem:$0x3FDB];
	_ =	sdelay $0x1  }
0x99: {  	s19 =	simm.s32 $_scs_section_size  }
0x9a: {  	s4 =	simm.s32 $_size__tile_overlayer_lowered;
	s5 =	simm.s32 $_tile_overlayer_lowered  }
0x9b: {  	s22 =	simm.s32 $0x1BFF;
	s21 =	sshll.u32 s5, $0x1;
	s2 =	sadd.s32 s19, s18  }
0x9c: {  	s6 =	simm.s32 $0x0;
	s20 =	sshll.u32 s4, $0x1;
	s4 =	sadd.s32 s21, s2  }
0x9d: {  	[timem:s6], [sflag:s22] =	dma.local [hbm:s4], s20  }
0x9e: {  	_ =	swait.ge [sflag:s22], s20  }
0x9f: {  	s3 =	ssub.s32 $0x0, s20;
	[sflag:s22] =	ssyncset.done $0x0  }
0xa0: {  	[sflag:s22] =	ssyncadd.s32 s3;
	_ =	sdelay $0x1  }
0xa1: {  	s23 =	simm.s32 $0x1B8B  }
0xa2: {  	_ =	swait.ge [sflag:s23], $0x1  }
0xa3: {  	[sflag:s23] =	ssyncset.done $0x0  }
0xa4: {  	s25 =	simm.s32 $0x1B8E;
	s24 =	sld [smem:$0x3FFE];
	[sflag:s23] =	ssyncadd.s32 $0xFFFFFFFF  }
0xa5: {  	s26 =	simm.s32 $execute0_lowered;
	[smem:$0x3FD2] =	sst s25  }
0xa6: {  	s4 =	sshll.u32 s26, $0x1;
	_ =	strace $0x80000049;
	[dreg:$0x1] =	wrdreg $0xFFFFFFFF  }
0xa7: {  	s28 =	simm.s32 $_size_execute0_lowered;
	s2 =	sadd.s32 s2, s4;
	[dreg:$0x0] =	wrdreg $0x0  }
0xa8: {  	s4 =	sshll.u32 s28, $0x1;
	[dreg:$0x2] =	wrdreg s2  }
0xa9: {  	[dreg:$0x3] =	wrdreg s4  }
0xaa: {  	[dreg:$0x4] =	wrdreg $0xC0  }
0xab: {  	_ =	task [dreg:s6], $0x5FFFF  }
0xac: {  	[dreg:$0x1] =	wrdreg $0xFFFFFFFF  }
0xad: {  	[dreg:$0x0] =	wrdreg $0x60  }
0xae: {  	[dreg:$0x2] =	wrdreg s24  }
0xaf: {  	[dreg:$0x3] =	wrdreg $0x87200  }
0xb0: {  	[dreg:$0x4] =	wrdreg $0x9  }
0xb1: {  	_ =	task.clear_ibuf [dreg:s6], $0x5FFFF;
	_ =	strace $0x90000049  }
0xb2: {  	s29 =	simm.s32 $0x9;
	_ =	strace $0x8000004B  }
0xb3: {  	_ =	swait.ge [sflag:s29], $0x1  }
0xb4: {  	[sflag:s29] =	ssyncadd.s32 $0xFFFFFFFF  }
0xb5: {  	_ =	strace $0x9000004B  }
0xb6: {  	_ =	sfence  }
0xb7: {  	s30 =	sld [smem:$0x0];
	_ =	sdelay $0x2  }
0xb8: {  	s31 =	sshll.u32 s1, $0xD;
	s1 =	sshrl.u32 s1, $0x2  }
0xb9: {  	s3 =	sand.u32 $0x4000, s31;
	s1 =	sadd.s32 s1, s30  }
0xba: {  	s0 =	sor.u32 s3, s0;
	s1 =	sshll.u32 s1, $0x11  }
0xbb: {  	s0 =	sor.u32 s1, s0  }
0xbc: {  	s0 =	sadd.s32 $0x8F2B, s0  }
0xbd: {  	[sflag:s0] =	ssyncadd.remote.s32 $0x1  }
0xbe: {  	_ =	sfence.sel $0xFFFF  }
0xbf: {  	[dreg:$0x0] =	wrdreg $0xFFFFFFFF;
	(pc) =	sbr.abs _section_cstart, $3  }
0xc0: {  	[dreg:$0x1] =	wrdreg $0xFFFFFFFF  }
0xc1: {  	_ =	task.clear_ibuf [dreg:s6], $0x2FFFF;
	_ =	strace $0x9FFFFFFF  }
0xc2: {  	(tm) =	ssettm $0x7FFFFFFF  }
0xc3: {  	_ =	shalt  }
tec
execute0_lowered:
.L_overlay_start_1:
0x0: {  	(tag) =	ssettag $0x1  }
0x1: {  	s0 =	rddreg [dreg:$0x0]  }
0x2: {  	s2 =	rddreg [dreg:$0x1];
	s1 =	srdreg.scid  }
0x3: {  	s12 =	stileid.u32;
	s3 =	simm.s32 $0x0;
	s28 =	simm.s32 $0x1720  }
0x4: {  	s29 =	simm.s32 $0x2B20;
	s30 =	simm.s32 $0x3F20;
	s7 =	smul.u32 $0xA000, s12  }
0x5: {  	s1 =	sand.u32 $0x1, s1;
	[smem:$0x7FF] =	sst s3;
	s9 =	smul.u32 $0x28A0, s12  }
0x6: {  	_ =	strace $0x8000004A;
	s8 =	ssub.s32 $0x2, s1;
	s22 =	smul.u32 $0x27100, s1  }
0x7: {  	s11 =	sshrl.u32 s8, $0x1;
	s13 =	sadd.s32 s7, s2;
	[dreg:$0x3] =	wrdreg s9  }
0x8: {  	s26 =	ssub.s32 s8, s11;
	s11 =	sadd.s32 $0x4E340, s22;
	[dreg:$0xd] =	wrdreg s13  }
0x9: {  	s31 =	simm.s32 $0x5320;
	s14 =	sadd.s32 $0x4E2F0, s22;
	[dreg:$0x4] =	wrdreg s11  }
0xa: {  	s4 =	sadd.s32 $0x15600, s0;
	s15 =	sadd.s32 $0x4E2A0, s22;
	[dreg:$0x5] =	wrdreg s14  }
0xb: {  	s6 =	smul.u32 $0xA0000, s1;
	s17 =	sadd.s32 $0x4E250, s22;
	[dreg:$0x6] =	wrdreg s15  }
0xc: {  	s5 =	sadd.s32 $0x1C00, s0;
	s19 =	sadd.s32 $0x4E200, s22;
	[dreg:$0x7] =	wrdreg s17  }
0xd: {  	s6 =	sadd.s32 s7, s6;
	s21 =	sadd.s32 $0x140, s22;
	[dreg:$0x8] =	wrdreg s19  }
0xe: {  	s24 =	sor.u32 $0xF0, s22;
	s25 =	sor.u32 $0xA0, s22;
	[dreg:$0x9] =	wrdreg s21  }
0xf: {  	s7 =	simm.s32 $0x0;
	s10 =	sshrl.u32 s6, $0x3;
	[dreg:$0xa] =	wrdreg s24  }
0x10: {  	s1 =	smax.u32 s26, $0x1;
	[dreg:$0xb] =	wrdreg s25;
	s26 =	sor.u32 $0x50, s22  }
0x11: {  	s17 =	simm.s32 $0x50;
	s0 =	sadd.s32 s10, s0;
	s10 =	smul.u32 $0x28000, s12  }
0x12: {  	s15 =	simm.s32 $0xA0;
	s19 =	simm.s32 $0x230;
	s21 =	simm.s32 $0x280  }
0x13: {  	s24 =	simm.s32 $0x2D0;
	[dreg:$0x13] =	wrdreg s1;
	s8 =	sshrl.u32 s10, $0x2  }
0x14: {  	[dreg:$0xc] =	wrdreg s26;
	s0 =	sadd.s32 $0x29000, s0;
	s8 =	sadd.s32 s8, s2  }
0x15: {  	s25 =	simm.s32 $0x1;
	[dreg:$0x12] =	wrdreg s0;
	s16 =	sadd.s32 $0x2000, s8  }
0x16: {  	s26 =	simm.s32 $0x320;
	s18 =	sadd.s32 $0x4000, s8;
	[dreg:$0xe] =	wrdreg s16  }
0x17: {  	s1 =	simm.s32 $0x3;
	s20 =	sadd.s32 $0x6000, s8;
	[dreg:$0xf] =	wrdreg s18  }
0x18: {  	s0 =	simm.s32 $0x2;
	s23 =	sadd.s32 $0x8000, s8;
	[dreg:$0x10] =	wrdreg s20  }
0x19: {  	s8 =	simm.s32 $0x4;
	[dreg:$0x11] =	wrdreg s23;
	s18 =	simm.s32 $0x190  }
0x1a: {  	v0 =	vimm.f32 $0.0e+00;
	s16 =	simm.s32 $0x1E0;
	s20 =	simm.s32 $0xF0;
	s23 =	simm.s32 $0x140  }
.LBB2_1:
0x1b: {  	[dreg:$0x14] =	wrdreg s7;
	s10 =	simm.s32 $0x100;
	s9 =	simm.s32 $0x0  }
.LBB2_2:
0x1c: {  	p0 =	sne.s32 s10, $0x7F00;
	[tilespmem:s9+$0x6750] =	vst v0;
	s11 =	smov.u32 s10;
	s10 =	sadd.s32 $0x100, s10  }
.Ltmp0:
0x1d: {  	[tilespmem:s9+$0x6740] =	vst v0;
	(pc) =	sbr.rel @p0 .LBB2_2-.Ltmp0, $3  }
0x1e: {  	[tilespmem:s9+$0x6720] =	vst v0  }
0x1f: {  	[tilespmem:s9+$0x6730] =	vst v0;
	_ =	sdelay $0x1  }
0x20: {  	s9 =	sshra.s32 s11, $0x2  }
0x21: {  	[tilespmem:s9+$0x6750] =	vst v0  }
0x22: {  	[tilespmem:s9+$0x6740] =	vst v0  }
0x23: {  	[tilespmem:s9+$0x6720] =	vst v0  }
0x24: {  	[tilespmem:s9+$0x6730] =	vst v0;
	s7 =	simm.s32 $0x6720  }
0x25: {  	[spmem:s13] =	stream.linear.scatter [tilespmem:s7], [sflag:$0x4], $0x2000, $0x38;
	[tilespmem:$0x12720] =	vst v63  }
0x26: {  	_ =	swait.ge [sflag:s8], $0x2000  }
0x27: {  	[sflag:s8] =	ssyncset.done $0x0  }
0x28: {  	s6 =	rddreg [dreg:$0xe];
	[sflag:s8] =	ssyncadd.s32 $0xFFFFE000  }
0x29: {  	[spmem:s6] =	stream.linear.scatter [tilespmem:s7], [sflag:$0x4], $0x2000, $0x38;
	[tilespmem:$0x12720] =	vst v63  }
0x2a: {  	_ =	swait.ge [sflag:s8], $0x2000  }
0x2b: {  	[sflag:s8] =	ssyncset.done $0x0  }
0x2c: {  	s9 =	rddreg [dreg:$0xf];
	[sflag:s8] =	ssyncadd.s32 $0xFFFFE000  }
0x2d: {  	[spmem:s9] =	stream.linear.scatter [tilespmem:s7], [sflag:$0x4], $0x2000, $0x38;
	[tilespmem:$0x12720] =	vst v63  }
0x2e: {  	_ =	swait.ge [sflag:s8], $0x2000  }
0x2f: {  	[sflag:s8] =	ssyncset.done $0x0  }
0x30: {  	s10 =	rddreg [dreg:$0x10];
	[sflag:s8] =	ssyncadd.s32 $0xFFFFE000  }
0x31: {  	[spmem:s10] =	stream.linear.scatter [tilespmem:s7], [sflag:$0x4], $0x2000, $0x38;
	[tilespmem:$0x12720] =	vst v63  }
0x32: {  	_ =	swait.ge [sflag:s8], $0x2000  }
0x33: {  	[sflag:s8] =	ssyncset.done $0x0  }
0x34: {  	s11 =	rddreg [dreg:$0x11];
	[sflag:s8] =	ssyncadd.s32 $0xFFFFE000  }
0x35: {  	[spmem:s11] =	stream.linear.scatter [tilespmem:s7], [sflag:$0x4], $0x2000, $0x38;
	[tilespmem:$0x12720] =	vst v63  }
0x36: {  	_ =	swait.ge [sflag:s8], $0x2000  }
0x37: {  	[sflag:s8] =	ssyncset.done $0x0  }
0x38: {  	s12 =	smulhi.u32 $0x51EB851F, s12;
	[sflag:s8] =	ssyncadd.s32 $0xFFFFE000  }
0x39: {  	[bflag:$0x0] =	sbarrier.arrive $0xFFFF  }
0x3a: {  	s9 =	sshrl.u32 s12, $0x3;
	s10 =	rddreg [dreg:$0x3]  }
0x3b: {  	s9 =	smul.u32 $0x2710, s9;
	s11 =	rddreg [dreg:$0x8]  }
0x3c: {  	s14 =	rddreg [dreg:$0x7]  }
0x3d: {  	s13 =	ssub.s32 s22, s9;
	s6 =	rddreg [dreg:$0xc];
	s10 =	sadd.s32 $0x0, s10  }
0x3e: {  	s7 =	rddreg [dreg:$0xb];
	s12 =	sadd.s32 s13, s10  }
0x3f: {  	s8 =	rddreg [dreg:$0x6];
	s11 =	ssub.s32 s11, s9;
	s12 =	sshrl.u32 s12, $0x3  }
0x40: {  	s11 =	sadd.s32 s11, s10;
	s13 =	ssub.s32 s14, s9;
	s12 =	sadd.s32 s5, s12  }
0x41: {  	[tilespmem:s3], [sflag:$0x1] =	stream.linear.gather [hbm4b:s12+s3], $0x50, $0x38;
	[tilespmem:$0x12720] =	vst v63  }
0x42: {  	s14 =	rddreg [dreg:$0xa];
	s11 =	sshrl.u32 s11, $0x3;
	s12 =	ssub.s32 s6, s9  }
0x43: {  	s13 =	sadd.s32 s13, s10;
	s11 =	sadd.s32 s5, s11;
	s12 =	sadd.s32 s12, s10  }
0x44: {  	[tilespmem:s18], [sflag:$0x1] =	stream.linear.gather [hbm4b:s11+s3], $0x50, $0x38;
	[tilespmem:$0x12720] =	vst v63  }
0x45: {  	s13 =	sshrl.u32 s13, $0x3;
	s11 =	ssub.s32 s7, s9;
	s12 =	sshrl.u32 s12, $0x3  }
0x46: {  	s13 =	sadd.s32 s5, s13;
	s11 =	sadd.s32 s11, s10;
	s12 =	sadd.s32 s5, s12  }
0x47: {  	[tilespmem:s17], [sflag:$0x1] =	stream.linear.gather [hbm4b:s12+s3], $0x50, $0x38;
	[tilespmem:$0x12720] =	vst v63  }
0x48: {  	s6 =	rddreg [dreg:$0x5];
	s11 =	sshrl.u32 s11, $0x3;
	s12 =	ssub.s32 s8, s9  }
0x49: {  	[tilespmem:s16], [sflag:$0x1] =	stream.linear.gather [hbm4b:s13+s3], $0x50, $0x38;
	[tilespmem:$0x12720] =	vst v63  }
0x4a: {  	s11 =	sadd.s32 s5, s11;
	s12 =	sadd.s32 s12, s10;
	s13 =	ssub.s32 s14, s9  }
0x4b: {  	[tilespmem:s15], [sflag:$0x1] =	stream.linear.gather [hbm4b:s11+s3], $0x50, $0x38;
	[tilespmem:$0x12720] =	vst v63  }
0x4c: {  	s12 =	sshrl.u32 s12, $0x3;
	s13 =	sadd.s32 s13, s10;
	s11 =	ssub.s32 s6, s9  }
0x4d: {  	s12 =	sadd.s32 s5, s12;
	s13 =	sshrl.u32 s13, $0x3;
	s11 =	sadd.s32 s11, s10  }
0x4e: {  	[tilespmem:s19], [sflag:$0x1] =	stream.linear.gather [hbm4b:s12+s3], $0x50, $0x38;
	[tilespmem:$0x12720] =	vst v63  }
0x4f: {  	s7 =	rddreg [dreg:$0x9];
	s13 =	sadd.s32 s5, s13;
	s11 =	sshrl.u32 s11, $0x3  }
0x50: {  	[tilespmem:s20], [sflag:$0x1] =	stream.linear.gather [hbm4b:s13+s3], $0x50, $0x38;
	[tilespmem:$0x12720] =	vst v63  }
0x51: {  	s8 =	rddreg [dreg:$0x4];
	s12 =	ssub.s32 s7, s9;
	s11 =	sadd.s32 s5, s11  }
0x52: {  	[tilespmem:s21], [sflag:$0x1] =	stream.linear.gather [hbm4b:s11+s3], $0x50, $0x38;
	[tilespmem:$0x12720] =	vst v63  }
0x53: {  	s9 =	ssub.s32 s8, s9;
	s11 =	sadd.s32 s12, s10  }
0x54: {  	s9 =	sadd.s32 s9, s10;
	s14 =	sshrl.u32 s11, $0x3  }
0x55: {  	s9 =	sshrl.u32 s9, $0x3;
	s10 =	sadd.s32 s5, s14  }
0x56: {  	[tilespmem:s23], [sflag:$0x1] =	stream.linear.gather [hbm4b:s10+s3], $0x50, $0x38;
	[tilespmem:$0x12720] =	vst v63  }
0x57: {  	s9 =	sadd.s32 s5, s9  }
0x58: {  	[tilespmem:s24], [sflag:$0x1] =	stream.linear.gather [hbm4b:s9+s3], $0x50, $0x38;
	[tilespmem:$0x12720] =	vst v63  }
0x59: {  	_ =	swait.ge [sflag:s25], $0x50  }
0x5a: {  	[sflag:s25] =	ssyncset.done $0x0  }
0x5b: {  	[sflag:s25] =	ssyncadd.s32 $0xFFFFFFB0  }
0x5c: {  	_ =	swait.ge [sflag:s25], $0x50  }
0x5d: {  	[sflag:s25] =	ssyncset.done $0x0  }
0x5e: {  	[sflag:s25] =	ssyncadd.s32 $0xFFFFFFB0  }
0x5f: {  	_ =	swait.ge [sflag:s25], $0x50  }
0x60: {  	[sflag:s25] =	ssyncset.done $0x0  }
0x61: {  	[sflag:s25] =	ssyncadd.s32 $0xFFFFFFB0  }
0x62: {  	_ =	swait.ge [sflag:s25], $0x50  }
0x63: {  	[sflag:s25] =	ssyncset.done $0x0  }
0x64: {  	[sflag:s25] =	ssyncadd.s32 $0xFFFFFFB0  }
0x65: {  	_ =	swait.ge [sflag:s25], $0x50  }
0x66: {  	[sflag:s25] =	ssyncset.done $0x0  }
0x67: {  	[sflag:s25] =	ssyncadd.s32 $0xFFFFFFB0  }
0x68: {  	_ =	swait.ge [sflag:s25], $0x50  }
0x69: {  	[sflag:s25] =	ssyncset.done $0x0  }
0x6a: {  	[sflag:s25] =	ssyncadd.s32 $0xFFFFFFB0  }
0x6b: {  	_ =	swait.ge [sflag:s25], $0x50  }
0x6c: {  	[sflag:s25] =	ssyncset.done $0x0  }
0x6d: {  	[sflag:s25] =	ssyncadd.s32 $0xFFFFFFB0  }
0x6e: {  	_ =	swait.ge [sflag:s25], $0x50  }
0x6f: {  	[sflag:s25] =	ssyncset.done $0x0  }
0x70: {  	[sflag:s25] =	ssyncadd.s32 $0xFFFFFFB0  }
0x71: {  	_ =	swait.ge [sflag:s25], $0x50  }
0x72: {  	[sflag:s25] =	ssyncset.done $0x0  }
0x73: {  	[sflag:s25] =	ssyncadd.s32 $0xFFFFFFB0  }
0x74: {  	_ =	swait.ge [sflag:s25], $0x50  }
0x75: {  	[sflag:s25] =	ssyncset.done $0x0  }
0x76: {  	[sflag:s25] =	ssyncadd.s32 $0xFFFFFFB0  }
0x77: {  	[tilespmem:s26], [sflag:$0x2] =	stream.indirect.gather [hbm4b:s4+s17], $0x40, s3, s17, $0xb8;
	[tilespmem:$0x12720] =	vst v63  }
0x78: {  	_ = 	snop  }
0x79: {  	[tilespmem:s28], [sflag:$0x2] =	stream.indirect.gather [hbm4b:s4+s17], $0x40, s17, s17, $0xb8;
	[tilespmem:$0x12720] =	vst v63  }
0x7a: {  	_ = 	snop  }
0x7b: {  	[tilespmem:s29], [sflag:$0x2] =	stream.indirect.gather [hbm4b:s4+s17], $0x40, s15, s17, $0xb8;
	[tilespmem:$0x12720] =	vst v63  }
0x7c: {  	_ = 	snop  }
0x7d: {  	[tilespmem:s30], [sflag:$0x2] =	stream.indirect.gather [hbm4b:s4+s17], $0x40, s20, s17, $0xb8;
	[tilespmem:$0x12720] =	vst v63  }
0x7e: {  	_ = 	snop  }
0x7f: {  	[tilespmem:s31], [sflag:$0x2] =	stream.indirect.gather [hbm4b:s4+s17], $0x40, s23, s17, $0xb8;
	[tilespmem:$0x12720] =	vst v63  }
0x80: {  	_ =	swait.ge [sflag:s0], $0x1400  }
0x81: {  	[sflag:s0] =	ssyncset.done $0x0  }
0x82: {  	[sflag:s0] =	ssyncadd.s32 $0xFFFFEC00  }
0x83: {  	_ =	swait.ge [sflag:s0], $0x1400  }
0x84: {  	[sflag:s0] =	ssyncset.done $0x0  }
0x85: {  	[sflag:s0] =	ssyncadd.s32 $0xFFFFEC00  }
0x86: {  	_ =	swait.ge [sflag:s0], $0x1400  }
0x87: {  	[sflag:s0] =	ssyncset.done $0x0  }
0x88: {  	[sflag:s0] =	ssyncadd.s32 $0xFFFFEC00  }
0x89: {  	_ =	swait.ge [sflag:s0], $0x1400  }
0x8a: {  	[sflag:s0] =	ssyncset.done $0x0  }
0x8b: {  	[sflag:s0] =	ssyncadd.s32 $0xFFFFEC00  }
0x8c: {  	_ =	swait.ge [sflag:s0], $0x1400  }
0x8d: {  	[sflag:s0] =	ssyncset.done $0x0  }
0x8e: {  	[sflag:s0] =	ssyncadd.s32 $0xFFFFEC00  }
0x8f: {  	[spmem:s2] =	stream.indirect.scatter.add.f32 [tilespmem:s26], [sflag:$0x3], $0x40, s18, s17, $0xb8;
	[tilespmem:$0x12720] =	vst v63  }
0x90: {  	_ = 	snop  }
0x91: {  	[spmem:s2] =	stream.indirect.scatter.add.f32 [tilespmem:s28], [sflag:$0x3], $0x40, s16, s17, $0xb8;
	[tilespmem:$0x12720] =	vst v63  }
0x92: {  	_ = 	snop  }
0x93: {  	[spmem:s2] =	stream.indirect.scatter.add.f32 [tilespmem:s29], [sflag:$0x3], $0x40, s19, s17, $0xb8;
	[tilespmem:$0x12720] =	vst v63  }
0x94: {  	_ = 	snop  }
0x95: {  	[spmem:s2] =	stream.indirect.scatter.add.f32 [tilespmem:s30], [sflag:$0x3], $0x40, s21, s17, $0xb8;
	[tilespmem:$0x12720] =	vst v63  }
0x96: {  	_ = 	snop  }
0x97: {  	[spmem:s2] =	stream.indirect.scatter.add.f32 [tilespmem:s31], [sflag:$0x3], $0x40, s24, s17, $0xb8;
	[tilespmem:$0x12720] =	vst v63  }
0x98: {  	s10 =	stileid.u32;
	s9 =	simm.s32 $0x190;
	_ =	swait.ge [sflag:s1], $0x1400  }
.LBB2_4:
0x99: {  	[sflag:s1] =	ssyncset.done $0x0  }
0x9a: {  	[sflag:s1] =	ssyncadd.s32 $0xFFFFEC00  }
0x9b: {  	_ =	swait.ge [sflag:s1], $0x1400  }
0x9c: {  	[sflag:s1] =	ssyncset.done $0x0  }
0x9d: {  	[sflag:s1] =	ssyncadd.s32 $0xFFFFEC00  }
0x9e: {  	_ =	swait.ge [sflag:s1], $0x1400  }
0x9f: {  	[sflag:s1] =	ssyncset.done $0x0  }
0xa0: {  	[sflag:s1] =	ssyncadd.s32 $0xFFFFEC00  }
0xa1: {  	_ =	swait.ge [sflag:s1], $0x1400  }
0xa2: {  	[sflag:s1] =	ssyncset.done $0x0  }
0xa3: {  	[sflag:s1] =	ssyncadd.s32 $0xFFFFEC00  }
0xa4: {  	_ =	swait.ge [sflag:s1], $0x1400  }
0xa5: {  	s18 =	rddreg [dreg:$0x9]  }
0xa6: {  	s14 =	rddreg [dreg:$0xb]  }
0xa7: {  	s10 =	sadd.s32 $0x1, s10;
	s8 =	rddreg [dreg:$0x6]  }
0xa8: {  	s11 =	smulhi.u32 $0x51EB851F, s10;
	s15 =	rddreg [dreg:$0x5]  }
0xa9: {  	s6 =	rddreg [dreg:$0x7]  }
0xaa: {  	s11 =	sshrl.u32 s11, $0x3;
	s16 =	rddreg [dreg:$0xc]  }
0xab: {  	s13 =	smul.u32 $0x2710, s11;
	s19 =	rddreg [dreg:$0x8]  }
0xac: {  	s12 =	smov.u32 s9;
	s20 =	rddreg [dreg:$0xa]  }
0xad: {  	s7 =	ssub.s32 s22, s13;
	[sflag:s1] =	ssyncset.done $0x0;
	s21 =	rddreg [dreg:$0x4]  }
0xae: {  	[sflag:s1] =	ssyncadd.s32 $0xFFFFEC00;
	s11 =	ssub.s32 s18, s13;
	s14 =	ssub.s32 s14, s13  }
0xaf: {  	s18 =	rddreg [dreg:$0x3];
	s15 =	ssub.s32 s15, s13;
	s6 =	ssub.s32 s6, s13  }
0xb0: {  	s8 =	ssub.s32 s8, s13;
	s16 =	ssub.s32 s16, s13;
	s12 =	sadd.s32 s12, s18  }
0xb1: {  	s19 =	ssub.s32 s19, s13;
	s7 =	sadd.s32 s7, s12;
	s16 =	sadd.s32 s16, s12  }
0xb2: {  	s18 =	sadd.s32 s19, s12;
	s19 =	ssub.s32 s20, s13;
	s20 =	simm.s32 $0xF0  }
0xb3: {  	s13 =	ssub.s32 s21, s13;
	s6 =	sadd.s32 s6, s12;
	s14 =	sadd.s32 s14, s12  }
0xb4: {  	s8 =	sadd.s32 s8, s12;
	s7 =	sshrl.u32 s7, $0x3;
	s16 =	sshrl.u32 s16, $0x3  }
0xb5: {  	s18 =	sshrl.u32 s18, $0x3;
	s6 =	sshrl.u32 s6, $0x3;
	s7 =	sadd.s32 s5, s7  }
0xb6: {  	[tilespmem:s3], [sflag:$0x1] =	stream.linear.gather [hbm4b:s7+s3], $0x50, $0x38;
	[tilespmem:$0x12720] =	vst v63  }
0xb7: {  	s14 =	sshrl.u32 s14, $0x3;
	s7 =	sadd.s32 s5, s18;
	s18 =	simm.s32 $0x190  }
0xb8: {  	[tilespmem:s18], [sflag:$0x1] =	stream.linear.gather [hbm4b:s7+s3], $0x50, $0x38;
	[tilespmem:$0x12720] =	vst v63  }
0xb9: {  	s6 =	sadd.s32 s5, s6;
	s7 =	sadd.s32 s5, s16;
	s16 =	sadd.s32 s19, s12  }
0xba: {  	[tilespmem:s17], [sflag:$0x1] =	stream.linear.gather [hbm4b:s7+s3], $0x50, $0x38;
	[tilespmem:$0x12720] =	vst v63  }
0xbb: {  	s7 =	sshrl.u32 s8, $0x3;
	s8 =	sshrl.u32 s16, $0x3;
	s16 =	simm.s32 $0x1E0  }
0xbc: {  	[tilespmem:s16], [sflag:$0x1] =	stream.linear.gather [hbm4b:s6+s3], $0x50, $0x38;
	[tilespmem:$0x12720] =	vst v63  }
0xbd: {  	s6 =	sadd.s32 s5, s14;
	s14 =	sadd.s32 s15, s12;
	s15 =	simm.s32 $0xA0  }
0xbe: {  	[tilespmem:s15], [sflag:$0x1] =	stream.linear.gather [hbm4b:s6+s3], $0x50, $0x38;
	[tilespmem:$0x12720] =	vst v63  }
0xbf: {  	s21 =	simm.s32 $0x280;
	s19 =	simm.s32 $0x230;
	s6 =	sadd.s32 s5, s7  }
0xc0: {  	[tilespmem:s19], [sflag:$0x1] =	stream.linear.gather [hbm4b:s6+s3], $0x50, $0x38;
	[tilespmem:$0x12720] =	vst v63  }
0xc1: {  	s8 =	sadd.s32 s5, s8;
	s7 =	sshrl.u32 s14, $0x3;
	s14 =	sadd.s32 s11, s12  }
0xc2: {  	[tilespmem:s20], [sflag:$0x1] =	stream.linear.gather [hbm4b:s8+s3], $0x50, $0x38;
	[tilespmem:$0x12720] =	vst v63  }
0xc3: {  	s13 =	sadd.s32 s13, s12;
	s7 =	sadd.s32 s5, s7;
	s11 =	sshrl.u32 s14, $0x3  }
0xc4: {  	[tilespmem:s21], [sflag:$0x1] =	stream.linear.gather [hbm4b:s7+s3], $0x50, $0x38;
	[tilespmem:$0x12720] =	vst v63  }
0xc5: {  	s13 =	sshrl.u32 s13, $0x3;
	s12 =	sadd.s32 s5, s11  }
0xc6: {  	[tilespmem:s23], [sflag:$0x1] =	stream.linear.gather [hbm4b:s12+s3], $0x50, $0x38;
	[tilespmem:$0x12720] =	vst v63  }
0xc7: {  	s14 =	sadd.s32 s5, s13  }
0xc8: {  	[tilespmem:s24], [sflag:$0x1] =	stream.linear.gather [hbm4b:s14+s3], $0x50, $0x38;
	[tilespmem:$0x12720] =	vst v63  }
0xc9: {  	_ =	swait.ge [sflag:s25], $0x50  }
0xca: {  	[sflag:s25] =	ssyncset.done $0x0  }
0xcb: {  	[sflag:s25] =	ssyncadd.s32 $0xFFFFFFB0  }
0xcc: {  	_ =	swait.ge [sflag:s25], $0x50  }
0xcd: {  	[sflag:s25] =	ssyncset.done $0x0  }
0xce: {  	[sflag:s25] =	ssyncadd.s32 $0xFFFFFFB0  }
0xcf: {  	_ =	swait.ge [sflag:s25], $0x50  }
0xd0: {  	[sflag:s25] =	ssyncset.done $0x0  }
0xd1: {  	[sflag:s25] =	ssyncadd.s32 $0xFFFFFFB0  }
0xd2: {  	_ =	swait.ge [sflag:s25], $0x50  }
0xd3: {  	[sflag:s25] =	ssyncset.done $0x0  }
0xd4: {  	[sflag:s25] =	ssyncadd.s32 $0xFFFFFFB0  }
0xd5: {  	_ =	swait.ge [sflag:s25], $0x50  }
0xd6: {  	[sflag:s25] =	ssyncset.done $0x0  }
0xd7: {  	[sflag:s25] =	ssyncadd.s32 $0xFFFFFFB0  }
0xd8: {  	_ =	swait.ge [sflag:s25], $0x50  }
0xd9: {  	[sflag:s25] =	ssyncset.done $0x0  }
0xda: {  	[sflag:s25] =	ssyncadd.s32 $0xFFFFFFB0  }
0xdb: {  	_ =	swait.ge [sflag:s25], $0x50  }
0xdc: {  	[sflag:s25] =	ssyncset.done $0x0  }
0xdd: {  	[sflag:s25] =	ssyncadd.s32 $0xFFFFFFB0  }
0xde: {  	_ =	swait.ge [sflag:s25], $0x50  }
0xdf: {  	[sflag:s25] =	ssyncset.done $0x0  }
0xe0: {  	[sflag:s25] =	ssyncadd.s32 $0xFFFFFFB0  }
0xe1: {  	_ =	swait.ge [sflag:s25], $0x50  }
0xe2: {  	[sflag:s25] =	ssyncset.done $0x0  }
0xe3: {  	[sflag:s25] =	ssyncadd.s32 $0xFFFFFFB0  }
0xe4: {  	_ =	swait.ge [sflag:s25], $0x50  }
0xe5: {  	[sflag:s25] =	ssyncset.done $0x0  }
0xe6: {  	[sflag:s25] =	ssyncadd.s32 $0xFFFFFFB0  }
0xe7: {  	[tilespmem:s26], [sflag:$0x2] =	stream.indirect.gather [hbm4b:s4+s17], $0x40, s3, s17, $0xb8;
	[tilespmem:$0x12720] =	vst v63  }
0xe8: {  	_ = 	snop  }
0xe9: {  	[tilespmem:s28], [sflag:$0x2] =	stream.indirect.gather [hbm4b:s4+s17], $0x40, s17, s17, $0xb8;
	[tilespmem:$0x12720] =	vst v63  }
0xea: {  	_ = 	snop  }
0xeb: {  	[tilespmem:s29], [sflag:$0x2] =	stream.indirect.gather [hbm4b:s4+s17], $0x40, s15, s17, $0xb8;
	[tilespmem:$0x12720] =	vst v63  }
0xec: {  	_ = 	snop  }
0xed: {  	[tilespmem:s30], [sflag:$0x2] =	stream.indirect.gather [hbm4b:s4+s17], $0x40, s20, s17, $0xb8;
	[tilespmem:$0x12720] =	vst v63  }
0xee: {  	_ = 	snop  }
0xef: {  	[tilespmem:s31], [sflag:$0x2] =	stream.indirect.gather [hbm4b:s4+s17], $0x40, s23, s17, $0xb8;
	[tilespmem:$0x12720] =	vst v63  }
0xf0: {  	_ =	swait.ge [sflag:s0], $0x1400  }
0xf1: {  	[sflag:s0] =	ssyncset.done $0x0  }
0xf2: {  	[sflag:s0] =	ssyncadd.s32 $0xFFFFEC00  }
0xf3: {  	_ =	swait.ge [sflag:s0], $0x1400  }
0xf4: {  	[sflag:s0] =	ssyncset.done $0x0  }
0xf5: {  	[sflag:s0] =	ssyncadd.s32 $0xFFFFEC00  }
0xf6: {  	_ =	swait.ge [sflag:s0], $0x1400  }
0xf7: {  	[sflag:s0] =	ssyncset.done $0x0  }
0xf8: {  	[sflag:s0] =	ssyncadd.s32 $0xFFFFEC00  }
0xf9: {  	_ =	swait.ge [sflag:s0], $0x1400  }
0xfa: {  	[sflag:s0] =	ssyncset.done $0x0  }
0xfb: {  	[sflag:s0] =	ssyncadd.s32 $0xFFFFEC00  }
0xfc: {  	_ =	swait.ge [sflag:s0], $0x1400  }
0xfd: {  	[sflag:s0] =	ssyncset.done $0x0  }
0xfe: {  	[sflag:s0] =	ssyncadd.s32 $0xFFFFEC00  }
0xff: {  	[spmem:s2] =	stream.indirect.scatter.add.f32 [tilespmem:s26], [sflag:$0x3], $0x40, s18, s17, $0xb8;
	[tilespmem:$0x12720] =	vst v63  }
0x100: {  	_ = 	snop  }
0x101: {  	[spmem:s2] =	stream.indirect.scatter.add.f32 [tilespmem:s28], [sflag:$0x3], $0x40, s16, s17, $0xb8;
	[tilespmem:$0x12720] =	vst v63  }
0x102: {  	p0 =	sne.s32 s9, $0x2580  }
0x103: {  	[spmem:s2] =	stream.indirect.scatter.add.f32 [tilespmem:s29], [sflag:$0x3], $0x40, s19, s17, $0xb8;
	[tilespmem:$0x12720] =	vst v63  }
.Ltmp1:
0x104: {  	_ = 	snop;
	(pc) =	sbr.rel @p0 .LBB2_4-.Ltmp1, $4  }
0x105: {  	[spmem:s2] =	stream.indirect.scatter.add.f32 [tilespmem:s30], [sflag:$0x3], $0x40, s21, s17, $0xb8;
	[tilespmem:$0x12720] =	vst v63  }
0x106: {  	_ = 	snop  }
0x107: {  	[spmem:s2] =	stream.indirect.scatter.add.f32 [tilespmem:s31], [sflag:$0x3], $0x40, s24, s17, $0xb8;
	[tilespmem:$0x12720] =	vst v63  }
0x108: {  	s9 =	sadd.s32 $0x190, s9;
	_ =	swait.ge [sflag:s1], $0x1400  }
0x109: {  	[sflag:s1] =	ssyncset.done $0x0  }
0x10a: {  	[sflag:s1] =	ssyncadd.s32 $0xFFFFEC00  }
0x10b: {  	_ =	swait.ge [sflag:s1], $0x1400  }
0x10c: {  	[sflag:s1] =	ssyncset.done $0x0  }
0x10d: {  	[sflag:s1] =	ssyncadd.s32 $0xFFFFEC00  }
0x10e: {  	_ =	swait.ge [sflag:s1], $0x1400  }
0x10f: {  	[sflag:s1] =	ssyncset.done $0x0  }
0x110: {  	[sflag:s1] =	ssyncadd.s32 $0xFFFFEC00  }
0x111: {  	_ =	swait.ge [sflag:s1], $0x1400  }
0x112: {  	[sflag:s1] =	ssyncset.done $0x0  }
0x113: {  	[sflag:s1] =	ssyncadd.s32 $0xFFFFEC00  }
0x114: {  	_ =	swait.ge [sflag:s1], $0x1400  }
0x115: {  	[sflag:s1] =	ssyncset.done $0x0  }
0x116: {  	[sflag:s1] =	ssyncadd.s32 $0xFFFFEC00  }
0x117: {  	s12 =	stileid.u32;
	[bflag:$0x0] =	sbarrier.arrive $0xFFFF  }
0x118: {  	s6 =	sshll.u32 s12, $0x6;
	s13 =	rddreg [dreg:$0xd]  }
0x119: {  	s6 =	sor.u32 $0x1C04, s6;
	s8 =	rddreg [dreg:$0x12];
	s7 =	sshrl.u32 s13, $0x3  }
0x11a: {  	[hbm:s8], [sflag:s6] =	dma.local [spmem:s7], $0x1400  }
0x11b: {  	s8 =	simm.s32 $0x4  }
0x11c: {  	_ =	swait.ge [sflag:s8], $0x1400  }
0x11d: {  	s11 =	rddreg [dreg:$0x14]  }
0x11e: {  	s14 =	rddreg [dreg:$0x13];
	s7 =	sadd.s32 $0x1, s11  }
0x11f: {  	p0 =	sne.s32 s7, s14  }
.Ltmp2:
0x120: {  	_ = 	snop;
	(pc) =	sbr.rel @p0 .LBB2_1-.Ltmp2, $3  }
0x121: {  	_ =	sdelay $0x1  }
0x122: {  	[sflag:s8] =	ssyncset.done $0x0  }
0x123: {  	[sflag:s8] =	ssyncadd.s32 $0xFFFFEC00  }
0x124: {  	_ =	sfence.sel $0x180000  }
0x125: {  	[bflag:$0x0] =	sbarrier.arrive $0xFFFF  }
0x126: {  	_ =	strace $0x9000004A  }
0x127: {  	[bflag:$0x2] =	sbarrier.arrive $0xFFFF  }
0x128: {  	p0 =	sne.s32 s12, $0x0;
	s0 =	rddreg [dreg:$0x2]  }
0x129: {  	s0 =	sadd.s32 @!p0 $0x100000, s0  }
0x12a: {  	[sflag:s0] =	ssyncadd.tile.s32 @!p0 $0x1;
	_ =	shalt  }
.Lfunc_end2:
_tile_overlayer_lowered:
.L_overlay_start_2:
0x12b: {  	(tag) =	ssettag $0x2  }
0x12c: {  	s0 =	rddreg [dreg:$0x0];
	s2 =	stileid.u32  }
0x12d: {  	s1 =	rddreg [dreg:$0x1];
	p0 =	sne.s32 s2, $0x0  }
0x12e: {  	s3 =	rddreg [dreg:$0x2];
	[bflag:$0x3] =	sbarrier.arrive $0xFFFF;
	s2 =	simm.s32 @!p0 $0x1C04  }
0x12f: {  	[timem:s3], [sflag:s2] =	dma.local @!p0 [hbm:s0], s1  }
0x130: {  	s0 =	simm.s32 @!p0 $0x4  }
0x131: {  	_ =	swait.ge @!p0 [sflag:s0], s1  }
0x132: {  	s1 =	ssub.s32 @!p0 $0x0, s1;
	[sflag:s0] =	ssyncset.done @!p0 $0x0  }
0x133: {  	[sflag:s0] =	ssyncadd.s32 @!p0 s1  }
0x134: {  	[bflag:$0x3] =	sbarrier.arrive $0xFFFF  }
0x135: {  	_ =	shalt  }

// kernel: kernel.15.cloned.1.call-start
scs
__scs_entry_jumppad:
0x0: {  	(pc) =	sbr.rel $0x88, $3  }
0x1: {  	(tag) =	ssettag $0x0;
	lr =	simm.s32 $0x1  }
0x2: {  	[smem:$0x3F98] =	sst lr;
	_ =	strace $0xD0000000  }
0x3: {  	_ = 	snop  }
0x4: {  	_ = 	snop  }
0x5: {  	_ = 	snop  }
0x6: {  	_ = 	snop  }
0x7: {  	_ = 	snop  }
__scs_overlays_trampoline_lowered:
0x8: {  	[smem:$0x3FA7] =	sst s0  }
0x9: {  	[smem:$0x3FA8] =	sst s1  }
0xa: {  	[smem:$0x3FA9] =	sst s2  }
0xb: {  	[smem:$0x3FAA] =	sst s3  }
0xc: {  	[smem:$0x3FAB] =	sst s4  }
0xd: {  	[smem:$0x3FAC] =	sst s5  }
0xe: {  	[smem:$0x3FAD] =	sst s6  }
0xf: {  	[smem:$0x3FAE] =	sst s7  }
0x10: {  	[smem:$0x3FAF] =	sst s8  }
0x11: {  	[smem:$0x3FB0] =	sst s9;
	s0 =	simm.s32 @!p0 $0x0  }
0x12: {  	s1 =	sld [smem:$0x3F96];
	s0 =	simm.s32 @p0 $0x1  }
0x13: {  	[smem:$0x3FB1] =	sst s0;
	s0 =	simm.s32 @!p1 $0x0  }
0x14: {  	s2 =	sld [smem:$0x3F95];
	s0 =	simm.s32 @p1 $0x1  }
0x15: {  	[smem:$0x3FB2] =	sst s0;
	s0 =	simm.s32 @!p2 $0x0  }
0x16: {  	s3 =	sld [smem:$0x3FDB];
	s0 =	simm.s32 @p2 $0x1  }
0x17: {  	s4 =	simm.s32 $0x1BF5;
	[smem:$0x3FB4] =	sst s0  }
0x18: {  	s0 =	sld [smem:$0x3F97];
	_ =	swait.ge [sflag:s4], $0x0  }
0x19: {  	s7 =	sld [smem:$0x3F98]  }
0x1a: {  	s8 =	sadd.s32 $0xFFFFE003, lr  }
0x1b: {  	s9 =	sadd.s32 $0xFFFFFEF7, lr;
	s5 =	simm.s32 $0xFFFFFFFF;
	p2 =	slt.u32 s8, $0xFFFFF086  }
0x1c: {  	p1 =	slt.u32 s9, $0xF7A;
	s5 =	simm.s32 @!p2 $0x0  }
0x1d: {  	s5 =	simm.s32 @p1 $0x1;
	p0 =	seq.s32 s7, s2  }
0x1e: {  	s7 =	smul.u32 @!p0 $0xF7A, s2;
	p2 =	seq.s32 @!p0 s5, $0x0  }
0x1f: {  	s9 =	smul.u32 $0xF7A, s1;
	s8 =	simm.s32 @!p0 $0x1BF5;
	p2 =	por !p2, p0  }
0x20: {  	[sflag:s8] =	ssyncset.s32 @!p0 $0xFFFFF086;
	s6 =	sadd.s32 @!p0 s3, s7;
	s7 =	simm.s32 @!p0 $0x108  }
0x21: {  	s3 =	sadd.s32 s3, s9;
	s6 =	sadd.s32 @!p0 $0x88, s6;
	s7 =	simm.s32 @p2 $0x1082  }
0x22: {  	[simem:s7], [sflag:s8] =	dma.local @!p0 [hbm:s6], $0xF7A  }
0x23: {  	s9 =	sor.u32 $0xD0000000, s2;
	s6 =	simm.s32 $0x108;
	_ =	swait.ge @!p0 [sflag:s8], $0x0  }
0x24: {  	s3 =	sadd.s32 $0x88, s3;
	s6 =	simm.s32 @!p1 $0x1082;
	[sflag:s4] =	ssyncset.s32 $0xFFFFF086  }
0x25: {  	[simem:s6], [sflag:s4] =	dma.local [hbm:s3], $0xF7A  }
0x26: {  	[smem:$0x3F98] =	sst s1;
	(tag) =	ssettag s2;
	_ =	strace s9  }
0x27: {  	s1 =	sld [smem:$0x3FA8]  }
0x28: {  	s2 =	sld [smem:$0x3FA9]  }
0x29: {  	s4 =	sld [smem:$0x3FAB]  }
0x2a: {  	p0 =	seq.s32 s5, $0x0;
	s5 =	sld [smem:$0x3FAC]  }
0x2b: {  	s6 =	sld [smem:$0x3FAD]  }
0x2c: {  	s7 =	sld [smem:$0x3FAE]  }
0x2d: {  	s3 =	simm.s32 $0x108;
	s8 =	sld [smem:$0x3FAF]  }
0x2e: {  	s3 =	simm.s32 @!p0 $0x1082;
	s9 =	sld [smem:$0x3FB0]  }
0x2f: {  	lr =	sadd.s32 s0, s3;
	s0 =	sld [smem:$0x3FA7]  }
0x30: {  	s3 =	sld [smem:$0x3FAA]  }
0x31: {  	[smem:$0x3FB3] =	sst s10  }
0x32: {  	s10 =	sld [smem:$0x3FB1];
	_ =	sdelay $0x3  }
0x33: {  	p0 =	seq.s32 s10, $0x1;
	s10 =	sld [smem:$0x3FB3];
	_ =	sdelay $0x3  }
0x34: {  	[smem:$0x3FB3] =	sst s10  }
0x35: {  	s10 =	sld [smem:$0x3FB2];
	_ =	sdelay $0x3  }
0x36: {  	p1 =	seq.s32 s10, $0x1;
	s10 =	sld [smem:$0x3FB3];
	_ =	sdelay $0x3  }
0x37: {  	[smem:$0x3FB3] =	sst s10  }
0x38: {  	s10 =	sld [smem:$0x3FB4]  }
0x39: {  	_ = 	snop;
	(pc) =	sbr.ind lr, $3  }
0x3a: {  	_ = 	snop  }
0x3b: {  	_ = 	snop  }
0x3c: {  	p2 =	seq.s32 s10, $0x1;
	s10 =	sld [smem:$0x3FB3]  }
0x3d: {  	_ =	shalt  }
0x3e: {  	_ =	shalt  }
0x3f: {  	_ =	shalt  }
0x40: {  	_ =	shalt  }
0x41: {  	_ =	shalt  }
0x42: {  	_ =	shalt  }
0x43: {  	_ =	shalt  }
0x44: {  	_ =	shalt  }
0x45: {  	_ =	shalt  }
0x46: {  	_ =	shalt  }
0x47: {  	_ =	shalt  }
0x48: {  	_ =	shalt  }
0x49: {  	_ =	shalt  }
0x4a: {  	_ =	shalt  }
0x4b: {  	_ =	shalt  }
0x4c: {  	_ =	shalt  }
0x4d: {  	_ =	shalt  }
0x4e: {  	_ =	shalt  }
0x4f: {  	_ =	shalt  }
0x50: {  	_ =	shalt  }
0x51: {  	_ =	shalt  }
0x52: {  	_ =	shalt  }
0x53: {  	_ =	shalt  }
0x54: {  	_ =	shalt  }
0x55: {  	_ =	shalt  }
0x56: {  	_ =	shalt  }
0x57: {  	_ =	shalt  }
0x58: {  	_ =	shalt  }
0x59: {  	_ =	shalt  }
0x5a: {  	_ =	shalt  }
0x5b: {  	_ =	shalt  }
0x5c: {  	_ =	shalt  }
0x5d: {  	_ =	shalt  }
0x5e: {  	_ =	shalt  }
0x5f: {  	_ =	shalt  }
0x60: {  	_ =	shalt  }
0x61: {  	_ =	shalt  }
0x62: {  	_ =	shalt  }
0x63: {  	_ =	shalt  }
0x64: {  	_ =	shalt  }
0x65: {  	_ =	shalt  }
0x66: {  	_ =	shalt  }
0x67: {  	_ =	shalt  }
0x68: {  	_ =	shalt  }
0x69: {  	_ =	shalt  }
0x6a: {  	_ =	shalt  }
0x6b: {  	_ =	shalt  }
0x6c: {  	_ =	shalt  }
0x6d: {  	_ =	shalt  }
0x6e: {  	_ =	shalt  }
0x6f: {  	_ =	shalt  }
0x70: {  	_ =	shalt  }
0x71: {  	_ =	shalt  }
0x72: {  	_ =	shalt  }
0x73: {  	_ =	shalt  }
0x74: {  	_ =	shalt  }
0x75: {  	_ =	shalt  }
0x76: {  	_ =	shalt  }
0x77: {  	_ =	shalt  }
0x78: {  	_ =	shalt  }
0x79: {  	_ =	shalt  }
0x7a: {  	_ =	shalt  }
0x7b: {  	_ =	shalt  }
0x7c: {  	_ =	shalt  }
0x7d: {  	_ =	shalt  }
0x7e: {  	_ =	shalt  }
0x7f: {  	_ =	shalt  }
0x80: {  	_ =	shalt  }
0x81: {  	_ =	shalt  }
0x82: {  	_ =	shalt  }
0x83: {  	_ =	shalt  }
0x84: {  	_ =	shalt  }
0x85: {  	_ =	shalt  }
0x86: {  	_ =	shalt  }
0x87: {  	_ =	shalt  }
.Lfunc_end0:
.L_simem_size_0:
called_computation.2_lowered:
.L_overlay_start_0:
0x88: {  	s2 =	sld [smem:$0x3FD9]  }
0x89: {  	s3 =	sld [smem:$0x3FFE];
	_ =	sdelay $0x1  }
0x8a: {  	s1 =	srdreg.scid  }
0x8b: {  	s0 =	sand.u32 $0x1, s1  }
0x8c: {  	s16 =	sshll.u32 s0, $0xA;
	s2 =	sadd.s32 s3, s2  }
0x8d: {  	s2 =	sadd.s32 s2, s16  }
0x8e: {  	[smem:$0x3FBF] =	sst s2  }
0x8f: {  	_ = 	snop  }
0x90: {  	(tm) =	ssettm $0x1  }
0x91: {  	s17 =	sld [smem:$0x3FFB];
	_ =	sdelay $0x3  }
0x92: {  	_ =	strace s17  }
0x93: {  	s2 =	sld [smem:$0x3FFC];
	_ =	sdelay $0x3  }
0x94: {  	_ =	strace s2  }
0x95: {  	s2 =	sld [smem:$0x3FFD];
	_ =	sdelay $0x3  }
0x96: {  	_ =	strace s2  }
0x97: {  	_ =	strace $0x8FFFFFFF  }
0x98: {  	s18 =	sld [smem:$0x3FDB];
	_ =	sdelay $0x1  }
0x99: {  	s19 =	simm.s32 $_scs_section_size  }
0x9a: {  	s4 =	simm.s32 $_size__tile_overlayer_lowered;
	s5 =	simm.s32 $_tile_overlayer_lowered  }
0x9b: {  	s22 =	simm.s32 $0x1BFF;
	s21 =	sshll.u32 s5, $0x1;
	s2 =	sadd.s32 s19, s18  }
0x9c: {  	s6 =	simm.s32 $0x0;
	s20 =	sshll.u32 s4, $0x1;
	s4 =	sadd.s32 s21, s2  }
0x9d: {  	[timem:s6], [sflag:s22] =	dma.local [hbm:s4], s20  }
0x9e: {  	_ =	swait.ge [sflag:s22], s20  }
0x9f: {  	s3 =	ssub.s32 $0x0, s20;
	[sflag:s22] =	ssyncset.done $0x0  }
0xa0: {  	[sflag:s22] =	ssyncadd.s32 s3;
	_ =	sdelay $0x1  }
0xa1: {  	s23 =	simm.s32 $0x1B8B  }
0xa2: {  	_ =	swait.ge [sflag:s23], $0x1  }
0xa3: {  	[sflag:s23] =	ssyncset.done $0x0  }
0xa4: {  	s25 =	simm.s32 $0x1B8E;
	s24 =	sld [smem:$0x3FFE];
	[sflag:s23] =	ssyncadd.s32 $0xFFFFFFFF  }
0xa5: {  	s26 =	simm.s32 $execute0_lowered;
	[smem:$0x3FD2] =	sst s25  }
0xa6: {  	s4 =	sshll.u32 s26, $0x1;
	_ =	strace $0x8000004C;
	[dreg:$0x1] =	wrdreg $0xFFFFFFFF  }
0xa7: {  	s28 =	simm.s32 $_size_execute0_lowered;
	s2 =	sadd.s32 s2, s4;
	[dreg:$0x0] =	wrdreg $0x0  }
0xa8: {  	s4 =	sshll.u32 s28, $0x1;
	[dreg:$0x2] =	wrdreg s2  }
0xa9: {  	[dreg:$0x3] =	wrdreg s4  }
0xaa: {  	[dreg:$0x4] =	wrdreg $0xC0  }
0xab: {  	_ =	task [dreg:s6], $0x5FFFF  }
0xac: {  	[dreg:$0x1] =	wrdreg $0xFFFFFFFF  }
0xad: {  	[dreg:$0x0] =	wrdreg $0x60  }
0xae: {  	[dreg:$0x2] =	wrdreg s24  }
0xaf: {  	[dreg:$0x3] =	wrdreg $0x87200  }
0xb0: {  	[dreg:$0x4] =	wrdreg $0x9  }
0xb1: {  	_ =	task.clear_ibuf [dreg:s6], $0x5FFFF;
	_ =	strace $0x9000004C  }
0xb2: {  	s29 =	simm.s32 $0x9;
	_ =	strace $0x8000004E  }
0xb3: {  	_ =	swait.ge [sflag:s29], $0x1  }
0xb4: {  	[sflag:s29] =	ssyncadd.s32 $0xFFFFFFFF  }
0xb5: {  	_ =	strace $0x9000004E  }
0xb6: {  	_ =	sfence  }
0xb7: {  	s30 =	sld [smem:$0x0];
	_ =	sdelay $0x2  }
0xb8: {  	s31 =	sshll.u32 s1, $0xD;
	s1 =	sshrl.u32 s1, $0x2  }
0xb9: {  	s3 =	sand.u32 $0x4000, s31;
	s1 =	sadd.s32 s1, s30  }
0xba: {  	s0 =	sor.u32 s3, s0;
	s1 =	sshll.u32 s1, $0x11  }
0xbb: {  	s0 =	sor.u32 s1, s0  }
0xbc: {  	s0 =	sadd.s32 $0x8F2B, s0  }
0xbd: {  	[sflag:s0] =	ssyncadd.remote.s32 $0x1  }
0xbe: {  	_ =	sfence.sel $0xFFFF  }
0xbf: {  	[dreg:$0x0] =	wrdreg $0xFFFFFFFF;
	(pc) =	sbr.abs _section_cstart, $3  }
0xc0: {  	[dreg:$0x1] =	wrdreg $0xFFFFFFFF  }
0xc1: {  	_ =	task.clear_ibuf [dreg:s6], $0x2FFFF;
	_ =	strace $0x9FFFFFFF  }
0xc2: {  	(tm) =	ssettm $0x7FFFFFFF  }
0xc3: {  	_ =	shalt  }
tec
execute0_lowered:
.L_overlay_start_1:
0x0: {  	(tag) =	ssettag $0x1  }
0x1: {  	s0 =	rddreg [dreg:$0x0]  }
0x2: {  	s2 =	rddreg [dreg:$0x1];
	s1 =	srdreg.scid  }
0x3: {  	s12 =	stileid.u32;
	s3 =	simm.s32 $0x0;
	s28 =	simm.s32 $0x1720  }
0x4: {  	s29 =	simm.s32 $0x2B20;
	s30 =	simm.s32 $0x3F20;
	s7 =	smul.u32 $0xA000, s12  }
0x5: {  	s1 =	sand.u32 $0x1, s1;
	[smem:$0x7FF] =	sst s3;
	s9 =	smul.u32 $0x28A0, s12  }
0x6: {  	_ =	strace $0x8000004D;
	s8 =	ssub.s32 $0x2, s1;
	s22 =	smul.u32 $0x27100, s1  }
0x7: {  	s11 =	sshrl.u32 s8, $0x1;
	s13 =	sadd.s32 s7, s2;
	[dreg:$0x3] =	wrdreg s9  }
0x8: {  	s26 =	ssub.s32 s8, s11;
	s11 =	sadd.s32 $0x4E340, s22;
	[dreg:$0xd] =	wrdreg s13  }
0x9: {  	s31 =	simm.s32 $0x5320;
	s14 =	sadd.s32 $0x4E2F0, s22;
	[dreg:$0x4] =	wrdreg s11  }
0xa: {  	s4 =	sadd.s32 $0x15600, s0;
	s15 =	sadd.s32 $0x4E2A0, s22;
	[dreg:$0x5] =	wrdreg s14  }
0xb: {  	s6 =	smul.u32 $0xA0000, s1;
	s17 =	sadd.s32 $0x4E250, s22;
	[dreg:$0x6] =	wrdreg s15  }
0xc: {  	s5 =	sadd.s32 $0x1C00, s0;
	s19 =	sadd.s32 $0x4E200, s22;
	[dreg:$0x7] =	wrdreg s17  }
0xd: {  	s6 =	sadd.s32 s7, s6;
	s21 =	sadd.s32 $0x140, s22;
	[dreg:$0x8] =	wrdreg s19  }
0xe: {  	s24 =	sor.u32 $0xF0, s22;
	s25 =	sor.u32 $0xA0, s22;
	[dreg:$0x9] =	wrdreg s21  }
0xf: {  	s7 =	simm.s32 $0x0;
	s10 =	sshrl.u32 s6, $0x3;
	[dreg:$0xa] =	wrdreg s24  }
0x10: {  	s1 =	smax.u32 s26, $0x1;
	[dreg:$0xb] =	wrdreg s25;
	s26 =	sor.u32 $0x50, s22  }
0x11: {  	s17 =	simm.s32 $0x50;
	s0 =	sadd.s32 s10, s0;
	s10 =	smul.u32 $0x28000, s12  }
0x12: {  	s15 =	simm.s32 $0xA0;
	s19 =	simm.s32 $0x230;
	s21 =	simm.s32 $0x280  }
0x13: {  	s24 =	simm.s32 $0x2D0;
	[dreg:$0x13] =	wrdreg s1;
	s8 =	sshrl.u32 s10, $0x2  }
0x14: {  	[dreg:$0xc] =	wrdreg s26;
	s0 =	sadd.s32 $0x29000, s0;
	s8 =	sadd.s32 s8, s2  }
0x15: {  	s25 =	simm.s32 $0x1;
	[dreg:$0x12] =	wrdreg s0;
	s16 =	sadd.s32 $0x2000, s8  }
0x16: {  	s26 =	simm.s32 $0x320;
	s18 =	sadd.s32 $0x4000, s8;
	[dreg:$0xe] =	wrdreg s16  }
0x17: {  	s1 =	simm.s32 $0x3;
	s20 =	sadd.s32 $0x6000, s8;
	[dreg:$0xf] =	wrdreg s18  }
0x18: {  	s0 =	simm.s32 $0x2;
	s23 =	sadd.s32 $0x8000, s8;
	[dreg:$0x10] =	wrdreg s20  }
0x19: {  	s8 =	simm.s32 $0x4;
	[dreg:$0x11] =	wrdreg s23;
	s18 =	simm.s32 $0x190  }
0x1a: {  	v0 =	vimm.f32 $0.0e+00;
	s16 =	simm.s32 $0x1E0;
	s20 =	simm.s32 $0xF0;
	s23 =	simm.s32 $0x140  }
.LBB2_1:
0x1b: {  	[dreg:$0x14] =	wrdreg s7;
	s10 =	simm.s32 $0x100;
	s9 =	simm.s32 $0x0  }
.LBB2_2:
0x1c: {  	p0 =	sne.s32 s10, $0x7F00;
	[tilespmem:s9+$0x6750] =	vst v0;
	s11 =	smov.u32 s10;
	s10 =	sadd.s32 $0x100, s10  }
.Ltmp0:
0x1d: {  	[tilespmem:s9+$0x6740] =	vst v0;
	(pc) =	sbr.rel @p0 .LBB2_2-.Ltmp0, $3  }
0x1e: {  	[tilespmem:s9+$0x6720] =	vst v0  }
0x1f: {  	[tilespmem:s9+$0x6730] =	vst v0;
	_ =	sdelay $0x1  }
0x20: {  	s9 =	sshra.s32 s11, $0x2  }
0x21: {  	[tilespmem:s9+$0x6750] =	vst v0  }
0x22: {  	[tilespmem:s9+$0x6740] =	vst v0  }
0x23: {  	[tilespmem:s9+$0x6720] =	vst v0  }
0x24: {  	[tilespmem:s9+$0x6730] =	vst v0;
	s7 =	simm.s32 $0x6720  }
0x25: {  	[spmem:s13] =	stream.linear.scatter [tilespmem:s7], [sflag:$0x4], $0x2000, $0x38;
	[tilespmem:$0x12720] =	vst v63  }
0x26: {  	_ =	swait.ge [sflag:s8], $0x2000  }
0x27: {  	[sflag:s8] =	ssyncset.done $0x0  }
0x28: {  	s6 =	rddreg [dreg:$0xe];
	[sflag:s8] =	ssyncadd.s32 $0xFFFFE000  }
0x29: {  	[spmem:s6] =	stream.linear.scatter [tilespmem:s7], [sflag:$0x4], $0x2000, $0x38;
	[tilespmem:$0x12720] =	vst v63  }
0x2a: {  	_ =	swait.ge [sflag:s8], $0x2000  }
0x2b: {  	[sflag:s8] =	ssyncset.done $0x0  }
0x2c: {  	s9 =	rddreg [dreg:$0xf];
	[sflag:s8] =	ssyncadd.s32 $0xFFFFE000  }
0x2d: {  	[spmem:s9] =	stream.linear.scatter [tilespmem:s7], [sflag:$0x4], $0x2000, $0x38;
	[tilespmem:$0x12720] =	vst v63  }
0x2e: {  	_ =	swait.ge [sflag:s8], $0x2000  }
0x2f: {  	[sflag:s8] =	ssyncset.done $0x0  }
0x30: {  	s10 =	rddreg [dreg:$0x10];
	[sflag:s8] =	ssyncadd.s32 $0xFFFFE000  }
0x31: {  	[spmem:s10] =	stream.linear.scatter [tilespmem:s7], [sflag:$0x4], $0x2000, $0x38;
	[tilespmem:$0x12720] =	vst v63  }
0x32: {  	_ =	swait.ge [sflag:s8], $0x2000  }
0x33: {  	[sflag:s8] =	ssyncset.done $0x0  }
0x34: {  	s11 =	rddreg [dreg:$0x11];
	[sflag:s8] =	ssyncadd.s32 $0xFFFFE000  }
0x35: {  	[spmem:s11] =	stream.linear.scatter [tilespmem:s7], [sflag:$0x4], $0x2000, $0x38;
	[tilespmem:$0x12720] =	vst v63  }
0x36: {  	_ =	swait.ge [sflag:s8], $0x2000  }
0x37: {  	[sflag:s8] =	ssyncset.done $0x0  }
0x38: {  	s12 =	smulhi.u32 $0x51EB851F, s12;
	[sflag:s8] =	ssyncadd.s32 $0xFFFFE000  }
0x39: {  	[bflag:$0x0] =	sbarrier.arrive $0xFFFF  }
0x3a: {  	s9 =	sshrl.u32 s12, $0x3;
	s10 =	rddreg [dreg:$0x3]  }
0x3b: {  	s9 =	smul.u32 $0x2710, s9;
	s11 =	rddreg [dreg:$0x8]  }
0x3c: {  	s14 =	rddreg [dreg:$0x7]  }
0x3d: {  	s13 =	ssub.s32 s22, s9;
	s6 =	rddreg [dreg:$0xc];
	s10 =	sadd.s32 $0x0, s10  }
0x3e: {  	s7 =	rddreg [dreg:$0xb];
	s12 =	sadd.s32 s13, s10  }
0x3f: {  	s8 =	rddreg [dreg:$0x6];
	s11 =	ssub.s32 s11, s9;
	s12 =	sshrl.u32 s12, $0x3  }
0x40: {  	s11 =	sadd.s32 s11, s10;
	s13 =	ssub.s32 s14, s9;
	s12 =	sadd.s32 s5, s12  }
0x41: {  	[tilespmem:s3], [sflag:$0x1] =	stream.linear.gather [hbm4b:s12+s3], $0x50, $0x38;
	[tilespmem:$0x12720] =	vst v63  }
0x42: {  	s14 =	rddreg [dreg:$0xa];
	s11 =	sshrl.u32 s11, $0x3;
	s12 =	ssub.s32 s6, s9  }
0x43: {  	s13 =	sadd.s32 s13, s10;
	s11 =	sadd.s32 s5, s11;
	s12 =	sadd.s32 s12, s10  }
0x44: {  	[tilespmem:s18], [sflag:$0x1] =	stream.linear.gather [hbm4b:s11+s3], $0x50, $0x38;
	[tilespmem:$0x12720] =	vst v63  }
0x45: {  	s13 =	sshrl.u32 s13, $0x3;
	s11 =	ssub.s32 s7, s9;
	s12 =	sshrl.u32 s12, $0x3  }
0x46: {  	s13 =	sadd.s32 s5, s13;
	s11 =	sadd.s32 s11, s10;
	s12 =	sadd.s32 s5, s12  }
0x47: {  	[tilespmem:s17], [sflag:$0x1] =	stream.linear.gather [hbm4b:s12+s3], $0x50, $0x38;
	[tilespmem:$0x12720] =	vst v63  }
0x48: {  	s6 =	rddreg [dreg:$0x5];
	s11 =	sshrl.u32 s11, $0x3;
	s12 =	ssub.s32 s8, s9  }
0x49: {  	[tilespmem:s16], [sflag:$0x1] =	stream.linear.gather [hbm4b:s13+s3], $0x50, $0x38;
	[tilespmem:$0x12720] =	vst v63  }
0x4a: {  	s11 =	sadd.s32 s5, s11;
	s12 =	sadd.s32 s12, s10;
	s13 =	ssub.s32 s14, s9  }
0x4b: {  	[tilespmem:s15], [sflag:$0x1] =	stream.linear.gather [hbm4b:s11+s3], $0x50, $0x38;
	[tilespmem:$0x12720] =	vst v63  }
0x4c: {  	s12 =	sshrl.u32 s12, $0x3;
	s13 =	sadd.s32 s13, s10;
	s11 =	ssub.s32 s6, s9  }
0x4d: {  	s12 =	sadd.s32 s5, s12;
	s13 =	sshrl.u32 s13, $0x3;
	s11 =	sadd.s32 s11, s10  }
0x4e: {  	[tilespmem:s19], [sflag:$0x1] =	stream.linear.gather [hbm4b:s12+s3], $0x50, $0x38;
	[tilespmem:$0x12720] =	vst v63  }
0x4f: {  	s7 =	rddreg [dreg:$0x9];
	s13 =	sadd.s32 s5, s13;
	s11 =	sshrl.u32 s11, $0x3  }
0x50: {  	[tilespmem:s20], [sflag:$0x1] =	stream.linear.gather [hbm4b:s13+s3], $0x50, $0x38;
	[tilespmem:$0x12720] =	vst v63  }
0x51: {  	s8 =	rddreg [dreg:$0x4];
	s12 =	ssub.s32 s7, s9;
	s11 =	sadd.s32 s5, s11  }
0x52: {  	[tilespmem:s21], [sflag:$0x1] =	stream.linear.gather [hbm4b:s11+s3], $0x50, $0x38;
	[tilespmem:$0x12720] =	vst v63  }
0x53: {  	s9 =	ssub.s32 s8, s9;
	s11 =	sadd.s32 s12, s10  }
0x54: {  	s9 =	sadd.s32 s9, s10;
	s14 =	sshrl.u32 s11, $0x3  }
0x55: {  	s9 =	sshrl.u32 s9, $0x3;
	s10 =	sadd.s32 s5, s14  }
0x56: {  	[tilespmem:s23], [sflag:$0x1] =	stream.linear.gather [hbm4b:s10+s3], $0x50, $0x38;
	[tilespmem:$0x12720] =	vst v63  }
0x57: {  	s9 =	sadd.s32 s5, s9  }
0x58: {  	[tilespmem:s24], [sflag:$0x1] =	stream.linear.gather [hbm4b:s9+s3], $0x50, $0x38;
	[tilespmem:$0x12720] =	vst v63  }
0x59: {  	_ =	swait.ge [sflag:s25], $0x50  }
0x5a: {  	[sflag:s25] =	ssyncset.done $0x0  }
0x5b: {  	[sflag:s25] =	ssyncadd.s32 $0xFFFFFFB0  }
0x5c: {  	_ =	swait.ge [sflag:s25], $0x50  }
0x5d: {  	[sflag:s25] =	ssyncset.done $0x0  }
0x5e: {  	[sflag:s25] =	ssyncadd.s32 $0xFFFFFFB0  }
0x5f: {  	_ =	swait.ge [sflag:s25], $0x50  }
0x60: {  	[sflag:s25] =	ssyncset.done $0x0  }
0x61: {  	[sflag:s25] =	ssyncadd.s32 $0xFFFFFFB0  }
0x62: {  	_ =	swait.ge [sflag:s25], $0x50  }
0x63: {  	[sflag:s25] =	ssyncset.done $0x0  }
0x64: {  	[sflag:s25] =	ssyncadd.s32 $0xFFFFFFB0  }
0x65: {  	_ =	swait.ge [sflag:s25], $0x50  }
0x66: {  	[sflag:s25] =	ssyncset.done $0x0  }
0x67: {  	[sflag:s25] =	ssyncadd.s32 $0xFFFFFFB0  }
0x68: {  	_ =	swait.ge [sflag:s25], $0x50  }
0x69: {  	[sflag:s25] =	ssyncset.done $0x0  }
0x6a: {  	[sflag:s25] =	ssyncadd.s32 $0xFFFFFFB0  }
0x6b: {  	_ =	swait.ge [sflag:s25], $0x50  }
0x6c: {  	[sflag:s25] =	ssyncset.done $0x0  }
0x6d: {  	[sflag:s25] =	ssyncadd.s32 $0xFFFFFFB0  }
0x6e: {  	_ =	swait.ge [sflag:s25], $0x50  }
0x6f: {  	[sflag:s25] =	ssyncset.done $0x0  }
0x70: {  	[sflag:s25] =	ssyncadd.s32 $0xFFFFFFB0  }
0x71: {  	_ =	swait.ge [sflag:s25], $0x50  }
0x72: {  	[sflag:s25] =	ssyncset.done $0x0  }
0x73: {  	[sflag:s25] =	ssyncadd.s32 $0xFFFFFFB0  }
0x74: {  	_ =	swait.ge [sflag:s25], $0x50  }
0x75: {  	[sflag:s25] =	ssyncset.done $0x0  }
0x76: {  	[sflag:s25] =	ssyncadd.s32 $0xFFFFFFB0  }
0x77: {  	[tilespmem:s26], [sflag:$0x2] =	stream.indirect.gather [hbm4b:s4+s17], $0x40, s3, s17, $0xb8;
	[tilespmem:$0x12720] =	vst v63  }
0x78: {  	_ = 	snop  }
0x79: {  	[tilespmem:s28], [sflag:$0x2] =	stream.indirect.gather [hbm4b:s4+s17], $0x40, s17, s17, $0xb8;
	[tilespmem:$0x12720] =	vst v63  }
0x7a: {  	_ = 	snop  }
0x7b: {  	[tilespmem:s29], [sflag:$0x2] =	stream.indirect.gather [hbm4b:s4+s17], $0x40, s15, s17, $0xb8;
	[tilespmem:$0x12720] =	vst v63  }
0x7c: {  	_ = 	snop  }
0x7d: {  	[tilespmem:s30], [sflag:$0x2] =	stream.indirect.gather [hbm4b:s4+s17], $0x40, s20, s17, $0xb8;
	[tilespmem:$0x12720] =	vst v63  }
0x7e: {  	_ = 	snop  }
0x7f: {  	[tilespmem:s31], [sflag:$0x2] =	stream.indirect.gather [hbm4b:s4+s17], $0x40, s23, s17, $0xb8;
	[tilespmem:$0x12720] =	vst v63  }
0x80: {  	_ =	swait.ge [sflag:s0], $0x1400  }
0x81: {  	[sflag:s0] =	ssyncset.done $0x0  }
0x82: {  	[sflag:s0] =	ssyncadd.s32 $0xFFFFEC00  }
0x83: {  	_ =	swait.ge [sflag:s0], $0x1400  }
0x84: {  	[sflag:s0] =	ssyncset.done $0x0  }
0x85: {  	[sflag:s0] =	ssyncadd.s32 $0xFFFFEC00  }
0x86: {  	_ =	swait.ge [sflag:s0], $0x1400  }
0x87: {  	[sflag:s0] =	ssyncset.done $0x0  }
0x88: {  	[sflag:s0] =	ssyncadd.s32 $0xFFFFEC00  }
0x89: {  	_ =	swait.ge [sflag:s0], $0x1400  }
0x8a: {  	[sflag:s0] =	ssyncset.done $0x0  }
0x8b: {  	[sflag:s0] =	ssyncadd.s32 $0xFFFFEC00  }
0x8c: {  	_ =	swait.ge [sflag:s0], $0x1400  }
0x8d: {  	[sflag:s0] =	ssyncset.done $0x0  }
0x8e: {  	[sflag:s0] =	ssyncadd.s32 $0xFFFFEC00  }
0x8f: {  	[spmem:s2] =	stream.indirect.scatter.add.f32 [tilespmem:s26], [sflag:$0x3], $0x40, s18, s17, $0xb8;
	[tilespmem:$0x12720] =	vst v63  }
0x90: {  	_ = 	snop  }
0x91: {  	[spmem:s2] =	stream.indirect.scatter.add.f32 [tilespmem:s28], [sflag:$0x3], $0x40, s16, s17, $0xb8;
	[tilespmem:$0x12720] =	vst v63  }
0x92: {  	_ = 	snop  }
0x93: {  	[spmem:s2] =	stream.indirect.scatter.add.f32 [tilespmem:s29], [sflag:$0x3], $0x40, s19, s17, $0xb8;
	[tilespmem:$0x12720] =	vst v63  }
0x94: {  	_ = 	snop  }
0x95: {  	[spmem:s2] =	stream.indirect.scatter.add.f32 [tilespmem:s30], [sflag:$0x3], $0x40, s21, s17, $0xb8;
	[tilespmem:$0x12720] =	vst v63  }
0x96: {  	_ = 	snop  }
0x97: {  	[spmem:s2] =	stream.indirect.scatter.add.f32 [tilespmem:s31], [sflag:$0x3], $0x40, s24, s17, $0xb8;
	[tilespmem:$0x12720] =	vst v63  }
0x98: {  	s10 =	stileid.u32;
	s9 =	simm.s32 $0x190;
	_ =	swait.ge [sflag:s1], $0x1400  }
.LBB2_4:
0x99: {  	[sflag:s1] =	ssyncset.done $0x0  }
0x9a: {  	[sflag:s1] =	ssyncadd.s32 $0xFFFFEC00  }
0x9b: {  	_ =	swait.ge [sflag:s1], $0x1400  }
0x9c: {  	[sflag:s1] =	ssyncset.done $0x0  }
0x9d: {  	[sflag:s1] =	ssyncadd.s32 $0xFFFFEC00  }
0x9e: {  	_ =	swait.ge [sflag:s1], $0x1400  }
0x9f: {  	[sflag:s1] =	ssyncset.done $0x0  }
0xa0: {  	[sflag:s1] =	ssyncadd.s32 $0xFFFFEC00  }
0xa1: {  	_ =	swait.ge [sflag:s1], $0x1400  }
0xa2: {  	[sflag:s1] =	ssyncset.done $0x0  }
0xa3: {  	[sflag:s1] =	ssyncadd.s32 $0xFFFFEC00  }
0xa4: {  	_ =	swait.ge [sflag:s1], $0x1400  }
0xa5: {  	s18 =	rddreg [dreg:$0x9]  }
0xa6: {  	s14 =	rddreg [dreg:$0xb]  }
0xa7: {  	s10 =	sadd.s32 $0x1, s10;
	s8 =	rddreg [dreg:$0x6]  }
0xa8: {  	s11 =	smulhi.u32 $0x51EB851F, s10;
	s15 =	rddreg [dreg:$0x5]  }
0xa9: {  	s6 =	rddreg [dreg:$0x7]  }
0xaa: {  	s11 =	sshrl.u32 s11, $0x3;
	s16 =	rddreg [dreg:$0xc]  }
0xab: {  	s13 =	smul.u32 $0x2710, s11;
	s19 =	rddreg [dreg:$0x8]  }
0xac: {  	s12 =	smov.u32 s9;
	s20 =	rddreg [dreg:$0xa]  }
0xad: {  	s7 =	ssub.s32 s22, s13;
	[sflag:s1] =	ssyncset.done $0x0;
	s21 =	rddreg [dreg:$0x4]  }
0xae: {  	[sflag:s1] =	ssyncadd.s32 $0xFFFFEC00;
	s11 =	ssub.s32 s18, s13;
	s14 =	ssub.s32 s14, s13  }
0xaf: {  	s18 =	rddreg [dreg:$0x3];
	s15 =	ssub.s32 s15, s13;
	s6 =	ssub.s32 s6, s13  }
0xb0: {  	s8 =	ssub.s32 s8, s13;
	s16 =	ssub.s32 s16, s13;
	s12 =	sadd.s32 s12, s18  }
0xb1: {  	s19 =	ssub.s32 s19, s13;
	s7 =	sadd.s32 s7, s12;
	s16 =	sadd.s32 s16, s12  }
0xb2: {  	s18 =	sadd.s32 s19, s12;
	s19 =	ssub.s32 s20, s13;
	s20 =	simm.s32 $0xF0  }
0xb3: {  	s13 =	ssub.s32 s21, s13;
	s6 =	sadd.s32 s6, s12;
	s14 =	sadd.s32 s14, s12  }
0xb4: {  	s8 =	sadd.s32 s8, s12;
	s7 =	sshrl.u32 s7, $0x3;
	s16 =	sshrl.u32 s16, $0x3  }
0xb5: {  	s18 =	sshrl.u32 s18, $0x3;
	s6 =	sshrl.u32 s6, $0x3;
	s7 =	sadd.s32 s5, s7  }
0xb6: {  	[tilespmem:s3], [sflag:$0x1] =	stream.linear.gather [hbm4b:s7+s3], $0x50, $0x38;
	[tilespmem:$0x12720] =	vst v63  }
0xb7: {  	s14 =	sshrl.u32 s14, $0x3;
	s7 =	sadd.s32 s5, s18;
	s18 =	simm.s32 $0x190  }
0xb8: {  	[tilespmem:s18], [sflag:$0x1] =	stream.linear.gather [hbm4b:s7+s3], $0x50, $0x38;
	[tilespmem:$0x12720] =	vst v63  }
0xb9: {  	s6 =	sadd.s32 s5, s6;
	s7 =	sadd.s32 s5, s16;
	s16 =	sadd.s32 s19, s12  }
0xba: {  	[tilespmem:s17], [sflag:$0x1] =	stream.linear.gather [hbm4b:s7+s3], $0x50, $0x38;
	[tilespmem:$0x12720] =	vst v63  }
0xbb: {  	s7 =	sshrl.u32 s8, $0x3;
	s8 =	sshrl.u32 s16, $0x3;
	s16 =	simm.s32 $0x1E0  }
0xbc: {  	[tilespmem:s16], [sflag:$0x1] =	stream.linear.gather [hbm4b:s6+s3], $0x50, $0x38;
	[tilespmem:$0x12720] =	vst v63  }
0xbd: {  	s6 =	sadd.s32 s5, s14;
	s14 =	sadd.s32 s15, s12;
	s15 =	simm.s32 $0xA0  }
0xbe: {  	[tilespmem:s15], [sflag:$0x1] =	stream.linear.gather [hbm4b:s6+s3], $0x50, $0x38;
	[tilespmem:$0x12720] =	vst v63  }
0xbf: {  	s21 =	simm.s32 $0x280;
	s19 =	simm.s32 $0x230;
	s6 =	sadd.s32 s5, s7  }
0xc0: {  	[tilespmem:s19], [sflag:$0x1] =	stream.linear.gather [hbm4b:s6+s3], $0x50, $0x38;
	[tilespmem:$0x12720] =	vst v63  }
0xc1: {  	s8 =	sadd.s32 s5, s8;
	s7 =	sshrl.u32 s14, $0x3;
	s14 =	sadd.s32 s11, s12  }
0xc2: {  	[tilespmem:s20], [sflag:$0x1] =	stream.linear.gather [hbm4b:s8+s3], $0x50, $0x38;
	[tilespmem:$0x12720] =	vst v63  }
0xc3: {  	s13 =	sadd.s32 s13, s12;
	s7 =	sadd.s32 s5, s7;
	s11 =	sshrl.u32 s14, $0x3  }
0xc4: {  	[tilespmem:s21], [sflag:$0x1] =	stream.linear.gather [hbm4b:s7+s3], $0x50, $0x38;
	[tilespmem:$0x12720] =	vst v63  }
0xc5: {  	s13 =	sshrl.u32 s13, $0x3;
	s12 =	sadd.s32 s5, s11  }
0xc6: {  	[tilespmem:s23], [sflag:$0x1] =	stream.linear.gather [hbm4b:s12+s3], $0x50, $0x38;
	[tilespmem:$0x12720] =	vst v63  }
0xc7: {  	s14 =	sadd.s32 s5, s13  }
0xc8: {  	[tilespmem:s24], [sflag:$0x1] =	stream.linear.gather [hbm4b:s14+s3], $0x50, $0x38;
	[tilespmem:$0x12720] =	vst v63  }
0xc9: {  	_ =	swait.ge [sflag:s25], $0x50  }
0xca: {  	[sflag:s25] =	ssyncset.done $0x0  }
0xcb: {  	[sflag:s25] =	ssyncadd.s32 $0xFFFFFFB0  }
0xcc: {  	_ =	swait.ge [sflag:s25], $0x50  }
0xcd: {  	[sflag:s25] =	ssyncset.done $0x0  }
0xce: {  	[sflag:s25] =	ssyncadd.s32 $0xFFFFFFB0  }
0xcf: {  	_ =	swait.ge [sflag:s25], $0x50  }
0xd0: {  	[sflag:s25] =	ssyncset.done $0x0  }
0xd1: {  	[sflag:s25] =	ssyncadd.s32 $0xFFFFFFB0  }
0xd2: {  	_ =	swait.ge [sflag:s25], $0x50  }
0xd3: {  	[sflag:s25] =	ssyncset.done $0x0  }
0xd4: {  	[sflag:s25] =	ssyncadd.s32 $0xFFFFFFB0  }
0xd5: {  	_ =	swait.ge [sflag:s25], $0x50  }
0xd6: {  	[sflag:s25] =	ssyncset.done $0x0  }
0xd7: {  	[sflag:s25] =	ssyncadd.s32 $0xFFFFFFB0  }
0xd8: {  	_ =	swait.ge [sflag:s25], $0x50  }
0xd9: {  	[sflag:s25] =	ssyncset.done $0x0  }
0xda: {  	[sflag:s25] =	ssyncadd.s32 $0xFFFFFFB0  }
0xdb: {  	_ =	swait.ge [sflag:s25], $0x50  }
0xdc: {  	[sflag:s25] =	ssyncset.done $0x0  }
0xdd: {  	[sflag:s25] =	ssyncadd.s32 $0xFFFFFFB0  }
0xde: {  	_ =	swait.ge [sflag:s25], $0x50  }
0xdf: {  	[sflag:s25] =	ssyncset.done $0x0  }
0xe0: {  	[sflag:s25] =	ssyncadd.s32 $0xFFFFFFB0  }
0xe1: {  	_ =	swait.ge [sflag:s25], $0x50  }
0xe2: {  	[sflag:s25] =	ssyncset.done $0x0  }
0xe3: {  	[sflag:s25] =	ssyncadd.s32 $0xFFFFFFB0  }
0xe4: {  	_ =	swait.ge [sflag:s25], $0x50  }
0xe5: {  	[sflag:s25] =	ssyncset.done $0x0  }
0xe6: {  	[sflag:s25] =	ssyncadd.s32 $0xFFFFFFB0  }
0xe7: {  	[tilespmem:s26], [sflag:$0x2] =	stream.indirect.gather [hbm4b:s4+s17], $0x40, s3, s17, $0xb8;
	[tilespmem:$0x12720] =	vst v63  }
0xe8: {  	_ = 	snop  }
0xe9: {  	[tilespmem:s28], [sflag:$0x2] =	stream.indirect.gather [hbm4b:s4+s17], $0x40, s17, s17, $0xb8;
	[tilespmem:$0x12720] =	vst v63  }
0xea: {  	_ = 	snop  }
0xeb: {  	[tilespmem:s29], [sflag:$0x2] =	stream.indirect.gather [hbm4b:s4+s17], $0x40, s15, s17, $0xb8;
	[tilespmem:$0x12720] =	vst v63  }
0xec: {  	_ = 	snop  }
0xed: {  	[tilespmem:s30], [sflag:$0x2] =	stream.indirect.gather [hbm4b:s4+s17], $0x40, s20, s17, $0xb8;
	[tilespmem:$0x12720] =	vst v63  }
0xee: {  	_ = 	snop  }
0xef: {  	[tilespmem:s31], [sflag:$0x2] =	stream.indirect.gather [hbm4b:s4+s17], $0x40, s23, s17, $0xb8;
	[tilespmem:$0x12720] =	vst v63  }
0xf0: {  	_ =	swait.ge [sflag:s0], $0x1400  }
0xf1: {  	[sflag:s0] =	ssyncset.done $0x0  }
0xf2: {  	[sflag:s0] =	ssyncadd.s32 $0xFFFFEC00  }
0xf3: {  	_ =	swait.ge [sflag:s0], $0x1400  }
0xf4: {  	[sflag:s0] =	ssyncset.done $0x0  }
0xf5: {  	[sflag:s0] =	ssyncadd.s32 $0xFFFFEC00  }
0xf6: {  	_ =	swait.ge [sflag:s0], $0x1400  }
0xf7: {  	[sflag:s0] =	ssyncset.done $0x0  }
0xf8: {  	[sflag:s0] =	ssyncadd.s32 $0xFFFFEC00  }
0xf9: {  	_ =	swait.ge [sflag:s0], $0x1400  }
0xfa: {  	[sflag:s0] =	ssyncset.done $0x0  }
0xfb: {  	[sflag:s0] =	ssyncadd.s32 $0xFFFFEC00  }
0xfc: {  	_ =	swait.ge [sflag:s0], $0x1400  }
0xfd: {  	[sflag:s0] =	ssyncset.done $0x0  }
0xfe: {  	[sflag:s0] =	ssyncadd.s32 $0xFFFFEC00  }
0xff: {  	[spmem:s2] =	stream.indirect.scatter.add.f32 [tilespmem:s26], [sflag:$0x3], $0x40, s18, s17, $0xb8;
	[tilespmem:$0x12720] =	vst v63  }
0x100: {  	_ = 	snop  }
0x101: {  	[spmem:s2] =	stream.indirect.scatter.add.f32 [tilespmem:s28], [sflag:$0x3], $0x40, s16, s17, $0xb8;
	[tilespmem:$0x12720] =	vst v63  }
0x102: {  	p0 =	sne.s32 s9, $0x2580  }
0x103: {  	[spmem:s2] =	stream.indirect.scatter.add.f32 [tilespmem:s29], [sflag:$0x3], $0x40, s19, s17, $0xb8;
	[tilespmem:$0x12720] =	vst v63  }
.Ltmp1:
0x104: {  	_ = 	snop;
	(pc) =	sbr.rel @p0 .LBB2_4-.Ltmp1, $4  }
0x105: {  	[spmem:s2] =	stream.indirect.scatter.add.f32 [tilespmem:s30], [sflag:$0x3], $0x40, s21, s17, $0xb8;
	[tilespmem:$0x12720] =	vst v63  }
0x106: {  	_ = 	snop  }
0x107: {  	[spmem:s2] =	stream.indirect.scatter.add.f32 [tilespmem:s31], [sflag:$0x3], $0x40, s24, s17, $0xb8;
	[tilespmem:$0x12720] =	vst v63  }
0x108: {  	s9 =	sadd.s32 $0x190, s9;
	_ =	swait.ge [sflag:s1], $0x1400  }
0x109: {  	[sflag:s1] =	ssyncset.done $0x0  }
0x10a: {  	[sflag:s1] =	ssyncadd.s32 $0xFFFFEC00  }
0x10b: {  	_ =	swait.ge [sflag:s1], $0x1400  }
0x10c: {  	[sflag:s1] =	ssyncset.done $0x0  }
0x10d: {  	[sflag:s1] =	ssyncadd.s32 $0xFFFFEC00  }
0x10e: {  	_ =	swait.ge [sflag:s1], $0x1400  }
0x10f: {  	[sflag:s1] =	ssyncset.done $0x0  }
0x110: {  	[sflag:s1] =	ssyncadd.s32 $0xFFFFEC00  }
0x111: {  	_ =	swait.ge [sflag:s1], $0x1400  }
0x112: {  	[sflag:s1] =	ssyncset.done $0x0  }
0x113: {  	[sflag:s1] =	ssyncadd.s32 $0xFFFFEC00  }
0x114: {  	_ =	swait.ge [sflag:s1], $0x1400  }
0x115: {  	[sflag:s1] =	ssyncset.done $0x0  }
0x116: {  	[sflag:s1] =	ssyncadd.s32 $0xFFFFEC00  }
0x117: {  	s12 =	stileid.u32;
	[bflag:$0x0] =	sbarrier.arrive $0xFFFF  }
0x118: {  	s6 =	sshll.u32 s12, $0x6;
	s13 =	rddreg [dreg:$0xd]  }
0x119: {  	s6 =	sor.u32 $0x1C04, s6;
	s8 =	rddreg [dreg:$0x12];
	s7 =	sshrl.u32 s13, $0x3  }
0x11a: {  	[hbm:s8], [sflag:s6] =	dma.local [spmem:s7], $0x1400  }
0x11b: {  	s8 =	simm.s32 $0x4  }
0x11c: {  	_ =	swait.ge [sflag:s8], $0x1400  }
0x11d: {  	s11 =	rddreg [dreg:$0x14]  }
0x11e: {  	s14 =	rddreg [dreg:$0x13];
	s7 =	sadd.s32 $0x1, s11  }
0x11f: {  	p0 =	sne.s32 s7, s14  }
.Ltmp2:
0x120: {  	_ = 	snop;
	(pc) =	sbr.rel @p0 .LBB2_1-.Ltmp2, $3  }
0x121: {  	_ =	sdelay $0x1  }
0x122: {  	[sflag:s8] =	ssyncset.done $0x0  }
0x123: {  	[sflag:s8] =	ssyncadd.s32 $0xFFFFEC00  }
0x124: {  	_ =	sfence.sel $0x180000  }
0x125: {  	[bflag:$0x0] =	sbarrier.arrive $0xFFFF  }
0x126: {  	_ =	strace $0x9000004D  }
0x127: {  	[bflag:$0x2] =	sbarrier.arrive $0xFFFF  }
0x128: {  	p0 =	sne.s32 s12, $0x0;
	s0 =	rddreg [dreg:$0x2]  }
0x129: {  	s0 =	sadd.s32 @!p0 $0x100000, s0  }
0x12a: {  	[sflag:s0] =	ssyncadd.tile.s32 @!p0 $0x1;
	_ =	shalt  }
.Lfunc_end2:
_tile_overlayer_lowered:
.L_overlay_start_2:
0x12b: {  	(tag) =	ssettag $0x2  }
0x12c: {  	s0 =	rddreg [dreg:$0x0];
	s2 =	stileid.u32  }
0x12d: {  	s1 =	rddreg [dreg:$0x1];
	p0 =	sne.s32 s2, $0x0  }
0x12e: {  	s3 =	rddreg [dreg:$0x2];
	[bflag:$0x3] =	sbarrier.arrive $0xFFFF;
	s2 =	simm.s32 @!p0 $0x1C04  }
0x12f: {  	[timem:s3], [sflag:s2] =	dma.local @!p0 [hbm:s0], s1  }
0x130: {  	s0 =	simm.s32 @!p0 $0x4  }
0x131: {  	_ =	swait.ge @!p0 [sflag:s0], s1  }
0x132: {  	s1 =	ssub.s32 @!p0 $0x0, s1;
	[sflag:s0] =	ssyncset.done @!p0 $0x0  }
0x133: {  	[sflag:s0] =	ssyncadd.s32 @!p0 s1  }
0x134: {  	[bflag:$0x3] =	sbarrier.arrive $0xFFFF  }
0x135: {  	_ =	shalt  }

// kernel: kernel.9.cloned.1.call-start
scs
__scs_entry_jumppad:
0x0: {  	(pc) =	sbr.rel $0x88, $3  }
0x1: {  	(tag) =	ssettag $0x0;
	lr =	simm.s32 $0x1  }
0x2: {  	[smem:$0x3F98] =	sst lr;
	_ =	strace $0xD0000000  }
0x3: {  	_ = 	snop  }
0x4: {  	_ = 	snop  }
0x5: {  	_ = 	snop  }
0x6: {  	_ = 	snop  }
0x7: {  	_ = 	snop  }
__scs_overlays_trampoline_lowered:
0x8: {  	[smem:$0x3FA7] =	sst s0  }
0x9: {  	[smem:$0x3FA8] =	sst s1  }
0xa: {  	[smem:$0x3FA9] =	sst s2  }
0xb: {  	[smem:$0x3FAA] =	sst s3  }
0xc: {  	[smem:$0x3FAB] =	sst s4  }
0xd: {  	[smem:$0x3FAC] =	sst s5  }
0xe: {  	[smem:$0x3FAD] =	sst s6  }
0xf: {  	[smem:$0x3FAE] =	sst s7  }
0x10: {  	[smem:$0x3FAF] =	sst s8  }
0x11: {  	[smem:$0x3FB0] =	sst s9;
	s0 =	simm.s32 @!p0 $0x0  }
0x12: {  	s1 =	sld [smem:$0x3F96];
	s0 =	simm.s32 @p0 $0x1  }
0x13: {  	[smem:$0x3FB1] =	sst s0;
	s0 =	simm.s32 @!p1 $0x0  }
0x14: {  	s2 =	sld [smem:$0x3F95];
	s0 =	simm.s32 @p1 $0x1  }
0x15: {  	[smem:$0x3FB2] =	sst s0;
	s0 =	simm.s32 @!p2 $0x0  }
0x16: {  	s3 =	sld [smem:$0x3FDB];
	s0 =	simm.s32 @p2 $0x1  }
0x17: {  	s4 =	simm.s32 $0x1BF5;
	[smem:$0x3FB4] =	sst s0  }
0x18: {  	s0 =	sld [smem:$0x3F97];
	_ =	swait.ge [sflag:s4], $0x0  }
0x19: {  	s7 =	sld [smem:$0x3F98]  }
0x1a: {  	s8 =	sadd.s32 $0xFFFFE003, lr  }
0x1b: {  	s9 =	sadd.s32 $0xFFFFFEF7, lr;
	s5 =	simm.s32 $0xFFFFFFFF;
	p2 =	slt.u32 s8, $0xFFFFF086  }
0x1c: {  	p1 =	slt.u32 s9, $0xF7A;
	s5 =	simm.s32 @!p2 $0x0  }
0x1d: {  	s5 =	simm.s32 @p1 $0x1;
	p0 =	seq.s32 s7, s2  }
0x1e: {  	s7 =	smul.u32 @!p0 $0xF7A, s2;
	p2 =	seq.s32 @!p0 s5, $0x0  }
0x1f: {  	s9 =	smul.u32 $0xF7A, s1;
	s8 =	simm.s32 @!p0 $0x1BF5;
	p2 =	por !p2, p0  }
0x20: {  	[sflag:s8] =	ssyncset.s32 @!p0 $0xFFFFF086;
	s6 =	sadd.s32 @!p0 s3, s7;
	s7 =	simm.s32 @!p0 $0x108  }
0x21: {  	s3 =	sadd.s32 s3, s9;
	s6 =	sadd.s32 @!p0 $0x88, s6;
	s7 =	simm.s32 @p2 $0x1082  }
0x22: {  	[simem:s7], [sflag:s8] =	dma.local @!p0 [hbm:s6], $0xF7A  }
0x23: {  	s9 =	sor.u32 $0xD0000000, s2;
	s6 =	simm.s32 $0x108;
	_ =	swait.ge @!p0 [sflag:s8], $0x0  }
0x24: {  	s3 =	sadd.s32 $0x88, s3;
	s6 =	simm.s32 @!p1 $0x1082;
	[sflag:s4] =	ssyncset.s32 $0xFFFFF086  }
0x25: {  	[simem:s6], [sflag:s4] =	dma.local [hbm:s3], $0xF7A  }
0x26: {  	[smem:$0x3F98] =	sst s1;
	(tag) =	ssettag s2;
	_ =	strace s9  }
0x27: {  	s1 =	sld [smem:$0x3FA8]  }
0x28: {  	s2 =	sld [smem:$0x3FA9]  }
0x29: {  	s4 =	sld [smem:$0x3FAB]  }
0x2a: {  	p0 =	seq.s32 s5, $0x0;
	s5 =	sld [smem:$0x3FAC]  }
0x2b: {  	s6 =	sld [smem:$0x3FAD]  }
0x2c: {  	s7 =	sld [smem:$0x3FAE]  }
0x2d: {  	s3 =	simm.s32 $0x108;
	s8 =	sld [smem:$0x3FAF]  }
0x2e: {  	s3 =	simm.s32 @!p0 $0x1082;
	s9 =	sld [smem:$0x3FB0]  }
0x2f: {  	lr =	sadd.s32 s0, s3;
	s0 =	sld [smem:$0x3FA7]  }
0x30: {  	s3 =	sld [smem:$0x3FAA]  }
0x31: {  	[smem:$0x3FB3] =	sst s10  }
0x32: {  	s10 =	sld [smem:$0x3FB1];
	_ =	sdelay $0x3  }
0x33: {  	p0 =	seq.s32 s10, $0x1;
	s10 =	sld [smem:$0x3FB3];
	_ =	sdelay $0x3  }
0x34: {  	[smem:$0x3FB3] =	sst s10  }
0x35: {  	s10 =	sld [smem:$0x3FB2];
	_ =	sdelay $0x3  }
0x36: {  	p1 =	seq.s32 s10, $0x1;
	s10 =	sld [smem:$0x3FB3];
	_ =	sdelay $0x3  }
0x37: {  	[smem:$0x3FB3] =	sst s10  }
0x38: {  	s10 =	sld [smem:$0x3FB4]  }
0x39: {  	_ = 	snop;
	(pc) =	sbr.ind lr, $3  }
0x3a: {  	_ = 	snop  }
0x3b: {  	_ = 	snop  }
0x3c: {  	p2 =	seq.s32 s10, $0x1;
	s10 =	sld [smem:$0x3FB3]  }
0x3d: {  	_ =	shalt  }
0x3e: {  	_ =	shalt  }
0x3f: {  	_ =	shalt  }
0x40: {  	_ =	shalt  }
0x41: {  	_ =	shalt  }
0x42: {  	_ =	shalt  }
0x43: {  	_ =	shalt  }
0x44: {  	_ =	shalt  }
0x45: {  	_ =	shalt  }
0x46: {  	_ =	shalt  }
0x47: {  	_ =	shalt  }
0x48: {  	_ =	shalt  }
0x49: {  	_ =	shalt  }
0x4a: {  	_ =	shalt  }
0x4b: {  	_ =	shalt  }
0x4c: {  	_ =	shalt  }
0x4d: {  	_ =	shalt  }
0x4e: {  	_ =	shalt  }
0x4f: {  	_ =	shalt  }
0x50: {  	_ =	shalt  }
0x51: {  	_ =	shalt  }
0x52: {  	_ =	shalt  }
0x53: {  	_ =	shalt  }
0x54: {  	_ =	shalt  }
0x55: {  	_ =	shalt  }
0x56: {  	_ =	shalt  }
0x57: {  	_ =	shalt  }
0x58: {  	_ =	shalt  }
0x59: {  	_ =	shalt  }
0x5a: {  	_ =	shalt  }
0x5b: {  	_ =	shalt  }
0x5c: {  	_ =	shalt  }
0x5d: {  	_ =	shalt  }
0x5e: {  	_ =	shalt  }
0x5f: {  	_ =	shalt  }
0x60: {  	_ =	shalt  }
0x61: {  	_ =	shalt  }
0x62: {  	_ =	shalt  }
0x63: {  	_ =	shalt  }
0x64: {  	_ =	shalt  }
0x65: {  	_ =	shalt  }
0x66: {  	_ =	shalt  }
0x67: {  	_ =	shalt  }
0x68: {  	_ =	shalt  }
0x69: {  	_ =	shalt  }
0x6a: {  	_ =	shalt  }
0x6b: {  	_ =	shalt  }
0x6c: {  	_ =	shalt  }
0x6d: {  	_ =	shalt  }
0x6e: {  	_ =	shalt  }
0x6f: {  	_ =	shalt  }
0x70: {  	_ =	shalt  }
0x71: {  	_ =	shalt  }
0x72: {  	_ =	shalt  }
0x73: {  	_ =	shalt  }
0x74: {  	_ =	shalt  }
0x75: {  	_ =	shalt  }
0x76: {  	_ =	shalt  }
0x77: {  	_ =	shalt  }
0x78: {  	_ =	shalt  }
0x79: {  	_ =	shalt  }
0x7a: {  	_ =	shalt  }
0x7b: {  	_ =	shalt  }
0x7c: {  	_ =	shalt  }
0x7d: {  	_ =	shalt  }
0x7e: {  	_ =	shalt  }
0x7f: {  	_ =	shalt  }
0x80: {  	_ =	shalt  }
0x81: {  	_ =	shalt  }
0x82: {  	_ =	shalt  }
0x83: {  	_ =	shalt  }
0x84: {  	_ =	shalt  }
0x85: {  	_ =	shalt  }
0x86: {  	_ =	shalt  }
0x87: {  	_ =	shalt  }
.Lfunc_end0:
.L_simem_size_0:
called_computation_lowered:
.L_overlay_start_0:
0x88: {  	s2 =	sld [smem:$0x3FD9]  }
0x89: {  	s3 =	sld [smem:$0x3FFE];
	_ =	sdelay $0x1  }
0x8a: {  	s1 =	srdreg.scid  }
0x8b: {  	s0 =	sand.u32 $0x1, s1  }
0x8c: {  	s16 =	sshll.u32 s0, $0xA;
	s2 =	sadd.s32 s3, s2  }
0x8d: {  	s2 =	sadd.s32 s2, s16  }
0x8e: {  	[smem:$0x3FBF] =	sst s2  }
0x8f: {  	_ = 	snop  }
0x90: {  	(tm) =	ssettm $0x1  }
0x91: {  	s17 =	sld [smem:$0x3FFB];
	_ =	sdelay $0x3  }
0x92: {  	_ =	strace s17  }
0x93: {  	s2 =	sld [smem:$0x3FFC];
	_ =	sdelay $0x3  }
0x94: {  	_ =	strace s2  }
0x95: {  	s2 =	sld [smem:$0x3FFD];
	_ =	sdelay $0x3  }
0x96: {  	_ =	strace s2  }
0x97: {  	_ =	strace $0x8FFFFFFF  }
0x98: {  	s18 =	sld [smem:$0x3FDB];
	_ =	sdelay $0x1  }
0x99: {  	s19 =	simm.s32 $_scs_section_size  }
0x9a: {  	s4 =	simm.s32 $_size__tile_overlayer_lowered;
	s5 =	simm.s32 $_tile_overlayer_lowered  }
0x9b: {  	s22 =	simm.s32 $0x1BFF;
	s21 =	sshll.u32 s5, $0x1;
	s2 =	sadd.s32 s19, s18  }
0x9c: {  	s6 =	simm.s32 $0x0;
	s20 =	sshll.u32 s4, $0x1;
	s4 =	sadd.s32 s21, s2  }
0x9d: {  	[timem:s6], [sflag:s22] =	dma.local [hbm:s4], s20  }
0x9e: {  	_ =	swait.ge [sflag:s22], s20  }
0x9f: {  	s3 =	ssub.s32 $0x0, s20;
	[sflag:s22] =	ssyncset.done $0x0  }
0xa0: {  	[sflag:s22] =	ssyncadd.s32 s3;
	_ =	sdelay $0x1  }
0xa1: {  	s23 =	simm.s32 $0x1B8B  }
0xa2: {  	_ =	swait.ge [sflag:s23], $0x1  }
0xa3: {  	[sflag:s23] =	ssyncset.done $0x0  }
0xa4: {  	s25 =	simm.s32 $0x1B8E;
	s24 =	sld [smem:$0x3FFE];
	[sflag:s23] =	ssyncadd.s32 $0xFFFFFFFF  }
0xa5: {  	s26 =	simm.s32 $execute0_lowered;
	[smem:$0x3FD2] =	sst s25  }
0xa6: {  	s4 =	sshll.u32 s26, $0x1;
	_ =	strace $0x80000046;
	[dreg:$0x1] =	wrdreg $0xFFFFFFFF  }
0xa7: {  	s28 =	simm.s32 $_size_execute0_lowered;
	s2 =	sadd.s32 s2, s4;
	[dreg:$0x0] =	wrdreg $0x0  }
0xa8: {  	s4 =	sshll.u32 s28, $0x1;
	[dreg:$0x2] =	wrdreg s2  }
0xa9: {  	[dreg:$0x3] =	wrdreg s4  }
0xaa: {  	[dreg:$0x4] =	wrdreg $0xC0  }
0xab: {  	_ =	task [dreg:s6], $0x5FFFF  }
0xac: {  	[dreg:$0x1] =	wrdreg $0xFFFFFFFF  }
0xad: {  	[dreg:$0x0] =	wrdreg $0x60  }
0xae: {  	[dreg:$0x2] =	wrdreg s24  }
0xaf: {  	[dreg:$0x3] =	wrdreg $0x4600  }
0xb0: {  	[dreg:$0x4] =	wrdreg $0x9  }
0xb1: {  	_ =	task.clear_ibuf [dreg:s6], $0x5FFFF;
	_ =	strace $0x90000046  }
0xb2: {  	s29 =	simm.s32 $0x9;
	_ =	strace $0x80000048  }
0xb3: {  	_ =	swait.ge [sflag:s29], $0x1  }
0xb4: {  	[sflag:s29] =	ssyncadd.s32 $0xFFFFFFFF  }
0xb5: {  	_ =	strace $0x90000048  }
0xb6: {  	_ =	sfence  }
0xb7: {  	s30 =	sld [smem:$0x0];
	_ =	sdelay $0x2  }
0xb8: {  	s31 =	sshll.u32 s1, $0xD;
	s1 =	sshrl.u32 s1, $0x2  }
0xb9: {  	s3 =	sand.u32 $0x4000, s31;
	s1 =	sadd.s32 s1, s30  }
0xba: {  	s0 =	sor.u32 s3, s0;
	s1 =	sshll.u32 s1, $0x11  }
0xbb: {  	s0 =	sor.u32 s1, s0  }
0xbc: {  	s0 =	sadd.s32 $0x8F2B, s0  }
0xbd: {  	[sflag:s0] =	ssyncadd.remote.s32 $0x1  }
0xbe: {  	_ =	sfence.sel $0xFFFF  }
0xbf: {  	[dreg:$0x0] =	wrdreg $0xFFFFFFFF;
	(pc) =	sbr.abs _section_cstart, $3  }
0xc0: {  	[dreg:$0x1] =	wrdreg $0xFFFFFFFF  }
0xc1: {  	_ =	task.clear_ibuf [dreg:s6], $0x2FFFF;
	_ =	strace $0x9FFFFFFF  }
0xc2: {  	(tm) =	ssettm $0x7FFFFFFF  }
0xc3: {  	_ =	shalt  }
tec
execute0_lowered:
.L_overlay_start_1:
0x0: {  	(tag) =	ssettag $0x1  }
0x1: {  	s4 =	rddreg [dreg:$0x0];
	s1 =	srdreg.scid  }
0x2: {  	s0 =	stileid.u32;
	s2 =	rddreg [dreg:$0x1]  }
0x3: {  	s3 =	simm.s32 $0x0;
	s14 =	simm.s32 $0x50;
	s15 =	simm.s32 $0xA0  }
0x4: {  	s16 =	simm.s32 $0xF0;
	s17 =	simm.s32 $0x140;
	s18 =	simm.s32 $0x1  }
0x5: {  	s19 =	simm.s32 $0x190;
	s20 =	simm.s32 $0x2;
	s6 =	smul.u32 $0x280, s0  }
0x6: {  	s5 =	sand.u32 $0x1, s1;
	s1 =	rddreg [dreg:$0x2];
	s9 =	smul.u32 $0x2710, s0  }
0x7: {  	s23 =	simm.s32 $0x0;
	[smem:$0x7FF] =	sst s3;
	s7 =	smul.u32 $0x2800, s5  }
0x8: {  	s11 =	sadd.s32 $0x1C00, s4;
	s21 =	sshll.u32 s0, $0x6;
	s8 =	smul.u32 $0x27100, s5  }
0x9: {  	_ =	strace $0x80000047;
	s5 =	ssub.s32 $0x2, s5;
	s21 =	sor.u32 $0x1C03, s21  }
0xa: {  	s26 =	sshrl.u32 s5, $0x1;
	s7 =	sadd.s32 s6, s7;
	s9 =	sadd.s32 s9, s8  }
0xb: {  	s10 =	ssub.s32 s5, s26;
	s7 =	sshrl.u32 s7, $0x3;
	s28 =	sadd.s32 $0x4E340, s9  }
0xc: {  	s8 =	sadd.s32 $0x4E2F0, s9;
	s29 =	sadd.s32 $0x4E2A0, s9;
	s12 =	sadd.s32 $0x4E250, s9  }
0xd: {  	s13 =	sadd.s32 $0x4E200, s9;
	s7 =	sadd.s32 s7, s4;
	s4 =	sadd.s32 s6, s2  }
0xe: {  	s6 =	smax.u32 s10, $0x1;
	s8 =	sshrl.u32 s8, $0x3;
	s10 =	sshrl.u32 s29, $0x3  }
0xf: {  	s30 =	sshrl.u32 s12, $0x3;
	s31 =	sshrl.u32 s13, $0x3;
	s12 =	simm.s32 $0x1E0  }
0x10: {  	s13 =	simm.s32 $0x3;
	s5 =	sadd.s32 $0x15600, s7;
	s7 =	sshrl.u32 s28, $0x3  }
0x11: {  	s8 =	sadd.s32 s8, s11;
	s9 =	sadd.s32 s10, s11;
	s10 =	sadd.s32 s30, s11  }
0x12: {  	v0 =	vimm.f32 $1.000000000e+00;
	v1 =	vimm.f32 $0.0e+00;
	s22 =	sshrl.u32 s4, $0x3;
	s7 =	sadd.s32 s7, s11;
	s11 =	sadd.s32 s31, s11  }
.LBB2_1:
0x13: {  	[tilespmem:$0x190] =	vst v0  }
0x14: {  	[tilespmem:$0x1A0] =	vst v0  }
0x15: {  	[tilespmem:$0x1B0] =	vst v0  }
0x16: {  	[tilespmem:$0x1C0] =	vst v0  }
0x17: {  	[tilespmem:$0x1D0] =	vst v0  }
0x18: {  	[tilespmem:$0x1E0] =	vst v1  }
0x19: {  	[tilespmem:$0x1F0] =	vst v1  }
0x1a: {  	[tilespmem:$0x200] =	vst v1  }
0x1b: {  	[tilespmem:$0x210] =	vst v1  }
0x1c: {  	[tilespmem:$0x220] =	vst v1  }
0x1d: {  	[tilespmem:$0x230] =	vst v1  }
0x1e: {  	[tilespmem:$0x240] =	vst v1  }
0x1f: {  	[tilespmem:$0x250] =	vst v1  }
0x20: {  	[tilespmem:$0x260] =	vst v1  }
0x21: {  	[tilespmem:$0x270] =	vst v1  }
0x22: {  	[tilespmem:$0x280] =	vst v1  }
0x23: {  	[tilespmem:$0x290] =	vst v1  }
0x24: {  	[tilespmem:$0x2A0] =	vst v1  }
0x25: {  	[tilespmem:$0x2B0] =	vst v1  }
0x26: {  	[tilespmem:$0x2C0] =	vst v1  }
0x27: {  	[tilespmem:$0x2D0] =	vst v1  }
0x28: {  	[tilespmem:$0x2E0] =	vst v1  }
0x29: {  	[tilespmem:$0x2F0] =	vst v1  }
0x2a: {  	[tilespmem:$0x300] =	vst v1  }
0x2b: {  	[tilespmem:$0x310] =	vst v1  }
0x2c: {  	[tilespmem:$0x320] =	vst v1  }
0x2d: {  	[tilespmem:$0x330] =	vst v1  }
0x2e: {  	[tilespmem:$0x340] =	vst v1  }
0x2f: {  	[tilespmem:$0x350] =	vst v1  }
0x30: {  	[tilespmem:$0x360] =	vst v1  }
0x31: {  	[tilespmem:$0x370] =	vst v1  }
0x32: {  	[tilespmem:$0x380] =	vst v1  }
0x33: {  	[tilespmem:$0x390] =	vst v1  }
0x34: {  	[tilespmem:$0x3A0] =	vst v1  }
0x35: {  	[tilespmem:$0x3B0] =	vst v1  }
0x36: {  	[tilespmem:$0x3C0] =	vst v1  }
0x37: {  	[tilespmem:$0x3D0] =	vst v1  }
0x38: {  	[tilespmem:$0x3E0] =	vst v1  }
0x39: {  	[tilespmem:$0x3F0] =	vst v1  }
0x3a: {  	[tilespmem:$0x400] =	vst v1  }
0x3b: {  	[tilespmem:$0x410] =	vst v1  }
0x3c: {  	[tilespmem:$0x420] =	vst v1  }
0x3d: {  	[tilespmem:$0x430] =	vst v1  }
0x3e: {  	[tilespmem:$0x440] =	vst v1  }
0x3f: {  	[tilespmem:$0x450] =	vst v1  }
0x40: {  	[spmem:s4] =	stream.linear.scatter [tilespmem:s12], [sflag:$0x3], $0x280, $0x38;
	[tilespmem:$0x6E0] =	vst v63  }
0x41: {  	_ =	swait.ge [sflag:s13], $0x280  }
0x42: {  	[sflag:s13] =	ssyncset.done $0x0  }
0x43: {  	[sflag:s13] =	ssyncadd.s32 $0xFFFFFD80  }
0x44: {  	s24 =	sadd.s32 $0x0, s11;
	[bflag:$0x0] =	sbarrier.arrive $0xFFFF  }
0x45: {  	[tilespmem:s3], [sflag:$0x1] =	stream.linear.gather [hbm4b:s24+s3], $0x50, $0x38;
	[tilespmem:$0x6E0] =	vst v63  }
0x46: {  	s28 =	sadd.s32 $0x0, s10  }
0x47: {  	[tilespmem:s14], [sflag:$0x1] =	stream.linear.gather [hbm4b:s28+s3], $0x50, $0x38;
	[tilespmem:$0x6E0] =	vst v63  }
0x48: {  	s29 =	sadd.s32 $0x0, s9  }
0x49: {  	[tilespmem:s15], [sflag:$0x1] =	stream.linear.gather [hbm4b:s29+s3], $0x50, $0x38;
	[tilespmem:$0x6E0] =	vst v63  }
0x4a: {  	s30 =	sadd.s32 $0x0, s8  }
0x4b: {  	[tilespmem:s16], [sflag:$0x1] =	stream.linear.gather [hbm4b:s30+s3], $0x50, $0x38;
	[tilespmem:$0x6E0] =	vst v63  }
0x4c: {  	s31 =	sadd.s32 $0x0, s7  }
0x4d: {  	[tilespmem:s17], [sflag:$0x1] =	stream.linear.gather [hbm4b:s31+s3], $0x50, $0x38;
	[tilespmem:$0x6E0] =	vst v63  }
0x4e: {  	_ =	swait.ge [sflag:s18], $0x50  }
0x4f: {  	[sflag:s18] =	ssyncset.done $0x0  }
0x50: {  	[sflag:s18] =	ssyncadd.s32 $0xFFFFFFB0  }
0x51: {  	_ =	swait.ge [sflag:s18], $0x50  }
0x52: {  	[sflag:s18] =	ssyncset.done $0x0  }
0x53: {  	[sflag:s18] =	ssyncadd.s32 $0xFFFFFFB0  }
0x54: {  	_ =	swait.ge [sflag:s18], $0x50  }
0x55: {  	[sflag:s18] =	ssyncset.done $0x0  }
0x56: {  	[sflag:s18] =	ssyncadd.s32 $0xFFFFFFB0  }
0x57: {  	_ =	swait.ge [sflag:s18], $0x50  }
0x58: {  	[sflag:s18] =	ssyncset.done $0x0  }
0x59: {  	[sflag:s18] =	ssyncadd.s32 $0xFFFFFFB0  }
0x5a: {  	_ =	swait.ge [sflag:s18], $0x50  }
0x5b: {  	[sflag:s18] =	ssyncset.done $0x0  }
0x5c: {  	[sflag:s18] =	ssyncadd.s32 $0xFFFFFFB0  }
0x5d: {  	[spmem:s2] =	stream.indirect.scatter.add.f32 [tilespmem:s19], [sflag:$0x2], $0x1, s3, s14, $0xb8;
	[tilespmem:$0x6E0] =	vst v63  }
0x5e: {  	_ = 	snop  }
0x5f: {  	[spmem:s2] =	stream.indirect.scatter.add.f32 [tilespmem:s19], [sflag:$0x2], $0x1, s14, s14, $0xb8;
	[tilespmem:$0x6E0] =	vst v63  }
0x60: {  	_ = 	snop  }
0x61: {  	[spmem:s2] =	stream.indirect.scatter.add.f32 [tilespmem:s19], [sflag:$0x2], $0x1, s15, s14, $0xb8;
	[tilespmem:$0x6E0] =	vst v63  }
0x62: {  	_ = 	snop  }
0x63: {  	[spmem:s2] =	stream.indirect.scatter.add.f32 [tilespmem:s19], [sflag:$0x2], $0x1, s16, s14, $0xb8;
	[tilespmem:$0x6E0] =	vst v63  }
0x64: {  	_ = 	snop  }
0x65: {  	[spmem:s2] =	stream.indirect.scatter.add.f32 [tilespmem:s19], [sflag:$0x2], $0x1, s17, s14, $0xb8;
	[tilespmem:$0x6E0] =	vst v63  }
0x66: {  	_ =	swait.ge [sflag:s20], $0x50  }
0x67: {  	[sflag:s20] =	ssyncset.done $0x0  }
0x68: {  	[sflag:s20] =	ssyncadd.s32 $0xFFFFFFB0  }
0x69: {  	_ =	swait.ge [sflag:s20], $0x50  }
0x6a: {  	[sflag:s20] =	ssyncset.done $0x0  }
0x6b: {  	[sflag:s20] =	ssyncadd.s32 $0xFFFFFFB0  }
0x6c: {  	_ =	swait.ge [sflag:s20], $0x50  }
0x6d: {  	[sflag:s20] =	ssyncset.done $0x0  }
0x6e: {  	[sflag:s20] =	ssyncadd.s32 $0xFFFFFFB0  }
0x6f: {  	_ =	swait.ge [sflag:s20], $0x50  }
0x70: {  	[sflag:s20] =	ssyncset.done $0x0  }
0x71: {  	[sflag:s20] =	ssyncadd.s32 $0xFFFFFFB0  }
0x72: {  	_ =	swait.ge [sflag:s20], $0x50  }
0x73: {  	s26 =	simm.s32 $0x64;
	s24 =	simm.s32 $0x32;
	[sflag:s20] =	ssyncset.done $0x0  }
.LBB2_2:
0x74: {  	s28 =	sadd.s32 s24, s11  }
0x75: {  	[sflag:s20] =	ssyncadd.s32 $0xFFFFFFB0;
	s29 =	smov.u32 s26;
	s25 =	sadd.s32 $0x32, s26  }
0x76: {  	[tilespmem:s3], [sflag:$0x1] =	stream.linear.gather [hbm4b:s28+s3], $0x50, $0x38;
	[tilespmem:$0x6E0] =	vst v63  }
0x77: {  	p0 =	sne.s32 s26, $0x4B0;
	s26 =	sadd.s32 s24, s10  }
0x78: {  	[tilespmem:s14], [sflag:$0x1] =	stream.linear.gather [hbm4b:s26+s3], $0x50, $0x38;
	[tilespmem:$0x6E0] =	vst v63  }
0x79: {  	s26 =	sadd.s32 s24, s9  }
0x7a: {  	[tilespmem:s15], [sflag:$0x1] =	stream.linear.gather [hbm4b:s26+s3], $0x50, $0x38;
	[tilespmem:$0x6E0] =	vst v63  }
0x7b: {  	s26 =	sadd.s32 s24, s8  }
0x7c: {  	[tilespmem:s16], [sflag:$0x1] =	stream.linear.gather [hbm4b:s26+s3], $0x50, $0x38;
	[tilespmem:$0x6E0] =	vst v63  }
0x7d: {  	s26 =	sadd.s32 s24, s7;
	s24 =	smov.u32 s29  }
0x7e: {  	[tilespmem:s17], [sflag:$0x1] =	stream.linear.gather [hbm4b:s26+s3], $0x50, $0x38;
	[tilespmem:$0x6E0] =	vst v63  }
0x7f: {  	_ =	swait.ge [sflag:s18], $0x50  }
0x80: {  	[sflag:s18] =	ssyncset.done $0x0  }
0x81: {  	[sflag:s18] =	ssyncadd.s32 $0xFFFFFFB0  }
0x82: {  	_ =	swait.ge [sflag:s18], $0x50  }
0x83: {  	[sflag:s18] =	ssyncset.done $0x0  }
0x84: {  	[sflag:s18] =	ssyncadd.s32 $0xFFFFFFB0  }
0x85: {  	_ =	swait.ge [sflag:s18], $0x50  }
0x86: {  	[sflag:s18] =	ssyncset.done $0x0  }
0x87: {  	[sflag:s18] =	ssyncadd.s32 $0xFFFFFFB0  }
0x88: {  	_ =	swait.ge [sflag:s18], $0x50  }
0x89: {  	[sflag:s18] =	ssyncset.done $0x0  }
0x8a: {  	[sflag:s18] =	ssyncadd.s32 $0xFFFFFFB0  }
0x8b: {  	_ =	swait.ge [sflag:s18], $0x50  }
0x8c: {  	[sflag:s18] =	ssyncset.done $0x0  }
0x8d: {  	[sflag:s18] =	ssyncadd.s32 $0xFFFFFFB0  }
0x8e: {  	[spmem:s2] =	stream.indirect.scatter.add.f32 [tilespmem:s19], [sflag:$0x2], $0x1, s3, s14, $0xb8;
	[tilespmem:$0x6E0] =	vst v63  }
0x8f: {  	_ = 	snop  }
0x90: {  	[spmem:s2] =	stream.indirect.scatter.add.f32 [tilespmem:s19], [sflag:$0x2], $0x1, s14, s14, $0xb8;
	[tilespmem:$0x6E0] =	vst v63  }
0x91: {  	_ = 	snop  }
0x92: {  	[spmem:s2] =	stream.indirect.scatter.add.f32 [tilespmem:s19], [sflag:$0x2], $0x1, s15, s14, $0xb8;
	[tilespmem:$0x6E0] =	vst v63  }
0x93: {  	_ = 	snop  }
0x94: {  	[spmem:s2] =	stream.indirect.scatter.add.f32 [tilespmem:s19], [sflag:$0x2], $0x1, s16, s14, $0xb8;
	[tilespmem:$0x6E0] =	vst v63  }
0x95: {  	_ = 	snop  }
0x96: {  	[spmem:s2] =	stream.indirect.scatter.add.f32 [tilespmem:s19], [sflag:$0x2], $0x1, s17, s14, $0xb8;
	[tilespmem:$0x6E0] =	vst v63  }
0x97: {  	_ =	swait.ge [sflag:s20], $0x50  }
0x98: {  	[sflag:s20] =	ssyncset.done $0x0  }
0x99: {  	[sflag:s20] =	ssyncadd.s32 $0xFFFFFFB0  }
0x9a: {  	_ =	swait.ge [sflag:s20], $0x50  }
0x9b: {  	[sflag:s20] =	ssyncset.done $0x0  }
0x9c: {  	[sflag:s20] =	ssyncadd.s32 $0xFFFFFFB0  }
0x9d: {  	_ =	swait.ge [sflag:s20], $0x50  }
0x9e: {  	[sflag:s20] =	ssyncset.done $0x0  }
0x9f: {  	[sflag:s20] =	ssyncadd.s32 $0xFFFFFFB0  }
.Ltmp0:
0xa0: {  	_ =	swait.ge [sflag:s20], $0x50;
	(pc) =	sbr.rel @p0 .LBB2_2-.Ltmp0, $4  }
0xa1: {  	[sflag:s20] =	ssyncset.done $0x0  }
0xa2: {  	[sflag:s20] =	ssyncadd.s32 $0xFFFFFFB0  }
0xa3: {  	_ =	swait.ge [sflag:s20], $0x50  }
0xa4: {  	s26 =	smov.u32 s25;
	[sflag:s20] =	ssyncset.done $0x0  }
0xa5: {  	s25 =	sadd.s32 s24, s11;
	[sflag:s20] =	ssyncadd.s32 $0xFFFFFFB0  }
0xa6: {  	[tilespmem:s3], [sflag:$0x1] =	stream.linear.gather [hbm4b:s25+s3], $0x50, $0x38;
	[tilespmem:$0x6E0] =	vst v63  }
0xa7: {  	s28 =	sadd.s32 s24, s10  }
0xa8: {  	[tilespmem:s14], [sflag:$0x1] =	stream.linear.gather [hbm4b:s28+s3], $0x50, $0x38;
	[tilespmem:$0x6E0] =	vst v63  }
0xa9: {  	s29 =	sadd.s32 s24, s9  }
0xaa: {  	[tilespmem:s15], [sflag:$0x1] =	stream.linear.gather [hbm4b:s29+s3], $0x50, $0x38;
	[tilespmem:$0x6E0] =	vst v63  }
0xab: {  	s30 =	sadd.s32 s24, s8  }
0xac: {  	[tilespmem:s16], [sflag:$0x1] =	stream.linear.gather [hbm4b:s30+s3], $0x50, $0x38;
	[tilespmem:$0x6E0] =	vst v63  }
0xad: {  	s31 =	sadd.s32 s24, s7  }
0xae: {  	[tilespmem:s17], [sflag:$0x1] =	stream.linear.gather [hbm4b:s31+s3], $0x50, $0x38;
	[tilespmem:$0x6E0] =	vst v63  }
0xaf: {  	_ =	swait.ge [sflag:s18], $0x50  }
0xb0: {  	[sflag:s18] =	ssyncset.done $0x0  }
0xb1: {  	[sflag:s18] =	ssyncadd.s32 $0xFFFFFFB0  }
0xb2: {  	_ =	swait.ge [sflag:s18], $0x50  }
0xb3: {  	[sflag:s18] =	ssyncset.done $0x0  }
0xb4: {  	[sflag:s18] =	ssyncadd.s32 $0xFFFFFFB0  }
0xb5: {  	_ =	swait.ge [sflag:s18], $0x50  }
0xb6: {  	[sflag:s18] =	ssyncset.done $0x0  }
0xb7: {  	[sflag:s18] =	ssyncadd.s32 $0xFFFFFFB0  }
0xb8: {  	_ =	swait.ge [sflag:s18], $0x50  }
0xb9: {  	[sflag:s18] =	ssyncset.done $0x0  }
0xba: {  	[sflag:s18] =	ssyncadd.s32 $0xFFFFFFB0  }
0xbb: {  	_ =	swait.ge [sflag:s18], $0x50  }
0xbc: {  	[sflag:s18] =	ssyncset.done $0x0  }
0xbd: {  	[sflag:s18] =	ssyncadd.s32 $0xFFFFFFB0  }
0xbe: {  	[spmem:s2] =	stream.indirect.scatter.add.f32 [tilespmem:s19], [sflag:$0x2], $0x1, s3, s14, $0xb8;
	[tilespmem:$0x6E0] =	vst v63  }
0xbf: {  	_ = 	snop  }
0xc0: {  	[spmem:s2] =	stream.indirect.scatter.add.f32 [tilespmem:s19], [sflag:$0x2], $0x1, s14, s14, $0xb8;
	[tilespmem:$0x6E0] =	vst v63  }
0xc1: {  	_ = 	snop  }
0xc2: {  	[spmem:s2] =	stream.indirect.scatter.add.f32 [tilespmem:s19], [sflag:$0x2], $0x1, s15, s14, $0xb8;
	[tilespmem:$0x6E0] =	vst v63  }
0xc3: {  	_ = 	snop  }
0xc4: {  	[spmem:s2] =	stream.indirect.scatter.add.f32 [tilespmem:s19], [sflag:$0x2], $0x1, s16, s14, $0xb8;
	[tilespmem:$0x6E0] =	vst v63  }
0xc5: {  	_ = 	snop  }
0xc6: {  	[spmem:s2] =	stream.indirect.scatter.add.f32 [tilespmem:s19], [sflag:$0x2], $0x1, s17, s14, $0xb8;
	[tilespmem:$0x6E0] =	vst v63  }
0xc7: {  	_ =	swait.ge [sflag:s20], $0x50  }
0xc8: {  	[sflag:s20] =	ssyncset.done $0x0  }
0xc9: {  	[sflag:s20] =	ssyncadd.s32 $0xFFFFFFB0  }
0xca: {  	_ =	swait.ge [sflag:s20], $0x50  }
0xcb: {  	[sflag:s20] =	ssyncset.done $0x0  }
0xcc: {  	[sflag:s20] =	ssyncadd.s32 $0xFFFFFFB0  }
0xcd: {  	_ =	swait.ge [sflag:s20], $0x50  }
0xce: {  	[sflag:s20] =	ssyncset.done $0x0  }
0xcf: {  	[sflag:s20] =	ssyncadd.s32 $0xFFFFFFB0  }
0xd0: {  	_ =	swait.ge [sflag:s20], $0x50  }
0xd1: {  	[sflag:s20] =	ssyncset.done $0x0  }
0xd2: {  	[sflag:s20] =	ssyncadd.s32 $0xFFFFFFB0  }
0xd3: {  	_ =	swait.ge [sflag:s20], $0x50  }
0xd4: {  	s23 =	sadd.s32 $0x1, s23;
	[sflag:s20] =	ssyncset.done $0x0  }
0xd5: {  	p0 =	sne.s32 s23, s6;
	[sflag:s20] =	ssyncadd.s32 $0xFFFFFFB0  }
.Ltmp1:
0xd6: {  	[bflag:$0x0] =	sbarrier.arrive $0xFFFF;
	(pc) =	sbr.rel @p0 .LBB2_1-.Ltmp1, $4  }
0xd7: {  	[hbm:s5], [sflag:s21] =	dma.local [spmem:s22], $0x50  }
0xd8: {  	_ =	swait.ge [sflag:s13], $0x50  }
0xd9: {  	[sflag:s13] =	ssyncset.done $0x0  }
0xda: {  	[sflag:s13] =	ssyncadd.s32 $0xFFFFFFB0  }
0xdb: {  	_ =	sfence.sel $0x180000  }
0xdc: {  	[bflag:$0x0] =	sbarrier.arrive $0xFFFF  }
0xdd: {  	p0 =	sne.s32 s0, $0x0;
	_ =	strace $0x90000047  }
0xde: {  	s0 =	sadd.s32 @!p0 $0x100000, s1;
	[bflag:$0x2] =	sbarrier.arrive $0xFFFF  }
0xdf: {  	[sflag:s0] =	ssyncadd.tile.s32 @!p0 $0x1;
	_ =	shalt  }
.Lfunc_end2:
_tile_overlayer_lowered:
.L_overlay_start_2:
0xe0: {  	(tag) =	ssettag $0x2  }
0xe1: {  	s0 =	rddreg [dreg:$0x0];
	s2 =	stileid.u32  }
0xe2: {  	s1 =	rddreg [dreg:$0x1];
	p0 =	sne.s32 s2, $0x0  }
0xe3: {  	s3 =	rddreg [dreg:$0x2];
	[bflag:$0x3] =	sbarrier.arrive $0xFFFF;
	s2 =	simm.s32 @!p0 $0x1C03  }
0xe4: {  	[timem:s3], [sflag:s2] =	dma.local @!p0 [hbm:s0], s1  }
0xe5: {  	s0 =	simm.s32 @!p0 $0x3  }
0xe6: {  	_ =	swait.ge @!p0 [sflag:s0], s1  }
0xe7: {  	s1 =	ssub.s32 @!p0 $0x0, s1;
	[sflag:s0] =	ssyncset.done @!p0 $0x0  }
0xe8: {  	[sflag:s0] =	ssyncadd.s32 @!p0 s1  }
0xe9: {  	[bflag:$0x3] =	sbarrier.arrive $0xFFFF  }
0xea: {  	_ =	shalt  }

</sc_bundles>
